<compile_context>
chip_gen: v7x
topology: tpu7x:2x2x1
jax: 0.10.2.dev20260603
libtpu: 0.0.44.dev20260713+nightly
codegen_flags: <defaults>
</compile_context>

<pallas_src>
import functools

import jax
import jax.numpy as jnp
from jax import lax
from jax.experimental import pallas as pl
from jax.experimental.pallas import tpu as pltpu
from jax.experimental.pallas import tpu_sc as plsc

BB = 8
NN = 2048
KNB = 16
EPSV = 1e-5
TN = 512
NBLK = NN // TN
GW = 128


def _tc_knn_body(xt_ref, xf_ref, idx_ref):
    a = xt_ref[...]
    bm = xf_ref[...]
    g = jnp.dot(a, bm, preferred_element_type=jnp.float32)
    xx = jnp.sum(a * a, axis=1, keepdims=True)
    xxt = jnp.sum(bm * bm, axis=0, keepdims=True)
    cur = 2.0 * g - xx - xxt
    iota = lax.broadcasted_iota(jnp.int32, cur.shape, 1)
    cols = []
    for _ in range(KNB):
        amax = jnp.argmax(cur, axis=1)[:, None].astype(jnp.int32)
        cols.append(amax)
        cur = jnp.where(iota == amax, -jnp.inf, cur)
    idx_ref[...] = jnp.concatenate(cols, axis=1)


def _tc_knn(xt, xf, cdim):
    return pl.pallas_call(
        _tc_knn_body,
        grid=(BB, NBLK),
        in_specs=[
            pl.BlockSpec((None, TN, cdim), lambda b, i: (b, i, 0)),
            pl.BlockSpec((None, cdim, NN), lambda b, i: (b, 0, 0)),
        ],
        out_specs=pl.BlockSpec((None, TN, KNB), lambda b, i: (b, i, 0)),
        out_shape=jax.ShapeDtypeStruct((BB, NN, KNB), jnp.int32),
    )(xt, xf)


def _sc_gather():
    pt = 32
    nw = 32
    ppw = (BB * NN) // nw
    nchunk = ppw // pt
    mesh = plsc.VectorSubcoreMesh(core_axis_name="c", subcore_axis_name="s")

    @functools.partial(
        pl.kernel,
        mesh=mesh,
        out_type=jax.ShapeDtypeStruct((BB * NN * KNB, GW), jnp.float32),
        scratch_types=[
            pltpu.VMEM((pt, KNB), jnp.int32),
            pltpu.VMEM((pt * KNB,), jnp.int32),
            pltpu.VMEM((pt * KNB, 128), jnp.float32),
            pltpu.SemaphoreType.DMA,
        ],
    )
    def k(xp, idx, xg_o, idx_v, gidx_v, rows_v, gsem):
        wid = lax.axis_index("s") * 2 + lax.axis_index("c")

        def chunk_body(t, carry):
            base = wid * ppw + t * pt
            bofs = (base // NN) * NN
            pltpu.sync_copy(idx.at[pl.ds(base, pt)], idx_v)
            for g_ in range(pt):
                gidx_v[pl.ds(g_ * KNB, KNB)] = idx_v[g_] + bofs
            cps = [
                pltpu.async_copy(
                    xp.at[gidx_v.at[pl.ds(i * 128, 128)]],
                    rows_v.at[pl.ds(i * 128, 128)], gsem)
                for i in range((pt * KNB) // 128)
            ]
            for cp in cps:
                cp.wait()
            pltpu.sync_copy(rows_v,
                            xg_o.at[pl.ds(base * KNB, pt * KNB)])
            return carry

        lax.fori_loop(0, nchunk, chunk_body, 0)

    return k


def _tc_edge_body(xt_ref, xg_ref, wat_ref, wbt_ref, t_ref, s_ref, q_ref,
                  cdim):
    first = jnp.logical_and(pl.program_id(0) == 0, pl.program_id(1) == 0)
    xn = xt_ref[...]
    xj = xg_ref[...][:, :cdim]
    d3 = xj.reshape(TN, KNB, cdim) - xn[:, None, :]
    yb = jnp.dot(d3.reshape(TN * KNB, cdim), wbt_ref[...],
                 preferred_element_type=jnp.float32)
    ya = jnp.dot(xn, wat_ref[...],
                 preferred_element_type=jnp.float32)
    y3 = yb.reshape(TN, KNB, -1) + ya[:, None, :]
    t_ref[...] = jnp.max(y3, axis=1)
    ps = jnp.sum(jnp.sum(y3, axis=1), axis=0, keepdims=True)
    pq = jnp.sum(jnp.sum(y3 * y3, axis=1), axis=0, keepdims=True)

    @pl.when(first)
    def _():
        s_ref[...] = jnp.zeros_like(s_ref)
        q_ref[...] = jnp.zeros_like(q_ref)

    s_ref[...] += ps
    q_ref[...] += pq


def _tc_edge(xt, xg, wat, wbt, cdim, odim):
    return pl.pallas_call(
        functools.partial(_tc_edge_body, cdim=cdim),
        grid=(BB, NBLK),
        in_specs=[
            pl.BlockSpec((None, TN, cdim), lambda b, i: (b, i, 0)),
            pl.BlockSpec((TN * KNB, GW), lambda b, i: (b * NBLK + i, 0)),
            pl.BlockSpec((cdim, odim), lambda b, i: (0, 0)),
            pl.BlockSpec((cdim, odim), lambda b, i: (0, 0)),
        ],
        out_specs=[
            pl.BlockSpec((TN, odim), lambda b, i: (b * NBLK + i, 0)),
            pl.BlockSpec((1, odim), lambda b, i: (0, 0)),
            pl.BlockSpec((1, odim), lambda b, i: (0, 0)),
        ],
        out_shape=[
            jax.ShapeDtypeStruct((BB * NN, odim), jnp.float32),
            jax.ShapeDtypeStruct((1, odim), jnp.float32),
            jax.ShapeDtypeStruct((1, odim), jnp.float32),
        ],
    )(xt, xg, wat, wbt)


def _tc_bn_body(t_ref, s_ref, q_ref, g_ref, b_ref, out_ref):
    cnt = float(BB * NN * KNB)
    m = s_ref[...] / cnt
    var = q_ref[...] / cnt - m * m
    inv = g_ref[...] * lax.rsqrt(var + EPSV)
    yn = (t_ref[...] - m) * inv + b_ref[...]
    out_ref[...] = jnp.maximum(yn, 0.0)


def _tc_bn(t, s, q, g, b, odim):
    return pl.pallas_call(
        _tc_bn_body,
        out_shape=jax.ShapeDtypeStruct((BB * NN, odim), jnp.float32),
    )(t, s, q, g, b)


def _tc_head_body(x1_ref, x2_ref, x3_ref, wf_ref, bf_ref, out_ref):
    m1 = jnp.max(x1_ref[...], axis=1)
    m2 = jnp.max(x2_ref[...], axis=1)
    m3 = jnp.max(x3_ref[...], axis=1)
    cat = jnp.concatenate([m1, m2, m3], axis=1)
    out_ref[...] = (jnp.dot(cat, wf_ref[...],
                            preferred_element_type=jnp.float32)
                    + bf_ref[...])


def _tc_head(x1, x2, x3, wft, bf):
    return pl.pallas_call(
        _tc_head_body,
        out_shape=jax.ShapeDtypeStruct((BB, 64), jnp.float32),
    )(x1, x2, x3, wft, bf)


def _edge_layer(xt, xf, w, g, b, cdim, odim):
    wat = w[:, :cdim].T
    wbt = w[:, cdim:].T
    idx = _tc_knn(xt, xf, cdim)
    xp = jnp.zeros((BB * NN, 128), jnp.float32).at[:, :cdim].set(
        xt.reshape(BB * NN, cdim))
    xg = _sc_gather()(xp, idx.reshape(BB * NN, KNB))
    t, s, q = _tc_edge(xt, xg, wat, wbt, cdim, odim)
    xout = _tc_bn(t, s, q, g.reshape(1, odim), b.reshape(1, odim), odim)
    return xout.reshape(BB, NN, odim)


def kernel(x, W1, g1, b1, W2, g2, b2, W3, g3, b3, Wf, bf):
    xt1 = x.transpose(0, 2, 1)
    x1 = _edge_layer(xt1, x, W1, g1, b1, 3, 32)
    x2 = _edge_layer(x1, x1.transpose(0, 2, 1), W2, g2, b2, 32, 32)
    x3 = _edge_layer(x2, x2.transpose(0, 2, 1), W3, g3, b3, 32, 64)
    return _tc_head(x1, x2, x3, Wf.T, bf.reshape(1, 64))

# --- scband reference (transcript-rebuilt; emitter-appended) ---
"""Pipeline reference for scband-dgcnn-42958262895007 (READ-ONLY COPY).

The authoritative reference and input builder live on the scoring server;
editing this copy changes nothing except your own understanding.
"""

import jax, jax.numpy as jnp
import numpy as np

K = 16
EPS = 1e-5

def knn(x, k):
    # x: [B, N, C]
    inner = -2.0 * jnp.matmul(x, x.transpose(0, 2, 1))
    xx = jnp.sum(x ** 2, axis=2, keepdims=True)
    pairwise = -xx - inner - xx.transpose(0, 2, 1)
    _, idx = jax.lax.top_k(pairwise, k)
    return idx

def index_points(x, idx):
    # x: [B, N, C], idx: [B, N, k] -> [B, N, k, C]
    return jax.vmap(lambda xi, ii: xi[ii])(x, idx)

def graph_feature(x, k):
    # x: [B, C, N]
    xt = x.transpose(0, 2, 1)  # [B, N, C]
    idx = knn(xt, k)
    nb = index_points(xt, idx)  # [B, N, k, C]
    xe = jnp.broadcast_to(xt[:, :, None, :], nb.shape)
    ef = jnp.concatenate([xe, nb - xe], axis=-1)  # [B, N, k, 2C]
    return ef.transpose(0, 3, 1, 2)  # [B, 2C, N, k]

def conv_bn_lrelu(x, W, g, b):
    # 1x1 conv: W [O, Cin], x [B, Cin, N, k]
    y = jnp.einsum('oc,bcnk->bonk', W, x)
    m = jnp.mean(y, axis=(0, 2, 3), keepdims=True)
    v = jnp.var(y, axis=(0, 2, 3), keepdims=True)  # biased var (training-mode BN)
    yn = (y - m) / jnp.sqrt(v + EPS)
    yn = yn * g[None, :, None, None] + b[None, :, None, None]
    return jnp.where(yn >= 0, yn, 0.2 * yn)

def setup_inputs(seed: int = 0):
    key = jax.random.key(seed)
    ks = jax.random.split(key, 6)
    x = jax.random.normal(ks[0], (8, 3, 2048), dtype=jnp.float32)
    W1 = jax.random.normal(ks[1], (32, 6), dtype=jnp.float32) * 0.1
    W2 = jax.random.normal(ks[2], (32, 64), dtype=jnp.float32) * 0.05
    W3 = jax.random.normal(ks[3], (64, 64), dtype=jnp.float32) * 0.05
    Wf = jax.random.normal(ks[4], (64, 128), dtype=jnp.float32) * 0.05
    bf = jnp.zeros((64,), dtype=jnp.float32)
    g1 = jnp.ones((32,), jnp.float32); b1 = jnp.zeros((32,), jnp.float32)
    g2 = jnp.ones((32,), jnp.float32); b2 = jnp.zeros((32,), jnp.float32)
    g3 = jnp.ones((64,), jnp.float32); b3 = jnp.zeros((64,), jnp.float32)
    return {"x": x, "W1": W1, "g1": g1, "b1": b1, "W2": W2, "g2": g2, "b2": b2,
            "W3": W3, "g3": g3, "b3": b3, "Wf": Wf, "bf": bf}

def reference(x, W1, g1, b1, W2, g2, b2, W3, g3, b3, Wf, bf):
    x1 = jnp.maximum(conv_bn_lrelu(graph_feature(x, K), W1, g1, b1), 0.0).max(axis=-1)
    x2 = jnp.maximum(conv_bn_lrelu(graph_feature(x1, K), W2, g2, b2), 0.0).max(axis=-1)
    x3 = jnp.maximum(conv_bn_lrelu(graph_feature(x2, K), W3, g3, b3), 0.0).max(axis=-1)
    x_cat = jnp.concatenate((x1, x2, x3), axis=1)  # [B, 128, N]
    x_global = x_cat.max(axis=-1)  # [B, 128]
    return x_global @ Wf.T + bf

if __name__ == "__main__":
    import jax
    _d = setup_inputs()
    print(jax.jit(kernel)(*tuple(_d.values())))

</pallas_src>

<mosaic_0001>
#map = affine_map<(d0, d1) -> (0, 0)>
module attributes {stable_mosaic.version = 14 : i64} {
  func.func @k(%arg0: i32, %arg1: i32, %arg2: memref<16384x128xf32, #tpu.memory_space<hbm>>, %arg3: memref<16384x16xi32, #tpu.memory_space<hbm>>, %arg4: memref<262144x128xf32, #tpu.memory_space<hbm>>, %arg5: memref<32x16xi32, #tpu.memory_space<vmem>>, %arg6: memref<512xi32, #tpu.memory_space<vmem>>, %arg7: memref<512x128xf32, #tpu.memory_space<vmem>>, %arg8: memref<!tpu.dma_semaphore, #tpu.memory_space<semaphore_mem>>) attributes {dimension_semantics = [#tpu.dimension_semantics<core_parallel>, #tpu.dimension_semantics<subcore_parallel>], iteration_bounds = array<i64: 2, 16>, scalar_prefetch = 0 : i64, scratch_operands = 4 : i64, tpu.core_type = #tpu.core_type<sc_vector_subcore>, window_params = [{transform_indices = #map}, {transform_indices = #map}, {transform_indices = #map}]} {
    %mul3A = arith.constant 2 : i32
    %mul3A_0 = arith.muli %arg1, %mul3A : i32
    %add3A = arith.addi %mul3A_0, %arg0 : i32
    %scan3A = arith.constant 0 : i32
    %scan3A_1 = arith.constant 0 : i32
    %scan3A_2 = arith.constant 16 : i32
    %scan3A_3 = arith.addi %scan3A_1, %scan3A_2 : i32
    %scan3A_4 = arith.constant 1 : i32
    scf.for %scan3A_6 = %scan3A_1 to %scan3A_3 step %scan3A_4  : i32 {
      %mul3A_7 = arith.constant 512 : i32
      %mul3A_8 = arith.muli %add3A, %mul3A_7 : i32
      %mul3A_9 = arith.constant 32 : i32
      %mul3A_10 = arith.muli %scan3A_6, %mul3A_9 : i32
      %add3A_11 = arith.addi %mul3A_8, %mul3A_10 : i32
      %jit3A = arith.constant 2048 : i32
      %div3A = arith.divsi %add3A_11, %jit3A : i32
      %sign3A = arith.constant 0 : i32
      %sign3A_12 = arith.cmpi sgt, %add3A_11, %sign3A : i32
      %sign3A_13 = arith.extui %sign3A_12 : i1 to i32
      %sign3A_14 = arith.constant 0 : i32
      %sign3A_15 = arith.cmpi slt, %add3A_11, %sign3A_14 : i32
      %sign3A_16 = arith.extui %sign3A_15 : i1 to i32
      %sign3A_17 = arith.subi %sign3A_13, %sign3A_16 : i32
      %sign3A_18 = arith.constant 0 : i32
      %sign3A_19 = arith.cmpi sgt, %jit3A, %sign3A_18 : i32
      %sign3A_20 = arith.extui %sign3A_19 : i1 to i32
      %sign3A_21 = arith.constant 0 : i32
      %sign3A_22 = arith.cmpi slt, %jit3A, %sign3A_21 : i32
      %sign3A_23 = arith.extui %sign3A_22 : i1 to i32
      %sign3A_24 = arith.subi %sign3A_20, %sign3A_23 : i32
      %ne3A = arith.cmpi ne, %sign3A_17, %sign3A_24 : i32
      %rem3A = arith.remsi %add3A_11, %jit3A : i32
      %ne3A_25 = arith.constant 0 : i32
      %ne3A_26 = arith.cmpi ne, %rem3A, %ne3A_25 : i32
      %and3A = arith.andi %ne3A, %ne3A_26 : i1
      %sub3A = arith.constant 1 : i32
      %sub3A_27 = arith.subi %div3A, %sub3A : i32
      %select_n3A = arith.select %and3A, %sub3A_27, %div3A : i32
      %mul3A_28 = arith.constant 2048 : i32
      %mul3A_29 = arith.muli %select_n3A, %mul3A_28 : i32
      "tpu.region"() ({
        %run_scoped3A = tpu.sem_alloc : memref<!tpu.dma_semaphore, #tpu.memory_space<semaphore_mem>>
        %dma_start3A_444 = arith.constant 0 : i32
        %dma_start3A_445 = tpu.memref_slice %arg3[%add3A_11, %dma_start3A_444] : memref<16384x16xi32, #tpu.memory_space<hbm>> -> memref<32x16xi32, #tpu.memory_space<hbm>>
        %dma_start3A_446 = arith.constant 0 : i32
        %dma_start3A_447 = tpu.memref_slice %arg3[%add3A_11, %dma_start3A_446] : memref<16384x16xi32, #tpu.memory_space<hbm>> -> memref<32x16xi32, #tpu.memory_space<hbm>>
        tpu.enqueue_dma source(%dma_start3A_447 : memref<32x16xi32, #tpu.memory_space<hbm>>) target(%arg5 : memref<32x16xi32, #tpu.memory_space<vmem>>) target_semaphore(%run_scoped3A : memref<!tpu.dma_semaphore, #tpu.memory_space<semaphore_mem>>)
        %dma_wait3A_448 = arith.constant 0 : i32
        %dma_wait3A_449 = tpu.memref_slice %arg3[%add3A_11, %dma_wait3A_448] : memref<16384x16xi32, #tpu.memory_space<hbm>> -> memref<32x16xi32, #tpu.memory_space<hbm>>
        %dma_wait3A_450 = arith.constant 0 : i32
        %dma_wait3A_451 = tpu.memref_slice %arg3[%add3A_11, %dma_wait3A_450] : memref<16384x16xi32, #tpu.memory_space<hbm>> -> memref<32x16xi32, #tpu.memory_space<hbm>>
        tpu.wait_dma2 semaphore(%run_scoped3A : memref<!tpu.dma_semaphore, #tpu.memory_space<semaphore_mem>>) src(%dma_wait3A_451 : memref<32x16xi32, #tpu.memory_space<hbm>>) dst(%arg5 : memref<32x16xi32, #tpu.memory_space<vmem>>)
        tpu.yield
      }) : () -> ()
      %get3A = arith.constant 0 : i32
      %get3A_30 = arith.index_cast %get3A : i32 to index
      %get3A_31 = arith.constant 0 : index
      %get3A_32 = tpu.vector_load %arg5[%get3A_30, %get3A_31] {strides = array<i32>} : memref<32x16xi32, #tpu.memory_space<vmem>>, vector<1x16xi32>,
      %get3A_33 = vector.shape_cast %get3A_32 : vector<1x16xi32> to vector<16xi32>
      %add3A_34 = vector.broadcast %mul3A_29 : i32 to vector<16xi32>
      %add3A_35 = arith.addi %get3A_33, %add3A_34 : vector<16xi32>
      %swap3A = arith.constant 0 : index
      %swap3A_36 = tpu.vector_load %arg6[%swap3A] {strides = array<i32>} : memref<512xi32, #tpu.memory_space<vmem>>, vector<16xi32>,
      %swap3A_37 = vector.shape_cast %swap3A_36 : vector<16xi32> to vector<16xi32>
      %swap3A_38 = vector.shape_cast %add3A_35 : vector<16xi32> to vector<16xi32>
      tpu.vector_store %arg6[%swap3A], %swap3A_38 {strides = array<i32>} : memref<512xi32, #tpu.memory_space<vmem>>, vector<16xi32>,
      %get3A_39 = arith.constant 1 : i32
      %get3A_40 = arith.index_cast %get3A_39 : i32 to index
      %get3A_41 = arith.constant 0 : index
      %get3A_42 = tpu.vector_load %arg5[%get3A_40, %get3A_41] {strides = array<i32>} : memref<32x16xi32, #tpu.memory_space<vmem>>, vector<1x16xi32>,
      %get3A_43 = vector.shape_cast %get3A_42 : vector<1x16xi32> to vector<16xi32>
      %add3A_44 = vector.broadcast %mul3A_29 : i32 to vector<16xi32>
      %add3A_45 = arith.addi %get3A_43, %add3A_44 : vector<16xi32>
      %swap3A_46 = arith.constant 16 : index
      %swap3A_47 = tpu.vector_load %arg6[%swap3A_46] {strides = array<i32>} : memref<512xi32, #tpu.memory_space<vmem>>, vector<16xi32>,
      %swap3A_48 = vector.shape_cast %swap3A_47 : vector<16xi32> to vector<16xi32>
      %swap3A_49 = vector.shape_cast %add3A_45 : vector<16xi32> to vector<16xi32>
      tpu.vector_store %arg6[%swap3A_46], %swap3A_49 {strides = array<i32>} : memref<512xi32, #tpu.memory_space<vmem>>, vector<16xi32>,
      %get3A_50 = arith.constant 2 : i32
      %get3A_51 = arith.index_cast %get3A_50 : i32 to index
      %get3A_52 = arith.constant 0 : index
      %get3A_53 = tpu.vector_load %arg5[%get3A_51, %get3A_52] {strides = array<i32>} : memref<32x16xi32, #tpu.memory_space<vmem>>, vector<1x16xi32>,
      %get3A_54 = vector.shape_cast %get3A_53 : vector<1x16xi32> to vector<16xi32>
      %add3A_55 = vector.broadcast %mul3A_29 : i32 to vector<16xi32>
      %add3A_56 = arith.addi %get3A_54, %add3A_55 : vector<16xi32>
      %swap3A_57 = arith.constant 32 : index
      %swap3A_58 = tpu.vector_load %arg6[%swap3A_57] {strides = array<i32>} : memref<512xi32, #tpu.memory_space<vmem>>, vector<16xi32>,
      %swap3A_59 = vector.shape_cast %swap3A_58 : vector<16xi32> to vector<16xi32>
      %swap3A_60 = vector.shape_cast %add3A_56 : vector<16xi32> to vector<16xi32>
      tpu.vector_store %arg6[%swap3A_57], %swap3A_60 {strides = array<i32>} : memref<512xi32, #tpu.memory_space<vmem>>, vector<16xi32>,
      %get3A_61 = arith.constant 3 : i32
      %get3A_62 = arith.index_cast %get3A_61 : i32 to index
      %get3A_63 = arith.constant 0 : index
      %get3A_64 = tpu.vector_load %arg5[%get3A_62, %get3A_63] {strides = array<i32>} : memref<32x16xi32, #tpu.memory_space<vmem>>, vector<1x16xi32>,
      %get3A_65 = vector.shape_cast %get3A_64 : vector<1x16xi32> to vector<16xi32>
      %add3A_66 = vector.broadcast %mul3A_29 : i32 to vector<16xi32>
      %add3A_67 = arith.addi %get3A_65, %add3A_66 : vector<16xi32>
      %swap3A_68 = arith.constant 48 : index
      %swap3A_69 = tpu.vector_load %arg6[%swap3A_68] {strides = array<i32>} : memref<512xi32, #tpu.memory_space<vmem>>, vector<16xi32>,
      %swap3A_70 = vector.shape_cast %swap3A_69 : vector<16xi32> to vector<16xi32>
      %swap3A_71 = vector.shape_cast %add3A_67 : vector<16xi32> to vector<16xi32>
      tpu.vector_store %arg6[%swap3A_68], %swap3A_71 {strides = array<i32>} : memref<512xi32, #tpu.memory_space<vmem>>, vector<16xi32>,
      %get3A_72 = arith.constant 4 : i32
      %get3A_73 = arith.index_cast %get3A_72 : i32 to index
      %get3A_74 = arith.constant 0 : index
      %get3A_75 = tpu.vector_load %arg5[%get3A_73, %get3A_74] {strides = array<i32>} : memref<32x16xi32, #tpu.memory_space<vmem>>, vector<1x16xi32>,
      %get3A_76 = vector.shape_cast %get3A_75 : vector<1x16xi32> to vector<16xi32>
      %add3A_77 = vector.broadcast %mul3A_29 : i32 to vector<16xi32>
      %add3A_78 = arith.addi %get3A_76, %add3A_77 : vector<16xi32>
      %swap3A_79 = arith.constant 64 : index
      %swap3A_80 = tpu.vector_load %arg6[%swap3A_79] {strides = array<i32>} : memref<512xi32, #tpu.memory_space<vmem>>, vector<16xi32>,
      %swap3A_81 = vector.shape_cast %swap3A_80 : vector<16xi32> to vector<16xi32>
      %swap3A_82 = vector.shape_cast %add3A_78 : vector<16xi32> to vector<16xi32>
      tpu.vector_store %arg6[%swap3A_79], %swap3A_82 {strides = array<i32>} : memref<512xi32, #tpu.memory_space<vmem>>, vector<16xi32>,
      %get3A_83 = arith.constant 5 : i32
      %get3A_84 = arith.index_cast %get3A_83 : i32 to index
      %get3A_85 = arith.constant 0 : index
      %get3A_86 = tpu.vector_load %arg5[%get3A_84, %get3A_85] {strides = array<i32>} : memref<32x16xi32, #tpu.memory_space<vmem>>, vector<1x16xi32>,
      %get3A_87 = vector.shape_cast %get3A_86 : vector<1x16xi32> to vector<16xi32>
      %add3A_88 = vector.broadcast %mul3A_29 : i32 to vector<16xi32>
      %add3A_89 = arith.addi %get3A_87, %add3A_88 : vector<16xi32>
      %swap3A_90 = arith.constant 80 : index
      %swap3A_91 = tpu.vector_load %arg6[%swap3A_90] {strides = array<i32>} : memref<512xi32, #tpu.memory_space<vmem>>, vector<16xi32>,
      %swap3A_92 = vector.shape_cast %swap3A_91 : vector<16xi32> to vector<16xi32>
      %swap3A_93 = vector.shape_cast %add3A_89 : vector<16xi32> to vector<16xi32>
      tpu.vector_store %arg6[%swap3A_90], %swap3A_93 {strides = array<i32>} : memref<512xi32, #tpu.memory_space<vmem>>, vector<16xi32>,
      %get3A_94 = arith.constant 6 : i32
      %get3A_95 = arith.index_cast %get3A_94 : i32 to index
      %get3A_96 = arith.constant 0 : index
      %get3A_97 = tpu.vector_load %arg5[%get3A_95, %get3A_96] {strides = array<i32>} : memref<32x16xi32, #tpu.memory_space<vmem>>, vector<1x16xi32>,
      %get3A_98 = vector.shape_cast %get3A_97 : vector<1x16xi32> to vector<16xi32>
      %add3A_99 = vector.broadcast %mul3A_29 : i32 to vector<16xi32>
      %add3A_100 = arith.addi %get3A_98, %add3A_99 : vector<16xi32>
      %swap3A_101 = arith.constant 96 : index
      %swap3A_102 = tpu.vector_load %arg6[%swap3A_101] {strides = array<i32>} : memref<512xi32, #tpu.memory_space<vmem>>, vector<16xi32>,
      %swap3A_103 = vector.shape_cast %swap3A_102 : vector<16xi32> to vector<16xi32>
      %swap3A_104 = vector.shape_cast %add3A_100 : vector<16xi32> to vector<16xi32>
      tpu.vector_store %arg6[%swap3A_101], %swap3A_104 {strides = array<i32>} : memref<512xi32, #tpu.memory_space<vmem>>, vector<16xi32>,
      %get3A_105 = arith.constant 7 : i32
      %get3A_106 = arith.index_cast %get3A_105 : i32 to index
      %get3A_107 = arith.constant 0 : index
      %get3A_108 = tpu.vector_load %arg5[%get3A_106, %get3A_107] {strides = array<i32>} : memref<32x16xi32, #tpu.memory_space<vmem>>, vector<1x16xi32>,
      %get3A_109 = vector.shape_cast %get3A_108 : vector<1x16xi32> to vector<16xi32>
      %add3A_110 = vector.broadcast %mul3A_29 : i32 to vector<16xi32>
      %add3A_111 = arith.addi %get3A_109, %add3A_110 : vector<16xi32>
      %swap3A_112 = arith.constant 112 : index
      %swap3A_113 = tpu.vector_load %arg6[%swap3A_112] {strides = array<i32>} : memref<512xi32, #tpu.memory_space<vmem>>, vector<16xi32>,
      %swap3A_114 = vector.shape_cast %swap3A_113 : vector<16xi32> to vector<16xi32>
      %swap3A_115 = vector.shape_cast %add3A_111 : vector<16xi32> to vector<16xi32>
      tpu.vector_store %arg6[%swap3A_112], %swap3A_115 {strides = array<i32>} : memref<512xi32, #tpu.memory_space<vmem>>, vector<16xi32>,
      %get3A_116 = arith.constant 8 : i32
      %get3A_117 = arith.index_cast %get3A_116 : i32 to index
      %get3A_118 = arith.constant 0 : index
      %get3A_119 = tpu.vector_load %arg5[%get3A_117, %get3A_118] {strides = array<i32>} : memref<32x16xi32, #tpu.memory_space<vmem>>, vector<1x16xi32>,
      %get3A_120 = vector.shape_cast %get3A_119 : vector<1x16xi32> to vector<16xi32>
      %add3A_121 = vector.broadcast %mul3A_29 : i32 to vector<16xi32>
      %add3A_122 = arith.addi %get3A_120, %add3A_121 : vector<16xi32>
      %swap3A_123 = arith.constant 128 : index
      %swap3A_124 = tpu.vector_load %arg6[%swap3A_123] {strides = array<i32>} : memref<512xi32, #tpu.memory_space<vmem>>, vector<16xi32>,
      %swap3A_125 = vector.shape_cast %swap3A_124 : vector<16xi32> to vector<16xi32>
      %swap3A_126 = vector.shape_cast %add3A_122 : vector<16xi32> to vector<16xi32>
      tpu.vector_store %arg6[%swap3A_123], %swap3A_126 {strides = array<i32>} : memref<512xi32, #tpu.memory_space<vmem>>, vector<16xi32>,
      %get3A_127 = arith.constant 9 : i32
      %get3A_128 = arith.index_cast %get3A_127 : i32 to index
      %get3A_129 = arith.constant 0 : index
      %get3A_130 = tpu.vector_load %arg5[%get3A_128, %get3A_129] {strides = array<i32>} : memref<32x16xi32, #tpu.memory_space<vmem>>, vector<1x16xi32>,
      %get3A_131 = vector.shape_cast %get3A_130 : vector<1x16xi32> to vector<16xi32>
      %add3A_132 = vector.broadcast %mul3A_29 : i32 to vector<16xi32>
      %add3A_133 = arith.addi %get3A_131, %add3A_132 : vector<16xi32>
      %swap3A_134 = arith.constant 144 : index
      %swap3A_135 = tpu.vector_load %arg6[%swap3A_134] {strides = array<i32>} : memref<512xi32, #tpu.memory_space<vmem>>, vector<16xi32>,
      %swap3A_136 = vector.shape_cast %swap3A_135 : vector<16xi32> to vector<16xi32>
      %swap3A_137 = vector.shape_cast %add3A_133 : vector<16xi32> to vector<16xi32>
      tpu.vector_store %arg6[%swap3A_134], %swap3A_137 {strides = array<i32>} : memref<512xi32, #tpu.memory_space<vmem>>, vector<16xi32>,
      %get3A_138 = arith.constant 10 : i32
      %get3A_139 = arith.index_cast %get3A_138 : i32 to index
      %get3A_140 = arith.constant 0 : index
      %get3A_141 = tpu.vector_load %arg5[%get3A_139, %get3A_140] {strides = array<i32>} : memref<32x16xi32, #tpu.memory_space<vmem>>, vector<1x16xi32>,
      %get3A_142 = vector.shape_cast %get3A_141 : vector<1x16xi32> to vector<16xi32>
      %add3A_143 = vector.broadcast %mul3A_29 : i32 to vector<16xi32>
      %add3A_144 = arith.addi %get3A_142, %add3A_143 : vector<16xi32>
      %swap3A_145 = arith.constant 160 : index
      %swap3A_146 = tpu.vector_load %arg6[%swap3A_145] {strides = array<i32>} : memref<512xi32, #tpu.memory_space<vmem>>, vector<16xi32>,
      %swap3A_147 = vector.shape_cast %swap3A_146 : vector<16xi32> to vector<16xi32>
      %swap3A_148 = vector.shape_cast %add3A_144 : vector<16xi32> to vector<16xi32>
      tpu.vector_store %arg6[%swap3A_145], %swap3A_148 {strides = array<i32>} : memref<512xi32, #tpu.memory_space<vmem>>, vector<16xi32>,
      %get3A_149 = arith.constant 11 : i32
      %get3A_150 = arith.index_cast %get3A_149 : i32 to index
      %get3A_151 = arith.constant 0 : index
      %get3A_152 = tpu.vector_load %arg5[%get3A_150, %get3A_151] {strides = array<i32>} : memref<32x16xi32, #tpu.memory_space<vmem>>, vector<1x16xi32>,
      %get3A_153 = vector.shape_cast %get3A_152 : vector<1x16xi32> to vector<16xi32>
      %add3A_154 = vector.broadcast %mul3A_29 : i32 to vector<16xi32>
      %add3A_155 = arith.addi %get3A_153, %add3A_154 : vector<16xi32>
      %swap3A_156 = arith.constant 176 : index
      %swap3A_157 = tpu.vector_load %arg6[%swap3A_156] {strides = array<i32>} : memref<512xi32, #tpu.memory_space<vmem>>, vector<16xi32>,
      %swap3A_158 = vector.shape_cast %swap3A_157 : vector<16xi32> to vector<16xi32>
      %swap3A_159 = vector.shape_cast %add3A_155 : vector<16xi32> to vector<16xi32>
      tpu.vector_store %arg6[%swap3A_156], %swap3A_159 {strides = array<i32>} : memref<512xi32, #tpu.memory_space<vmem>>, vector<16xi32>,
      %get3A_160 = arith.constant 12 : i32
      %get3A_161 = arith.index_cast %get3A_160 : i32 to index
      %get3A_162 = arith.constant 0 : index
      %get3A_163 = tpu.vector_load %arg5[%get3A_161, %get3A_162] {strides = array<i32>} : memref<32x16xi32, #tpu.memory_space<vmem>>, vector<1x16xi32>,
      %get3A_164 = vector.shape_cast %get3A_163 : vector<1x16xi32> to vector<16xi32>
      %add3A_165 = vector.broadcast %mul3A_29 : i32 to vector<16xi32>
      %add3A_166 = arith.addi %get3A_164, %add3A_165 : vector<16xi32>
      %swap3A_167 = arith.constant 192 : index
      %swap3A_168 = tpu.vector_load %arg6[%swap3A_167] {strides = array<i32>} : memref<512xi32, #tpu.memory_space<vmem>>, vector<16xi32>,
      %swap3A_169 = vector.shape_cast %swap3A_168 : vector<16xi32> to vector<16xi32>
      %swap3A_170 = vector.shape_cast %add3A_166 : vector<16xi32> to vector<16xi32>
      tpu.vector_store %arg6[%swap3A_167], %swap3A_170 {strides = array<i32>} : memref<512xi32, #tpu.memory_space<vmem>>, vector<16xi32>,
      %get3A_171 = arith.constant 13 : i32
      %get3A_172 = arith.index_cast %get3A_171 : i32 to index
      %get3A_173 = arith.constant 0 : index
      %get3A_174 = tpu.vector_load %arg5[%get3A_172, %get3A_173] {strides = array<i32>} : memref<32x16xi32, #tpu.memory_space<vmem>>, vector<1x16xi32>,
      %get3A_175 = vector.shape_cast %get3A_174 : vector<1x16xi32> to vector<16xi32>
      %add3A_176 = vector.broadcast %mul3A_29 : i32 to vector<16xi32>
      %add3A_177 = arith.addi %get3A_175, %add3A_176 : vector<16xi32>
      %swap3A_178 = arith.constant 208 : index
      %swap3A_179 = tpu.vector_load %arg6[%swap3A_178] {strides = array<i32>} : memref<512xi32, #tpu.memory_space<vmem>>, vector<16xi32>,
      %swap3A_180 = vector.shape_cast %swap3A_179 : vector<16xi32> to vector<16xi32>
      %swap3A_181 = vector.shape_cast %add3A_177 : vector<16xi32> to vector<16xi32>
      tpu.vector_store %arg6[%swap3A_178], %swap3A_181 {strides = array<i32>} : memref<512xi32, #tpu.memory_space<vmem>>, vector<16xi32>,
      %get3A_182 = arith.constant 14 : i32
      %get3A_183 = arith.index_cast %get3A_182 : i32 to index
      %get3A_184 = arith.constant 0 : index
      %get3A_185 = tpu.vector_load %arg5[%get3A_183, %get3A_184] {strides = array<i32>} : memref<32x16xi32, #tpu.memory_space<vmem>>, vector<1x16xi32>,
      %get3A_186 = vector.shape_cast %get3A_185 : vector<1x16xi32> to vector<16xi32>
      %add3A_187 = vector.broadcast %mul3A_29 : i32 to vector<16xi32>
      %add3A_188 = arith.addi %get3A_186, %add3A_187 : vector<16xi32>
      %swap3A_189 = arith.constant 224 : index
      %swap3A_190 = tpu.vector_load %arg6[%swap3A_189] {strides = array<i32>} : memref<512xi32, #tpu.memory_space<vmem>>, vector<16xi32>,
      %swap3A_191 = vector.shape_cast %swap3A_190 : vector<16xi32> to vector<16xi32>
      %swap3A_192 = vector.shape_cast %add3A_188 : vector<16xi32> to vector<16xi32>
      tpu.vector_store %arg6[%swap3A_189], %swap3A_192 {strides = array<i32>} : memref<512xi32, #tpu.memory_space<vmem>>, vector<16xi32>,
      %get3A_193 = arith.constant 15 : i32
      %get3A_194 = arith.index_cast %get3A_193 : i32 to index
      %get3A_195 = arith.constant 0 : index
      %get3A_196 = tpu.vector_load %arg5[%get3A_194, %get3A_195] {strides = array<i32>} : memref<32x16xi32, #tpu.memory_space<vmem>>, vector<1x16xi32>,
      %get3A_197 = vector.shape_cast %get3A_196 : vector<1x16xi32> to vector<16xi32>
      %add3A_198 = vector.broadcast %mul3A_29 : i32 to vector<16xi32>
      %add3A_199 = arith.addi %get3A_197, %add3A_198 : vector<16xi32>
      %swap3A_200 = arith.constant 240 : index
      %swap3A_201 = tpu.vector_load %arg6[%swap3A_200] {strides = array<i32>} : memref<512xi32, #tpu.memory_space<vmem>>, vector<16xi32>,
      %swap3A_202 = vector.shape_cast %swap3A_201 : vector<16xi32> to vector<16xi32>
      %swap3A_203 = vector.shape_cast %add3A_199 : vector<16xi32> to vector<16xi32>
      tpu.vector_store %arg6[%swap3A_200], %swap3A_203 {strides = array<i32>} : memref<512xi32, #tpu.memory_space<vmem>>, vector<16xi32>,
      %get3A_204 = arith.constant 16 : i32
      %get3A_205 = arith.index_cast %get3A_204 : i32 to index
      %get3A_206 = arith.constant 0 : index
      %get3A_207 = tpu.vector_load %arg5[%get3A_205, %get3A_206] {strides = array<i32>} : memref<32x16xi32, #tpu.memory_space<vmem>>, vector<1x16xi32>,
      %get3A_208 = vector.shape_cast %get3A_207 : vector<1x16xi32> to vector<16xi32>
      %add3A_209 = vector.broadcast %mul3A_29 : i32 to vector<16xi32>
      %add3A_210 = arith.addi %get3A_208, %add3A_209 : vector<16xi32>
      %swap3A_211 = arith.constant 256 : index
      %swap3A_212 = tpu.vector_load %arg6[%swap3A_211] {strides = array<i32>} : memref<512xi32, #tpu.memory_space<vmem>>, vector<16xi32>,
      %swap3A_213 = vector.shape_cast %swap3A_212 : vector<16xi32> to vector<16xi32>
      %swap3A_214 = vector.shape_cast %add3A_210 : vector<16xi32> to vector<16xi32>
      tpu.vector_store %arg6[%swap3A_211], %swap3A_214 {strides = array<i32>} : memref<512xi32, #tpu.memory_space<vmem>>, vector<16xi32>,
      %get3A_215 = arith.constant 17 : i32
      %get3A_216 = arith.index_cast %get3A_215 : i32 to index
      %get3A_217 = arith.constant 0 : index
      %get3A_218 = tpu.vector_load %arg5[%get3A_216, %get3A_217] {strides = array<i32>} : memref<32x16xi32, #tpu.memory_space<vmem>>, vector<1x16xi32>,
      %get3A_219 = vector.shape_cast %get3A_218 : vector<1x16xi32> to vector<16xi32>
      %add3A_220 = vector.broadcast %mul3A_29 : i32 to vector<16xi32>
      %add3A_221 = arith.addi %get3A_219, %add3A_220 : vector<16xi32>
      %swap3A_222 = arith.constant 272 : index
      %swap3A_223 = tpu.vector_load %arg6[%swap3A_222] {strides = array<i32>} : memref<512xi32, #tpu.memory_space<vmem>>, vector<16xi32>,
      %swap3A_224 = vector.shape_cast %swap3A_223 : vector<16xi32> to vector<16xi32>
      %swap3A_225 = vector.shape_cast %add3A_221 : vector<16xi32> to vector<16xi32>
      tpu.vector_store %arg6[%swap3A_222], %swap3A_225 {strides = array<i32>} : memref<512xi32, #tpu.memory_space<vmem>>, vector<16xi32>,
      %get3A_226 = arith.constant 18 : i32
      %get3A_227 = arith.index_cast %get3A_226 : i32 to index
      %get3A_228 = arith.constant 0 : index
      %get3A_229 = tpu.vector_load %arg5[%get3A_227, %get3A_228] {strides = array<i32>} : memref<32x16xi32, #tpu.memory_space<vmem>>, vector<1x16xi32>,
      %get3A_230 = vector.shape_cast %get3A_229 : vector<1x16xi32> to vector<16xi32>
      %add3A_231 = vector.broadcast %mul3A_29 : i32 to vector<16xi32>
      %add3A_232 = arith.addi %get3A_230, %add3A_231 : vector<16xi32>
      %swap3A_233 = arith.constant 288 : index
      %swap3A_234 = tpu.vector_load %arg6[%swap3A_233] {strides = array<i32>} : memref<512xi32, #tpu.memory_space<vmem>>, vector<16xi32>,
      %swap3A_235 = vector.shape_cast %swap3A_234 : vector<16xi32> to vector<16xi32>
      %swap3A_236 = vector.shape_cast %add3A_232 : vector<16xi32> to vector<16xi32>
      tpu.vector_store %arg6[%swap3A_233], %swap3A_236 {strides = array<i32>} : memref<512xi32, #tpu.memory_space<vmem>>, vector<16xi32>,
      %get3A_237 = arith.constant 19 : i32
      %get3A_238 = arith.index_cast %get3A_237 : i32 to index
      %get3A_239 = arith.constant 0 : index
      %get3A_240 = tpu.vector_load %arg5[%get3A_238, %get3A_239] {strides = array<i32>} : memref<32x16xi32, #tpu.memory_space<vmem>>, vector<1x16xi32>,
      %get3A_241 = vector.shape_cast %get3A_240 : vector<1x16xi32> to vector<16xi32>
      %add3A_242 = vector.broadcast %mul3A_29 : i32 to vector<16xi32>
      %add3A_243 = arith.addi %get3A_241, %add3A_242 : vector<16xi32>
      %swap3A_244 = arith.constant 304 : index
      %swap3A_245 = tpu.vector_load %arg6[%swap3A_244] {strides = array<i32>} : memref<512xi32, #tpu.memory_space<vmem>>, vector<16xi32>,
      %swap3A_246 = vector.shape_cast %swap3A_245 : vector<16xi32> to vector<16xi32>
      %swap3A_247 = vector.shape_cast %add3A_243 : vector<16xi32> to vector<16xi32>
      tpu.vector_store %arg6[%swap3A_244], %swap3A_247 {strides = array<i32>} : memref<512xi32, #tpu.memory_space<vmem>>, vector<16xi32>,
      %get3A_248 = arith.constant 20 : i32
      %get3A_249 = arith.index_cast %get3A_248 : i32 to index
      %get3A_250 = arith.constant 0 : index
      %get3A_251 = tpu.vector_load %arg5[%get3A_249, %get3A_250] {strides = array<i32>} : memref<32x16xi32, #tpu.memory_space<vmem>>, vector<1x16xi32>,
      %get3A_252 = vector.shape_cast %get3A_251 : vector<1x16xi32> to vector<16xi32>
      %add3A_253 = vector.broadcast %mul3A_29 : i32 to vector<16xi32>
      %add3A_254 = arith.addi %get3A_252, %add3A_253 : vector<16xi32>
      %swap3A_255 = arith.constant 320 : index
      %swap3A_256 = tpu.vector_load %arg6[%swap3A_255] {strides = array<i32>} : memref<512xi32, #tpu.memory_space<vmem>>, vector<16xi32>,
      %swap3A_257 = vector.shape_cast %swap3A_256 : vector<16xi32> to vector<16xi32>
      %swap3A_258 = vector.shape_cast %add3A_254 : vector<16xi32> to vector<16xi32>
      tpu.vector_store %arg6[%swap3A_255], %swap3A_258 {strides = array<i32>} : memref<512xi32, #tpu.memory_space<vmem>>, vector<16xi32>,
      %get3A_259 = arith.constant 21 : i32
      %get3A_260 = arith.index_cast %get3A_259 : i32 to index
      %get3A_261 = arith.constant 0 : index
      %get3A_262 = tpu.vector_load %arg5[%get3A_260, %get3A_261] {strides = array<i32>} : memref<32x16xi32, #tpu.memory_space<vmem>>, vector<1x16xi32>,
      %get3A_263 = vector.shape_cast %get3A_262 : vector<1x16xi32> to vector<16xi32>
      %add3A_264 = vector.broadcast %mul3A_29 : i32 to vector<16xi32>
      %add3A_265 = arith.addi %get3A_263, %add3A_264 : vector<16xi32>
      %swap3A_266 = arith.constant 336 : index
      %swap3A_267 = tpu.vector_load %arg6[%swap3A_266] {strides = array<i32>} : memref<512xi32, #tpu.memory_space<vmem>>, vector<16xi32>,
      %swap3A_268 = vector.shape_cast %swap3A_267 : vector<16xi32> to vector<16xi32>
      %swap3A_269 = vector.shape_cast %add3A_265 : vector<16xi32> to vector<16xi32>
      tpu.vector_store %arg6[%swap3A_266], %swap3A_269 {strides = array<i32>} : memref<512xi32, #tpu.memory_space<vmem>>, vector<16xi32>,
      %get3A_270 = arith.constant 22 : i32
      %get3A_271 = arith.index_cast %get3A_270 : i32 to index
      %get3A_272 = arith.constant 0 : index
      %get3A_273 = tpu.vector_load %arg5[%get3A_271, %get3A_272] {strides = array<i32>} : memref<32x16xi32, #tpu.memory_space<vmem>>, vector<1x16xi32>,
      %get3A_274 = vector.shape_cast %get3A_273 : vector<1x16xi32> to vector<16xi32>
      %add3A_275 = vector.broadcast %mul3A_29 : i32 to vector<16xi32>
      %add3A_276 = arith.addi %get3A_274, %add3A_275 : vector<16xi32>
      %swap3A_277 = arith.constant 352 : index
      %swap3A_278 = tpu.vector_load %arg6[%swap3A_277] {strides = array<i32>} : memref<512xi32, #tpu.memory_space<vmem>>, vector<16xi32>,
      %swap3A_279 = vector.shape_cast %swap3A_278 : vector<16xi32> to vector<16xi32>
      %swap3A_280 = vector.shape_cast %add3A_276 : vector<16xi32> to vector<16xi32>
      tpu.vector_store %arg6[%swap3A_277], %swap3A_280 {strides = array<i32>} : memref<512xi32, #tpu.memory_space<vmem>>, vector<16xi32>,
      %get3A_281 = arith.constant 23 : i32
      %get3A_282 = arith.index_cast %get3A_281 : i32 to index
      %get3A_283 = arith.constant 0 : index
      %get3A_284 = tpu.vector_load %arg5[%get3A_282, %get3A_283] {strides = array<i32>} : memref<32x16xi32, #tpu.memory_space<vmem>>, vector<1x16xi32>,
      %get3A_285 = vector.shape_cast %get3A_284 : vector<1x16xi32> to vector<16xi32>
      %add3A_286 = vector.broadcast %mul3A_29 : i32 to vector<16xi32>
      %add3A_287 = arith.addi %get3A_285, %add3A_286 : vector<16xi32>
      %swap3A_288 = arith.constant 368 : index
      %swap3A_289 = tpu.vector_load %arg6[%swap3A_288] {strides = array<i32>} : memref<512xi32, #tpu.memory_space<vmem>>, vector<16xi32>,
      %swap3A_290 = vector.shape_cast %swap3A_289 : vector<16xi32> to vector<16xi32>
      %swap3A_291 = vector.shape_cast %add3A_287 : vector<16xi32> to vector<16xi32>
      tpu.vector_store %arg6[%swap3A_288], %swap3A_291 {strides = array<i32>} : memref<512xi32, #tpu.memory_space<vmem>>, vector<16xi32>,
      %get3A_292 = arith.constant 24 : i32
      %get3A_293 = arith.index_cast %get3A_292 : i32 to index
      %get3A_294 = arith.constant 0 : index
      %get3A_295 = tpu.vector_load %arg5[%get3A_293, %get3A_294] {strides = array<i32>} : memref<32x16xi32, #tpu.memory_space<vmem>>, vector<1x16xi32>,
      %get3A_296 = vector.shape_cast %get3A_295 : vector<1x16xi32> to vector<16xi32>
      %add3A_297 = vector.broadcast %mul3A_29 : i32 to vector<16xi32>
      %add3A_298 = arith.addi %get3A_296, %add3A_297 : vector<16xi32>
      %swap3A_299 = arith.constant 384 : index
      %swap3A_300 = tpu.vector_load %arg6[%swap3A_299] {strides = array<i32>} : memref<512xi32, #tpu.memory_space<vmem>>, vector<16xi32>,
      %swap3A_301 = vector.shape_cast %swap3A_300 : vector<16xi32> to vector<16xi32>
      %swap3A_302 = vector.shape_cast %add3A_298 : vector<16xi32> to vector<16xi32>
      tpu.vector_store %arg6[%swap3A_299], %swap3A_302 {strides = array<i32>} : memref<512xi32, #tpu.memory_space<vmem>>, vector<16xi32>,
      %get3A_303 = arith.constant 25 : i32
      %get3A_304 = arith.index_cast %get3A_303 : i32 to index
      %get3A_305 = arith.constant 0 : index
      %get3A_306 = tpu.vector_load %arg5[%get3A_304, %get3A_305] {strides = array<i32>} : memref<32x16xi32, #tpu.memory_space<vmem>>, vector<1x16xi32>,
      %get3A_307 = vector.shape_cast %get3A_306 : vector<1x16xi32> to vector<16xi32>
      %add3A_308 = vector.broadcast %mul3A_29 : i32 to vector<16xi32>
      %add3A_309 = arith.addi %get3A_307, %add3A_308 : vector<16xi32>
      %swap3A_310 = arith.constant 400 : index
      %swap3A_311 = tpu.vector_load %arg6[%swap3A_310] {strides = array<i32>} : memref<512xi32, #tpu.memory_space<vmem>>, vector<16xi32>,
      %swap3A_312 = vector.shape_cast %swap3A_311 : vector<16xi32> to vector<16xi32>
      %swap3A_313 = vector.shape_cast %add3A_309 : vector<16xi32> to vector<16xi32>
      tpu.vector_store %arg6[%swap3A_310], %swap3A_313 {strides = array<i32>} : memref<512xi32, #tpu.memory_space<vmem>>, vector<16xi32>,
      %get3A_314 = arith.constant 26 : i32
      %get3A_315 = arith.index_cast %get3A_314 : i32 to index
      %get3A_316 = arith.constant 0 : index
      %get3A_317 = tpu.vector_load %arg5[%get3A_315, %get3A_316] {strides = array<i32>} : memref<32x16xi32, #tpu.memory_space<vmem>>, vector<1x16xi32>,
      %get3A_318 = vector.shape_cast %get3A_317 : vector<1x16xi32> to vector<16xi32>
      %add3A_319 = vector.broadcast %mul3A_29 : i32 to vector<16xi32>
      %add3A_320 = arith.addi %get3A_318, %add3A_319 : vector<16xi32>
      %swap3A_321 = arith.constant 416 : index
      %swap3A_322 = tpu.vector_load %arg6[%swap3A_321] {strides = array<i32>} : memref<512xi32, #tpu.memory_space<vmem>>, vector<16xi32>,
      %swap3A_323 = vector.shape_cast %swap3A_322 : vector<16xi32> to vector<16xi32>
      %swap3A_324 = vector.shape_cast %add3A_320 : vector<16xi32> to vector<16xi32>
      tpu.vector_store %arg6[%swap3A_321], %swap3A_324 {strides = array<i32>} : memref<512xi32, #tpu.memory_space<vmem>>, vector<16xi32>,
      %get3A_325 = arith.constant 27 : i32
      %get3A_326 = arith.index_cast %get3A_325 : i32 to index
      %get3A_327 = arith.constant 0 : index
      %get3A_328 = tpu.vector_load %arg5[%get3A_326, %get3A_327] {strides = array<i32>} : memref<32x16xi32, #tpu.memory_space<vmem>>, vector<1x16xi32>,
      %get3A_329 = vector.shape_cast %get3A_328 : vector<1x16xi32> to vector<16xi32>
      %add3A_330 = vector.broadcast %mul3A_29 : i32 to vector<16xi32>
      %add3A_331 = arith.addi %get3A_329, %add3A_330 : vector<16xi32>
      %swap3A_332 = arith.constant 432 : index
      %swap3A_333 = tpu.vector_load %arg6[%swap3A_332] {strides = array<i32>} : memref<512xi32, #tpu.memory_space<vmem>>, vector<16xi32>,
      %swap3A_334 = vector.shape_cast %swap3A_333 : vector<16xi32> to vector<16xi32>
      %swap3A_335 = vector.shape_cast %add3A_331 : vector<16xi32> to vector<16xi32>
      tpu.vector_store %arg6[%swap3A_332], %swap3A_335 {strides = array<i32>} : memref<512xi32, #tpu.memory_space<vmem>>, vector<16xi32>,
      %get3A_336 = arith.constant 28 : i32
      %get3A_337 = arith.index_cast %get3A_336 : i32 to index
      %get3A_338 = arith.constant 0 : index
      %get3A_339 = tpu.vector_load %arg5[%get3A_337, %get3A_338] {strides = array<i32>} : memref<32x16xi32, #tpu.memory_space<vmem>>, vector<1x16xi32>,
      %get3A_340 = vector.shape_cast %get3A_339 : vector<1x16xi32> to vector<16xi32>
      %add3A_341 = vector.broadcast %mul3A_29 : i32 to vector<16xi32>
      %add3A_342 = arith.addi %get3A_340, %add3A_341 : vector<16xi32>
      %swap3A_343 = arith.constant 448 : index
      %swap3A_344 = tpu.vector_load %arg6[%swap3A_343] {strides = array<i32>} : memref<512xi32, #tpu.memory_space<vmem>>, vector<16xi32>,
      %swap3A_345 = vector.shape_cast %swap3A_344 : vector<16xi32> to vector<16xi32>
      %swap3A_346 = vector.shape_cast %add3A_342 : vector<16xi32> to vector<16xi32>
      tpu.vector_store %arg6[%swap3A_343], %swap3A_346 {strides = array<i32>} : memref<512xi32, #tpu.memory_space<vmem>>, vector<16xi32>,
      %get3A_347 = arith.constant 29 : i32
      %get3A_348 = arith.index_cast %get3A_347 : i32 to index
      %get3A_349 = arith.constant 0 : index
      %get3A_350 = tpu.vector_load %arg5[%get3A_348, %get3A_349] {strides = array<i32>} : memref<32x16xi32, #tpu.memory_space<vmem>>, vector<1x16xi32>,
      %get3A_351 = vector.shape_cast %get3A_350 : vector<1x16xi32> to vector<16xi32>
      %add3A_352 = vector.broadcast %mul3A_29 : i32 to vector<16xi32>
      %add3A_353 = arith.addi %get3A_351, %add3A_352 : vector<16xi32>
      %swap3A_354 = arith.constant 464 : index
      %swap3A_355 = tpu.vector_load %arg6[%swap3A_354] {strides = array<i32>} : memref<512xi32, #tpu.memory_space<vmem>>, vector<16xi32>,
      %swap3A_356 = vector.shape_cast %swap3A_355 : vector<16xi32> to vector<16xi32>
      %swap3A_357 = vector.shape_cast %add3A_353 : vector<16xi32> to vector<16xi32>
      tpu.vector_store %arg6[%swap3A_354], %swap3A_357 {strides = array<i32>} : memref<512xi32, #tpu.memory_space<vmem>>, vector<16xi32>,
      %get3A_358 = arith.constant 30 : i32
      %get3A_359 = arith.index_cast %get3A_358 : i32 to index
      %get3A_360 = arith.constant 0 : index
      %get3A_361 = tpu.vector_load %arg5[%get3A_359, %get3A_360] {strides = array<i32>} : memref<32x16xi32, #tpu.memory_space<vmem>>, vector<1x16xi32>,
      %get3A_362 = vector.shape_cast %get3A_361 : vector<1x16xi32> to vector<16xi32>
      %add3A_363 = vector.broadcast %mul3A_29 : i32 to vector<16xi32>
      %add3A_364 = arith.addi %get3A_362, %add3A_363 : vector<16xi32>
      %swap3A_365 = arith.constant 480 : index
      %swap3A_366 = tpu.vector_load %arg6[%swap3A_365] {strides = array<i32>} : memref<512xi32, #tpu.memory_space<vmem>>, vector<16xi32>,
      %swap3A_367 = vector.shape_cast %swap3A_366 : vector<16xi32> to vector<16xi32>
      %swap3A_368 = vector.shape_cast %add3A_364 : vector<16xi32> to vector<16xi32>
      tpu.vector_store %arg6[%swap3A_365], %swap3A_368 {strides = array<i32>} : memref<512xi32, #tpu.memory_space<vmem>>, vector<16xi32>,
      %get3A_369 = arith.constant 31 : i32
      %get3A_370 = arith.index_cast %get3A_369 : i32 to index
      %get3A_371 = arith.constant 0 : index
      %get3A_372 = tpu.vector_load %arg5[%get3A_370, %get3A_371] {strides = array<i32>} : memref<32x16xi32, #tpu.memory_space<vmem>>, vector<1x16xi32>,
      %get3A_373 = vector.shape_cast %get3A_372 : vector<1x16xi32> to vector<16xi32>
      %add3A_374 = vector.broadcast %mul3A_29 : i32 to vector<16xi32>
      %add3A_375 = arith.addi %get3A_373, %add3A_374 : vector<16xi32>
      %swap3A_376 = arith.constant 496 : index
      %swap3A_377 = tpu.vector_load %arg6[%swap3A_376] {strides = array<i32>} : memref<512xi32, #tpu.memory_space<vmem>>, vector<16xi32>,
      %swap3A_378 = vector.shape_cast %swap3A_377 : vector<16xi32> to vector<16xi32>
      %swap3A_379 = vector.shape_cast %add3A_375 : vector<16xi32> to vector<16xi32>
      tpu.vector_store %arg6[%swap3A_376], %swap3A_379 {strides = array<i32>} : memref<512xi32, #tpu.memory_space<vmem>>, vector<16xi32>,
      %dma_start3A = arith.constant 0 : i32
      %dma_start3A_380 = arith.constant 0 : i32
      %dma_start3A_381 = tpu.memref_slice %arg7[%dma_start3A, %dma_start3A_380] : memref<512x128xf32, #tpu.memory_space<vmem>> -> memref<128x128xf32, #tpu.memory_space<vmem>>
      %dma_start3A_382 = arith.constant 0 : i32
      %dma_start3A_383 = tpu.memref_slice %arg6[%dma_start3A_382] : memref<512xi32, #tpu.memory_space<vmem>> -> memref<128xi32, #tpu.memory_space<vmem>>
      %dma_start3A_384 = arith.constant 0 : i32
      %dma_start3A_385 = arith.constant 0 : i32
      %dma_start3A_386 = tpu.memref_slice %arg2[%dma_start3A_384, %dma_start3A_385] : memref<16384x128xf32, #tpu.memory_space<hbm>> -> memref<16384x128xf32, #tpu.memory_space<hbm>>
      tpu.enqueue_indirect_dma source(%dma_start3A_386 : memref<16384x128xf32, #tpu.memory_space<hbm>>) target(%dma_start3A_381 : memref<128x128xf32, #tpu.memory_space<vmem>>) offsets(%dma_start3A_383 : memref<128xi32, #tpu.memory_space<vmem>>) semaphore(%arg8 : memref<!tpu.dma_semaphore, #tpu.memory_space<semaphore_mem>>)
      %dma_start3A_387 = arith.constant 128 : i32
      %dma_start3A_388 = arith.constant 0 : i32
      %dma_start3A_389 = tpu.memref_slice %arg7[%dma_start3A_387, %dma_start3A_388] : memref<512x128xf32, #tpu.memory_space<vmem>> -> memref<128x128xf32, #tpu.memory_space<vmem>>
      %dma_start3A_390 = arith.constant 128 : i32
      %dma_start3A_391 = tpu.memref_slice %arg6[%dma_start3A_390] : memref<512xi32, #tpu.memory_space<vmem>> -> memref<128xi32, #tpu.memory_space<vmem>>
      %dma_start3A_392 = arith.constant 0 : i32
      %dma_start3A_393 = arith.constant 0 : i32
      %dma_start3A_394 = tpu.memref_slice %arg2[%dma_start3A_392, %dma_start3A_393] : memref<16384x128xf32, #tpu.memory_space<hbm>> -> memref<16384x128xf32, #tpu.memory_space<hbm>>
      tpu.enqueue_indirect_dma source(%dma_start3A_394 : memref<16384x128xf32, #tpu.memory_space<hbm>>) target(%dma_start3A_389 : memref<128x128xf32, #tpu.memory_space<vmem>>) offsets(%dma_start3A_391 : memref<128xi32, #tpu.memory_space<vmem>>) semaphore(%arg8 : memref<!tpu.dma_semaphore, #tpu.memory_space<semaphore_mem>>)
      %dma_start3A_395 = arith.constant 256 : i32
      %dma_start3A_396 = arith.constant 0 : i32
      %dma_start3A_397 = tpu.memref_slice %arg7[%dma_start3A_395, %dma_start3A_396] : memref<512x128xf32, #tpu.memory_space<vmem>> -> memref<128x128xf32, #tpu.memory_space<vmem>>
      %dma_start3A_398 = arith.constant 256 : i32
      %dma_start3A_399 = tpu.memref_slice %arg6[%dma_start3A_398] : memref<512xi32, #tpu.memory_space<vmem>> -> memref<128xi32, #tpu.memory_space<vmem>>
      %dma_start3A_400 = arith.constant 0 : i32
      %dma_start3A_401 = arith.constant 0 : i32
      %dma_start3A_402 = tpu.memref_slice %arg2[%dma_start3A_400, %dma_start3A_401] : memref<16384x128xf32, #tpu.memory_space<hbm>> -> memref<16384x128xf32, #tpu.memory_space<hbm>>
      tpu.enqueue_indirect_dma source(%dma_start3A_402 : memref<16384x128xf32, #tpu.memory_space<hbm>>) target(%dma_start3A_397 : memref<128x128xf32, #tpu.memory_space<vmem>>) offsets(%dma_start3A_399 : memref<128xi32, #tpu.memory_space<vmem>>) semaphore(%arg8 : memref<!tpu.dma_semaphore, #tpu.memory_space<semaphore_mem>>)
      %dma_start3A_403 = arith.constant 384 : i32
      %dma_start3A_404 = arith.constant 0 : i32
      %dma_start3A_405 = tpu.memref_slice %arg7[%dma_start3A_403, %dma_start3A_404] : memref<512x128xf32, #tpu.memory_space<vmem>> -> memref<128x128xf32, #tpu.memory_space<vmem>>
      %dma_start3A_406 = arith.constant 384 : i32
      %dma_start3A_407 = tpu.memref_slice %arg6[%dma_start3A_406] : memref<512xi32, #tpu.memory_space<vmem>> -> memref<128xi32, #tpu.memory_space<vmem>>
      %dma_start3A_408 = arith.constant 0 : i32
      %dma_start3A_409 = arith.constant 0 : i32
      %dma_start3A_410 = tpu.memref_slice %arg2[%dma_start3A_408, %dma_start3A_409] : memref<16384x128xf32, #tpu.memory_space<hbm>> -> memref<16384x128xf32, #tpu.memory_space<hbm>>
      tpu.enqueue_indirect_dma source(%dma_start3A_410 : memref<16384x128xf32, #tpu.memory_space<hbm>>) target(%dma_start3A_405 : memref<128x128xf32, #tpu.memory_space<vmem>>) offsets(%dma_start3A_407 : memref<128xi32, #tpu.memory_space<vmem>>) semaphore(%arg8 : memref<!tpu.dma_semaphore, #tpu.memory_space<semaphore_mem>>)
      %dma_wait3A = arith.constant 0 : i32
      %dma_wait3A_411 = arith.constant 0 : i32
      %dma_wait3A_412 = tpu.memref_slice %arg7[%dma_wait3A, %dma_wait3A_411] : memref<512x128xf32, #tpu.memory_space<vmem>> -> memref<128x128xf32, #tpu.memory_space<vmem>>
      %dma_wait3A_413 = arith.constant 0 : i32
      %dma_wait3A_414 = tpu.memref_slice %arg6[%dma_wait3A_413] : memref<512xi32, #tpu.memory_space<vmem>> -> memref<128xi32, #tpu.memory_space<vmem>>
      %dma_wait3A_415 = arith.constant 0 : i32
      %dma_wait3A_416 = arith.constant 0 : i32
      %dma_wait3A_417 = tpu.memref_slice %arg2[%dma_wait3A_415, %dma_wait3A_416] : memref<16384x128xf32, #tpu.memory_space<hbm>> -> memref<16384x128xf32, #tpu.memory_space<hbm>>
      tpu.wait_indirect_dma semaphore(%arg8 : memref<!tpu.dma_semaphore, #tpu.memory_space<semaphore_mem>>) src(%dma_wait3A_417 : memref<16384x128xf32, #tpu.memory_space<hbm>>) dst(%dma_wait3A_412 : memref<128x128xf32, #tpu.memory_space<vmem>>)
      %dma_wait3A_418 = arith.constant 128 : i32
      %dma_wait3A_419 = arith.constant 0 : i32
      %dma_wait3A_420 = tpu.memref_slice %arg7[%dma_wait3A_418, %dma_wait3A_419] : memref<512x128xf32, #tpu.memory_space<vmem>> -> memref<128x128xf32, #tpu.memory_space<vmem>>
      %dma_wait3A_421 = arith.constant 128 : i32
      %dma_wait3A_422 = tpu.memref_slice %arg6[%dma_wait3A_421] : memref<512xi32, #tpu.memory_space<vmem>> -> memref<128xi32, #tpu.memory_space<vmem>>
      %dma_wait3A_423 = arith.constant 0 : i32
      %dma_wait3A_424 = arith.constant 0 : i32
      %dma_wait3A_425 = tpu.memref_slice %arg2[%dma_wait3A_423, %dma_wait3A_424] : memref<16384x128xf32, #tpu.memory_space<hbm>> -> memref<16384x128xf32, #tpu.memory_space<hbm>>
      tpu.wait_indirect_dma semaphore(%arg8 : memref<!tpu.dma_semaphore, #tpu.memory_space<semaphore_mem>>) src(%dma_wait3A_425 : memref<16384x128xf32, #tpu.memory_space<hbm>>) dst(%dma_wait3A_420 : memref<128x128xf32, #tpu.memory_space<vmem>>)
      %dma_wait3A_426 = arith.constant 256 : i32
      %dma_wait3A_427 = arith.constant 0 : i32
      %dma_wait3A_428 = tpu.memref_slice %arg7[%dma_wait3A_426, %dma_wait3A_427] : memref<512x128xf32, #tpu.memory_space<vmem>> -> memref<128x128xf32, #tpu.memory_space<vmem>>
      %dma_wait3A_429 = arith.constant 256 : i32
      %dma_wait3A_430 = tpu.memref_slice %arg6[%dma_wait3A_429] : memref<512xi32, #tpu.memory_space<vmem>> -> memref<128xi32, #tpu.memory_space<vmem>>
      %dma_wait3A_431 = arith.constant 0 : i32
      %dma_wait3A_432 = arith.constant 0 : i32
      %dma_wait3A_433 = tpu.memref_slice %arg2[%dma_wait3A_431, %dma_wait3A_432] : memref<16384x128xf32, #tpu.memory_space<hbm>> -> memref<16384x128xf32, #tpu.memory_space<hbm>>
      tpu.wait_indirect_dma semaphore(%arg8 : memref<!tpu.dma_semaphore, #tpu.memory_space<semaphore_mem>>) src(%dma_wait3A_433 : memref<16384x128xf32, #tpu.memory_space<hbm>>) dst(%dma_wait3A_428 : memref<128x128xf32, #tpu.memory_space<vmem>>)
      %dma_wait3A_434 = arith.constant 384 : i32
      %dma_wait3A_435 = arith.constant 0 : i32
      %dma_wait3A_436 = tpu.memref_slice %arg7[%dma_wait3A_434, %dma_wait3A_435] : memref<512x128xf32, #tpu.memory_space<vmem>> -> memref<128x128xf32, #tpu.memory_space<vmem>>
      %dma_wait3A_437 = arith.constant 384 : i32
      %dma_wait3A_438 = tpu.memref_slice %arg6[%dma_wait3A_437] : memref<512xi32, #tpu.memory_space<vmem>> -> memref<128xi32, #tpu.memory_space<vmem>>
      %dma_wait3A_439 = arith.constant 0 : i32
      %dma_wait3A_440 = arith.constant 0 : i32
      %dma_wait3A_441 = tpu.memref_slice %arg2[%dma_wait3A_439, %dma_wait3A_440] : memref<16384x128xf32, #tpu.memory_space<hbm>> -> memref<16384x128xf32, #tpu.memory_space<hbm>>
      tpu.wait_indirect_dma semaphore(%arg8 : memref<!tpu.dma_semaphore, #tpu.memory_space<semaphore_mem>>) src(%dma_wait3A_441 : memref<16384x128xf32, #tpu.memory_space<hbm>>) dst(%dma_wait3A_436 : memref<128x128xf32, #tpu.memory_space<vmem>>)
      %mul3A_442 = arith.constant 16 : i32
      %mul3A_443 = arith.muli %add3A_11, %mul3A_442 : i32
      "tpu.region"() ({
        %run_scoped3A = tpu.sem_alloc : memref<!tpu.dma_semaphore, #tpu.memory_space<semaphore_mem>>
        %dma_start3A_444 = arith.constant 0 : i32
        %dma_start3A_445 = tpu.memref_slice %arg4[%mul3A_443, %dma_start3A_444] : memref<262144x128xf32, #tpu.memory_space<hbm>> -> memref<512x128xf32, #tpu.memory_space<hbm>>
        %dma_start3A_446 = arith.constant 0 : i32
        %dma_start3A_447 = tpu.memref_slice %arg4[%mul3A_443, %dma_start3A_446] : memref<262144x128xf32, #tpu.memory_space<hbm>> -> memref<512x128xf32, #tpu.memory_space<hbm>>
        tpu.enqueue_dma source(%arg7 : memref<512x128xf32, #tpu.memory_space<vmem>>) target(%dma_start3A_447 : memref<512x128xf32, #tpu.memory_space<hbm>>) target_semaphore(%run_scoped3A : memref<!tpu.dma_semaphore, #tpu.memory_space<semaphore_mem>>)
        %dma_wait3A_448 = arith.constant 0 : i32
        %dma_wait3A_449 = tpu.memref_slice %arg4[%mul3A_443, %dma_wait3A_448] : memref<262144x128xf32, #tpu.memory_space<hbm>> -> memref<512x128xf32, #tpu.memory_space<hbm>>
        %dma_wait3A_450 = arith.constant 0 : i32
        %dma_wait3A_451 = tpu.memref_slice %arg4[%mul3A_443, %dma_wait3A_450] : memref<262144x128xf32, #tpu.memory_space<hbm>> -> memref<512x128xf32, #tpu.memory_space<hbm>>
        tpu.wait_dma2 semaphore(%run_scoped3A : memref<!tpu.dma_semaphore, #tpu.memory_space<semaphore_mem>>) src(%arg7 : memref<512x128xf32, #tpu.memory_space<vmem>>) dst(%dma_wait3A_451 : memref<512x128xf32, #tpu.memory_space<hbm>>)
        tpu.yield
      }) : () -> ()
    }
    %scan3A_5 = arith.constant 16 : i32
    return
  }
}

#map = affine_map<(d0, d1) -> (0, 0)>
module attributes {stable_mosaic.version = 14 : i64} {
  func.func @k(%arg0: i32, %arg1: i32, %arg2: memref<16384x128xf32, #tpu.memory_space<hbm>>, %arg3: memref<16384x16xi32, #tpu.memory_space<hbm>>, %arg4: memref<262144x128xf32, #tpu.memory_space<hbm>>, %arg5: memref<32x16xi32, #tpu.memory_space<vmem>>, %arg6: memref<512xi32, #tpu.memory_space<vmem>>, %arg7: memref<512x128xf32, #tpu.memory_space<vmem>>, %arg8: memref<!tpu.dma_semaphore, #tpu.memory_space<semaphore_mem>>) attributes {dimension_semantics = [#tpu.dimension_semantics<core_parallel>, #tpu.dimension_semantics<subcore_parallel>], iteration_bounds = array<i64: 2, 16>, scalar_prefetch = 0 : i64, scratch_operands = 4 : i64, tpu.core_type = #tpu.core_type<sc_vector_subcore>, window_params = [{transform_indices = #map}, {transform_indices = #map}, {transform_indices = #map}]} {
    %mul3A = arith.constant 2 : i32
    %mul3A_0 = arith.muli %arg1, %mul3A : i32
    %add3A = arith.addi %mul3A_0, %arg0 : i32
    %scan3A = arith.constant 0 : i32
    %scan3A_1 = arith.constant 0 : i32
    %scan3A_2 = arith.constant 16 : i32
    %scan3A_3 = arith.addi %scan3A_1, %scan3A_2 : i32
    %scan3A_4 = arith.constant 1 : i32
    scf.for %scan3A_6 = %scan3A_1 to %scan3A_3 step %scan3A_4  : i32 {
      %mul3A_7 = arith.constant 512 : i32
      %mul3A_8 = arith.muli %add3A, %mul3A_7 : i32
      %mul3A_9 = arith.constant 32 : i32
      %mul3A_10 = arith.muli %scan3A_6, %mul3A_9 : i32
      %add3A_11 = arith.addi %mul3A_8, %mul3A_10 : i32
      %jit3A = arith.constant 2048 : i32
      %div3A = arith.divsi %add3A_11, %jit3A : i32
      %sign3A = arith.constant 0 : i32
      %sign3A_12 = arith.cmpi sgt, %add3A_11, %sign3A : i32
      %sign3A_13 = arith.extui %sign3A_12 : i1 to i32
      %sign3A_14 = arith.constant 0 : i32
      %sign3A_15 = arith.cmpi slt, %add3A_11, %sign3A_14 : i32
      %sign3A_16 = arith.extui %sign3A_15 : i1 to i32
      %sign3A_17 = arith.subi %sign3A_13, %sign3A_16 : i32
      %sign3A_18 = arith.constant 0 : i32
      %sign3A_19 = arith.cmpi sgt, %jit3A, %sign3A_18 : i32
      %sign3A_20 = arith.extui %sign3A_19 : i1 to i32
      %sign3A_21 = arith.constant 0 : i32
      %sign3A_22 = arith.cmpi slt, %jit3A, %sign3A_21 : i32
      %sign3A_23 = arith.extui %sign3A_22 : i1 to i32
      %sign3A_24 = arith.subi %sign3A_20, %sign3A_23 : i32
      %ne3A = arith.cmpi ne, %sign3A_17, %sign3A_24 : i32
      %rem3A = arith.remsi %add3A_11, %jit3A : i32
      %ne3A_25 = arith.constant 0 : i32
      %ne3A_26 = arith.cmpi ne, %rem3A, %ne3A_25 : i32
      %and3A = arith.andi %ne3A, %ne3A_26 : i1
      %sub3A = arith.constant 1 : i32
      %sub3A_27 = arith.subi %div3A, %sub3A : i32
      %select_n3A = arith.select %and3A, %sub3A_27, %div3A : i32
      %mul3A_28 = arith.constant 2048 : i32
      %mul3A_29 = arith.muli %select_n3A, %mul3A_28 : i32
      "tpu.region"() ({
        %run_scoped3A = tpu.sem_alloc : memref<!tpu.dma_semaphore, #tpu.memory_space<semaphore_mem>>
        %dma_start3A_444 = arith.constant 0 : i32
        %dma_start3A_445 = tpu.memref_slice %arg3[%add3A_11, %dma_start3A_444] : memref<16384x16xi32, #tpu.memory_space<hbm>> -> memref<32x16xi32, #tpu.memory_space<hbm>>
        %dma_start3A_446 = arith.constant 0 : i32
        %dma_start3A_447 = tpu.memref_slice %arg3[%add3A_11, %dma_start3A_446] : memref<16384x16xi32, #tpu.memory_space<hbm>> -> memref<32x16xi32, #tpu.memory_space<hbm>>
        tpu.enqueue_dma source(%dma_start3A_447 : memref<32x16xi32, #tpu.memory_space<hbm>>) target(%arg5 : memref<32x16xi32, #tpu.memory_space<vmem>>) target_semaphore(%run_scoped3A : memref<!tpu.dma_semaphore, #tpu.memory_space<semaphore_mem>>)
        %dma_wait3A_448 = arith.constant 0 : i32
        %dma_wait3A_449 = tpu.memref_slice %arg3[%add3A_11, %dma_wait3A_448] : memref<16384x16xi32, #tpu.memory_space<hbm>> -> memref<32x16xi32, #tpu.memory_space<hbm>>
        %dma_wait3A_450 = arith.constant 0 : i32
        %dma_wait3A_451 = tpu.memref_slice %arg3[%add3A_11, %dma_wait3A_450] : memref<16384x16xi32, #tpu.memory_space<hbm>> -> memref<32x16xi32, #tpu.memory_space<hbm>>
        tpu.wait_dma2 semaphore(%run_scoped3A : memref<!tpu.dma_semaphore, #tpu.memory_space<semaphore_mem>>) src(%dma_wait3A_451 : memref<32x16xi32, #tpu.memory_space<hbm>>) dst(%arg5 : memref<32x16xi32, #tpu.memory_space<vmem>>)
        tpu.yield
      }) : () -> ()
      %get3A = arith.constant 0 : i32
      %get3A_30 = arith.index_cast %get3A : i32 to index
      %get3A_31 = arith.constant 0 : index
      %get3A_32 = tpu.vector_load %arg5[%get3A_30, %get3A_31] {strides = array<i32>} : memref<32x16xi32, #tpu.memory_space<vmem>>, vector<1x16xi32>,
      %get3A_33 = vector.shape_cast %get3A_32 : vector<1x16xi32> to vector<16xi32>
      %add3A_34 = vector.broadcast %mul3A_29 : i32 to vector<16xi32>
      %add3A_35 = arith.addi %get3A_33, %add3A_34 : vector<16xi32>
      %swap3A = arith.constant 0 : index
      %swap3A_36 = tpu.vector_load %arg6[%swap3A] {strides = array<i32>} : memref<512xi32, #tpu.memory_space<vmem>>, vector<16xi32>,
      %swap3A_37 = vector.shape_cast %swap3A_36 : vector<16xi32> to vector<16xi32>
      %swap3A_38 = vector.shape_cast %add3A_35 : vector<16xi32> to vector<16xi32>
      tpu.vector_store %arg6[%swap3A], %swap3A_38 {strides = array<i32>} : memref<512xi32, #tpu.memory_space<vmem>>, vector<16xi32>,
      %get3A_39 = arith.constant 1 : i32
      %get3A_40 = arith.index_cast %get3A_39 : i32 to index
      %get3A_41 = arith.constant 0 : index
      %get3A_42 = tpu.vector_load %arg5[%get3A_40, %get3A_41] {strides = array<i32>} : memref<32x16xi32, #tpu.memory_space<vmem>>, vector<1x16xi32>,
      %get3A_43 = vector.shape_cast %get3A_42 : vector<1x16xi32> to vector<16xi32>
      %add3A_44 = vector.broadcast %mul3A_29 : i32 to vector<16xi32>
      %add3A_45 = arith.addi %get3A_43, %add3A_44 : vector<16xi32>
      %swap3A_46 = arith.constant 16 : index
      %swap3A_47 = tpu.vector_load %arg6[%swap3A_46] {strides = array<i32>} : memref<512xi32, #tpu.memory_space<vmem>>, vector<16xi32>,
      %swap3A_48 = vector.shape_cast %swap3A_47 : vector<16xi32> to vector<16xi32>
      %swap3A_49 = vector.shape_cast %add3A_45 : vector<16xi32> to vector<16xi32>
      tpu.vector_store %arg6[%swap3A_46], %swap3A_49 {strides = array<i32>} : memref<512xi32, #tpu.memory_space<vmem>>, vector<16xi32>,
      %get3A_50 = arith.constant 2 : i32
      %get3A_51 = arith.index_cast %get3A_50 : i32 to index
      %get3A_52 = arith.constant 0 : index
      %get3A_53 = tpu.vector_load %arg5[%get3A_51, %get3A_52] {strides = array<i32>} : memref<32x16xi32, #tpu.memory_space<vmem>>, vector<1x16xi32>,
      %get3A_54 = vector.shape_cast %get3A_53 : vector<1x16xi32> to vector<16xi32>
      %add3A_55 = vector.broadcast %mul3A_29 : i32 to vector<16xi32>
      %add3A_56 = arith.addi %get3A_54, %add3A_55 : vector<16xi32>
      %swap3A_57 = arith.constant 32 : index
      %swap3A_58 = tpu.vector_load %arg6[%swap3A_57] {strides = array<i32>} : memref<512xi32, #tpu.memory_space<vmem>>, vector<16xi32>,
      %swap3A_59 = vector.shape_cast %swap3A_58 : vector<16xi32> to vector<16xi32>
      %swap3A_60 = vector.shape_cast %add3A_56 : vector<16xi32> to vector<16xi32>
      tpu.vector_store %arg6[%swap3A_57], %swap3A_60 {strides = array<i32>} : memref<512xi32, #tpu.memory_space<vmem>>, vector<16xi32>,
      %get3A_61 = arith.constant 3 : i32
      %get3A_62 = arith.index_cast %get3A_61 : i32 to index
      %get3A_63 = arith.constant 0 : index
      %get3A_64 = tpu.vector_load %arg5[%get3A_62, %get3A_63] {strides = array<i32>} : memref<32x16xi32, #tpu.memory_space<vmem>>, vector<1x16xi32>,
      %get3A_65 = vector.shape_cast %get3A_64 : vector<1x16xi32> to vector<16xi32>
      %add3A_66 = vector.broadcast %mul3A_29 : i32 to vector<16xi32>
      %add3A_67 = arith.addi %get3A_65, %add3A_66 : vector<16xi32>
      %swap3A_68 = arith.constant 48 : index
      %swap3A_69 = tpu.vector_load %arg6[%swap3A_68] {strides = array<i32>} : memref<512xi32, #tpu.memory_space<vmem>>, vector<16xi32>,
      %swap3A_70 = vector.shape_cast %swap3A_69 : vector<16xi32> to vector<16xi32>
      %swap3A_71 = vector.shape_cast %add3A_67 : vector<16xi32> to vector<16xi32>
      tpu.vector_store %arg6[%swap3A_68], %swap3A_71 {strides = array<i32>} : memref<512xi32, #tpu.memory_space<vmem>>, vector<16xi32>,
      %get3A_72 = arith.constant 4 : i32
      %get3A_73 = arith.index_cast %get3A_72 : i32 to index
      %get3A_74 = arith.constant 0 : index
      %get3A_75 = tpu.vector_load %arg5[%get3A_73, %get3A_74] {strides = array<i32>} : memref<32x16xi32, #tpu.memory_space<vmem>>, vector<1x16xi32>,
      %get3A_76 = vector.shape_cast %get3A_75 : vector<1x16xi32> to vector<16xi32>
      %add3A_77 = vector.broadcast %mul3A_29 : i32 to vector<16xi32>
      %add3A_78 = arith.addi %get3A_76, %add3A_77 : vector<16xi32>
      %swap3A_79 = arith.constant 64 : index
      %swap3A_80 = tpu.vector_load %arg6[%swap3A_79] {strides = array<i32>} : memref<512xi32, #tpu.memory_space<vmem>>, vector<16xi32>,
      %swap3A_81 = vector.shape_cast %swap3A_80 : vector<16xi32> to vector<16xi32>
      %swap3A_82 = vector.shape_cast %add3A_78 : vector<16xi32> to vector<16xi32>
      tpu.vector_store %arg6[%swap3A_79], %swap3A_82 {strides = array<i32>} : memref<512xi32, #tpu.memory_space<vmem>>, vector<16xi32>,
      %get3A_83 = arith.constant 5 : i32
      %get3A_84 = arith.index_cast %get3A_83 : i32 to index
      %get3A_85 = arith.constant 0 : index
      %get3A_86 = tpu.vector_load %arg5[%get3A_84, %get3A_85] {strides = array<i32>} : memref<32x16xi32, #tpu.memory_space<vmem>>, vector<1x16xi32>,
      %get3A_87 = vector.shape_cast %get3A_86 : vector<1x16xi32> to vector<16xi32>
      %add3A_88 = vector.broadcast %mul3A_29 : i32 to vector<16xi32>
      %add3A_89 = arith.addi %get3A_87, %add3A_88 : vector<16xi32>
      %swap3A_90 = arith.constant 80 : index
      %swap3A_91 = tpu.vector_load %arg6[%swap3A_90] {strides = array<i32>} : memref<512xi32, #tpu.memory_space<vmem>>, vector<16xi32>,
      %swap3A_92 = vector.shape_cast %swap3A_91 : vector<16xi32> to vector<16xi32>
      %swap3A_93 = vector.shape_cast %add3A_89 : vector<16xi32> to vector<16xi32>
      tpu.vector_store %arg6[%swap3A_90], %swap3A_93 {strides = array<i32>} : memref<512xi32, #tpu.memory_space<vmem>>, vector<16xi32>,
      %get3A_94 = arith.constant 6 : i32
      %get3A_95 = arith.index_cast %get3A_94 : i32 to index
      %get3A_96 = arith.constant 0 : index
      %get3A_97 = tpu.vector_load %arg5[%get3A_95, %get3A_96] {strides = array<i32>} : memref<32x16xi32, #tpu.memory_space<vmem>>, vector<1x16xi32>,
      %get3A_98 = vector.shape_cast %get3A_97 : vector<1x16xi32> to vector<16xi32>
      %add3A_99 = vector.broadcast %mul3A_29 : i32 to vector<16xi32>
      %add3A_100 = arith.addi %get3A_98, %add3A_99 : vector<16xi32>
      %swap3A_101 = arith.constant 96 : index
      %swap3A_102 = tpu.vector_load %arg6[%swap3A_101] {strides = array<i32>} : memref<512xi32, #tpu.memory_space<vmem>>, vector<16xi32>,
      %swap3A_103 = vector.shape_cast %swap3A_102 : vector<16xi32> to vector<16xi32>
      %swap3A_104 = vector.shape_cast %add3A_100 : vector<16xi32> to vector<16xi32>
      tpu.vector_store %arg6[%swap3A_101], %swap3A_104 {strides = array<i32>} : memref<512xi32, #tpu.memory_space<vmem>>, vector<16xi32>,
      %get3A_105 = arith.constant 7 : i32
      %get3A_106 = arith.index_cast %get3A_105 : i32 to index
      %get3A_107 = arith.constant 0 : index
      %get3A_108 = tpu.vector_load %arg5[%get3A_106, %get3A_107] {strides = array<i32>} : memref<32x16xi32, #tpu.memory_space<vmem>>, vector<1x16xi32>,
      %get3A_109 = vector.shape_cast %get3A_108 : vector<1x16xi32> to vector<16xi32>
      %add3A_110 = vector.broadcast %mul3A_29 : i32 to vector<16xi32>
      %add3A_111 = arith.addi %get3A_109, %add3A_110 : vector<16xi32>
      %swap3A_112 = arith.constant 112 : index
      %swap3A_113 = tpu.vector_load %arg6[%swap3A_112] {strides = array<i32>} : memref<512xi32, #tpu.memory_space<vmem>>, vector<16xi32>,
      %swap3A_114 = vector.shape_cast %swap3A_113 : vector<16xi32> to vector<16xi32>
      %swap3A_115 = vector.shape_cast %add3A_111 : vector<16xi32> to vector<16xi32>
      tpu.vector_store %arg6[%swap3A_112], %swap3A_115 {strides = array<i32>} : memref<512xi32, #tpu.memory_space<vmem>>, vector<16xi32>,
      %get3A_116 = arith.constant 8 : i32
      %get3A_117 = arith.index_cast %get3A_116 : i32 to index
      %get3A_118 = arith.constant 0 : index
      %get3A_119 = tpu.vector_load %arg5[%get3A_117, %get3A_118] {strides = array<i32>} : memref<32x16xi32, #tpu.memory_space<vmem>>, vector<1x16xi32>,
      %get3A_120 = vector.shape_cast %get3A_119 : vector<1x16xi32> to vector<16xi32>
      %add3A_121 = vector.broadcast %mul3A_29 : i32 to vector<16xi32>
      %add3A_122 = arith.addi %get3A_120, %add3A_121 : vector<16xi32>
      %swap3A_123 = arith.constant 128 : index
      %swap3A_124 = tpu.vector_load %arg6[%swap3A_123] {strides = array<i32>} : memref<512xi32, #tpu.memory_space<vmem>>, vector<16xi32>,
      %swap3A_125 = vector.shape_cast %swap3A_124 : vector<16xi32> to vector<16xi32>
      %swap3A_126 = vector.shape_cast %add3A_122 : vector<16xi32> to vector<16xi32>
      tpu.vector_store %arg6[%swap3A_123], %swap3A_126 {strides = array<i32>} : memref<512xi32, #tpu.memory_space<vmem>>, vector<16xi32>,
      %get3A_127 = arith.constant 9 : i32
      %get3A_128 = arith.index_cast %get3A_127 : i32 to index
      %get3A_129 = arith.constant 0 : index
      %get3A_130 = tpu.vector_load %arg5[%get3A_128, %get3A_129] {strides = array<i32>} : memref<32x16xi32, #tpu.memory_space<vmem>>, vector<1x16xi32>,
      %get3A_131 = vector.shape_cast %get3A_130 : vector<1x16xi32> to vector<16xi32>
      %add3A_132 = vector.broadcast %mul3A_29 : i32 to vector<16xi32>
      %add3A_133 = arith.addi %get3A_131, %add3A_132 : vector<16xi32>
      %swap3A_134 = arith.constant 144 : index
      %swap3A_135 = tpu.vector_load %arg6[%swap3A_134] {strides = array<i32>} : memref<512xi32, #tpu.memory_space<vmem>>, vector<16xi32>,
      %swap3A_136 = vector.shape_cast %swap3A_135 : vector<16xi32> to vector<16xi32>
      %swap3A_137 = vector.shape_cast %add3A_133 : vector<16xi32> to vector<16xi32>
      tpu.vector_store %arg6[%swap3A_134], %swap3A_137 {strides = array<i32>} : memref<512xi32, #tpu.memory_space<vmem>>, vector<16xi32>,
      %get3A_138 = arith.constant 10 : i32
      %get3A_139 = arith.index_cast %get3A_138 : i32 to index
      %get3A_140 = arith.constant 0 : index
      %get3A_141 = tpu.vector_load %arg5[%get3A_139, %get3A_140] {strides = array<i32>} : memref<32x16xi32, #tpu.memory_space<vmem>>, vector<1x16xi32>,
      %get3A_142 = vector.shape_cast %get3A_141 : vector<1x16xi32> to vector<16xi32>
      %add3A_143 = vector.broadcast %mul3A_29 : i32 to vector<16xi32>
      %add3A_144 = arith.addi %get3A_142, %add3A_143 : vector<16xi32>
      %swap3A_145 = arith.constant 160 : index
      %swap3A_146 = tpu.vector_load %arg6[%swap3A_145] {strides = array<i32>} : memref<512xi32, #tpu.memory_space<vmem>>, vector<16xi32>,
      %swap3A_147 = vector.shape_cast %swap3A_146 : vector<16xi32> to vector<16xi32>
      %swap3A_148 = vector.shape_cast %add3A_144 : vector<16xi32> to vector<16xi32>
      tpu.vector_store %arg6[%swap3A_145], %swap3A_148 {strides = array<i32>} : memref<512xi32, #tpu.memory_space<vmem>>, vector<16xi32>,
      %get3A_149 = arith.constant 11 : i32
      %get3A_150 = arith.index_cast %get3A_149 : i32 to index
      %get3A_151 = arith.constant 0 : index
      %get3A_152 = tpu.vector_load %arg5[%get3A_150, %get3A_151] {strides = array<i32>} : memref<32x16xi32, #tpu.memory_space<vmem>>, vector<1x16xi32>,
      %get3A_153 = vector.shape_cast %get3A_152 : vector<1x16xi32> to vector<16xi32>
      %add3A_154 = vector.broadcast %mul3A_29 : i32 to vector<16xi32>
      %add3A_155 = arith.addi %get3A_153, %add3A_154 : vector<16xi32>
      %swap3A_156 = arith.constant 176 : index
      %swap3A_157 = tpu.vector_load %arg6[%swap3A_156] {strides = array<i32>} : memref<512xi32, #tpu.memory_space<vmem>>, vector<16xi32>,
      %swap3A_158 = vector.shape_cast %swap3A_157 : vector<16xi32> to vector<16xi32>
      %swap3A_159 = vector.shape_cast %add3A_155 : vector<16xi32> to vector<16xi32>
      tpu.vector_store %arg6[%swap3A_156], %swap3A_159 {strides = array<i32>} : memref<512xi32, #tpu.memory_space<vmem>>, vector<16xi32>,
      %get3A_160 = arith.constant 12 : i32
      %get3A_161 = arith.index_cast %get3A_160 : i32 to index
      %get3A_162 = arith.constant 0 : index
      %get3A_163 = tpu.vector_load %arg5[%get3A_161, %get3A_162] {strides = array<i32>} : memref<32x16xi32, #tpu.memory_space<vmem>>, vector<1x16xi32>,
      %get3A_164 = vector.shape_cast %get3A_163 : vector<1x16xi32> to vector<16xi32>
      %add3A_165 = vector.broadcast %mul3A_29 : i32 to vector<16xi32>
      %add3A_166 = arith.addi %get3A_164, %add3A_165 : vector<16xi32>
      %swap3A_167 = arith.constant 192 : index
      %swap3A_168 = tpu.vector_load %arg6[%swap3A_167] {strides = array<i32>} : memref<512xi32, #tpu.memory_space<vmem>>, vector<16xi32>,
      %swap3A_169 = vector.shape_cast %swap3A_168 : vector<16xi32> to vector<16xi32>
      %swap3A_170 = vector.shape_cast %add3A_166 : vector<16xi32> to vector<16xi32>
      tpu.vector_store %arg6[%swap3A_167], %swap3A_170 {strides = array<i32>} : memref<512xi32, #tpu.memory_space<vmem>>, vector<16xi32>,
      %get3A_171 = arith.constant 13 : i32
      %get3A_172 = arith.index_cast %get3A_171 : i32 to index
      %get3A_173 = arith.constant 0 : index
      %get3A_174 = tpu.vector_load %arg5[%get3A_172, %get3A_173] {strides = array<i32>} : memref<32x16xi32, #tpu.memory_space<vmem>>, vector<1x16xi32>,
      %get3A_175 = vector.shape_cast %get3A_174 : vector<1x16xi32> to vector<16xi32>
      %add3A_176 = vector.broadcast %mul3A_29 : i32 to vector<16xi32>
      %add3A_177 = arith.addi %get3A_175, %add3A_176 : vector<16xi32>
      %swap3A_178 = arith.constant 208 : index
      %swap3A_179 = tpu.vector_load %arg6[%swap3A_178] {strides = array<i32>} : memref<512xi32, #tpu.memory_space<vmem>>, vector<16xi32>,
      %swap3A_180 = vector.shape_cast %swap3A_179 : vector<16xi32> to vector<16xi32>
      %swap3A_181 = vector.shape_cast %add3A_177 : vector<16xi32> to vector<16xi32>
      tpu.vector_store %arg6[%swap3A_178], %swap3A_181 {strides = array<i32>} : memref<512xi32, #tpu.memory_space<vmem>>, vector<16xi32>,
      %get3A_182 = arith.constant 14 : i32
      %get3A_183 = arith.index_cast %get3A_182 : i32 to index
      %get3A_184 = arith.constant 0 : index
      %get3A_185 = tpu.vector_load %arg5[%get3A_183, %get3A_184] {strides = array<i32>} : memref<32x16xi32, #tpu.memory_space<vmem>>, vector<1x16xi32>,
      %get3A_186 = vector.shape_cast %get3A_185 : vector<1x16xi32> to vector<16xi32>
      %add3A_187 = vector.broadcast %mul3A_29 : i32 to vector<16xi32>
      %add3A_188 = arith.addi %get3A_186, %add3A_187 : vector<16xi32>
      %swap3A_189 = arith.constant 224 : index
      %swap3A_190 = tpu.vector_load %arg6[%swap3A_189] {strides = array<i32>} : memref<512xi32, #tpu.memory_space<vmem>>, vector<16xi32>,
      %swap3A_191 = vector.shape_cast %swap3A_190 : vector<16xi32> to vector<16xi32>
      %swap3A_192 = vector.shape_cast %add3A_188 : vector<16xi32> to vector<16xi32>
      tpu.vector_store %arg6[%swap3A_189], %swap3A_192 {strides = array<i32>} : memref<512xi32, #tpu.memory_space<vmem>>, vector<16xi32>,
      %get3A_193 = arith.constant 15 : i32
      %get3A_194 = arith.index_cast %get3A_193 : i32 to index
      %get3A_195 = arith.constant 0 : index
      %get3A_196 = tpu.vector_load %arg5[%get3A_194, %get3A_195] {strides = array<i32>} : memref<32x16xi32, #tpu.memory_space<vmem>>, vector<1x16xi32>,
      %get3A_197 = vector.shape_cast %get3A_196 : vector<1x16xi32> to vector<16xi32>
      %add3A_198 = vector.broadcast %mul3A_29 : i32 to vector<16xi32>
      %add3A_199 = arith.addi %get3A_197, %add3A_198 : vector<16xi32>
      %swap3A_200 = arith.constant 240 : index
      %swap3A_201 = tpu.vector_load %arg6[%swap3A_200] {strides = array<i32>} : memref<512xi32, #tpu.memory_space<vmem>>, vector<16xi32>,
      %swap3A_202 = vector.shape_cast %swap3A_201 : vector<16xi32> to vector<16xi32>
      %swap3A_203 = vector.shape_cast %add3A_199 : vector<16xi32> to vector<16xi32>
      tpu.vector_store %arg6[%swap3A_200], %swap3A_203 {strides = array<i32>} : memref<512xi32, #tpu.memory_space<vmem>>, vector<16xi32>,
      %get3A_204 = arith.constant 16 : i32
      %get3A_205 = arith.index_cast %get3A_204 : i32 to index
      %get3A_206 = arith.constant 0 : index
      %get3A_207 = tpu.vector_load %arg5[%get3A_205, %get3A_206] {strides = array<i32>} : memref<32x16xi32, #tpu.memory_space<vmem>>, vector<1x16xi32>,
      %get3A_208 = vector.shape_cast %get3A_207 : vector<1x16xi32> to vector<16xi32>
      %add3A_209 = vector.broadcast %mul3A_29 : i32 to vector<16xi32>
      %add3A_210 = arith.addi %get3A_208, %add3A_209 : vector<16xi32>
      %swap3A_211 = arith.constant 256 : index
      %swap3A_212 = tpu.vector_load %arg6[%swap3A_211] {strides = array<i32>} : memref<512xi32, #tpu.memory_space<vmem>>, vector<16xi32>,
      %swap3A_213 = vector.shape_cast %swap3A_212 : vector<16xi32> to vector<16xi32>
      %swap3A_214 = vector.shape_cast %add3A_210 : vector<16xi32> to vector<16xi32>
      tpu.vector_store %arg6[%swap3A_211], %swap3A_214 {strides = array<i32>} : memref<512xi32, #tpu.memory_space<vmem>>, vector<16xi32>,
      %get3A_215 = arith.constant 17 : i32
      %get3A_216 = arith.index_cast %get3A_215 : i32 to index
      %get3A_217 = arith.constant 0 : index
      %get3A_218 = tpu.vector_load %arg5[%get3A_216, %get3A_217] {strides = array<i32>} : memref<32x16xi32, #tpu.memory_space<vmem>>, vector<1x16xi32>,
      %get3A_219 = vector.shape_cast %get3A_218 : vector<1x16xi32> to vector<16xi32>
      %add3A_220 = vector.broadcast %mul3A_29 : i32 to vector<16xi32>
      %add3A_221 = arith.addi %get3A_219, %add3A_220 : vector<16xi32>
      %swap3A_222 = arith.constant 272 : index
      %swap3A_223 = tpu.vector_load %arg6[%swap3A_222] {strides = array<i32>} : memref<512xi32, #tpu.memory_space<vmem>>, vector<16xi32>,
      %swap3A_224 = vector.shape_cast %swap3A_223 : vector<16xi32> to vector<16xi32>
      %swap3A_225 = vector.shape_cast %add3A_221 : vector<16xi32> to vector<16xi32>
      tpu.vector_store %arg6[%swap3A_222], %swap3A_225 {strides = array<i32>} : memref<512xi32, #tpu.memory_space<vmem>>, vector<16xi32>,
      %get3A_226 = arith.constant 18 : i32
      %get3A_227 = arith.index_cast %get3A_226 : i32 to index
      %get3A_228 = arith.constant 0 : index
      %get3A_229 = tpu.vector_load %arg5[%get3A_227, %get3A_228] {strides = array<i32>} : memref<32x16xi32, #tpu.memory_space<vmem>>, vector<1x16xi32>,
      %get3A_230 = vector.shape_cast %get3A_229 : vector<1x16xi32> to vector<16xi32>
      %add3A_231 = vector.broadcast %mul3A_29 : i32 to vector<16xi32>
      %add3A_232 = arith.addi %get3A_230, %add3A_231 : vector<16xi32>
      %swap3A_233 = arith.constant 288 : index
      %swap3A_234 = tpu.vector_load %arg6[%swap3A_233] {strides = array<i32>} : memref<512xi32, #tpu.memory_space<vmem>>, vector<16xi32>,
      %swap3A_235 = vector.shape_cast %swap3A_234 : vector<16xi32> to vector<16xi32>
      %swap3A_236 = vector.shape_cast %add3A_232 : vector<16xi32> to vector<16xi32>
      tpu.vector_store %arg6[%swap3A_233], %swap3A_236 {strides = array<i32>} : memref<512xi32, #tpu.memory_space<vmem>>, vector<16xi32>,
      %get3A_237 = arith.constant 19 : i32
      %get3A_238 = arith.index_cast %get3A_237 : i32 to index
      %get3A_239 = arith.constant 0 : index
      %get3A_240 = tpu.vector_load %arg5[%get3A_238, %get3A_239] {strides = array<i32>} : memref<32x16xi32, #tpu.memory_space<vmem>>, vector<1x16xi32>,
      %get3A_241 = vector.shape_cast %get3A_240 : vector<1x16xi32> to vector<16xi32>
      %add3A_242 = vector.broadcast %mul3A_29 : i32 to vector<16xi32>
      %add3A_243 = arith.addi %get3A_241, %add3A_242 : vector<16xi32>
      %swap3A_244 = arith.constant 304 : index
      %swap3A_245 = tpu.vector_load %arg6[%swap3A_244] {strides = array<i32>} : memref<512xi32, #tpu.memory_space<vmem>>, vector<16xi32>,
      %swap3A_246 = vector.shape_cast %swap3A_245 : vector<16xi32> to vector<16xi32>
      %swap3A_247 = vector.shape_cast %add3A_243 : vector<16xi32> to vector<16xi32>
      tpu.vector_store %arg6[%swap3A_244], %swap3A_247 {strides = array<i32>} : memref<512xi32, #tpu.memory_space<vmem>>, vector<16xi32>,
      %get3A_248 = arith.constant 20 : i32
      %get3A_249 = arith.index_cast %get3A_248 : i32 to index
      %get3A_250 = arith.constant 0 : index
      %get3A_251 = tpu.vector_load %arg5[%get3A_249, %get3A_250] {strides = array<i32>} : memref<32x16xi32, #tpu.memory_space<vmem>>, vector<1x16xi32>,
      %get3A_252 = vector.shape_cast %get3A_251 : vector<1x16xi32> to vector<16xi32>
      %add3A_253 = vector.broadcast %mul3A_29 : i32 to vector<16xi32>
      %add3A_254 = arith.addi %get3A_252, %add3A_253 : vector<16xi32>
      %swap3A_255 = arith.constant 320 : index
      %swap3A_256 = tpu.vector_load %arg6[%swap3A_255] {strides = array<i32>} : memref<512xi32, #tpu.memory_space<vmem>>, vector<16xi32>,
      %swap3A_257 = vector.shape_cast %swap3A_256 : vector<16xi32> to vector<16xi32>
      %swap3A_258 = vector.shape_cast %add3A_254 : vector<16xi32> to vector<16xi32>
      tpu.vector_store %arg6[%swap3A_255], %swap3A_258 {strides = array<i32>} : memref<512xi32, #tpu.memory_space<vmem>>, vector<16xi32>,
      %get3A_259 = arith.constant 21 : i32
      %get3A_260 = arith.index_cast %get3A_259 : i32 to index
      %get3A_261 = arith.constant 0 : index
      %get3A_262 = tpu.vector_load %arg5[%get3A_260, %get3A_261] {strides = array<i32>} : memref<32x16xi32, #tpu.memory_space<vmem>>, vector<1x16xi32>,
      %get3A_263 = vector.shape_cast %get3A_262 : vector<1x16xi32> to vector<16xi32>
      %add3A_264 = vector.broadcast %mul3A_29 : i32 to vector<16xi32>
      %add3A_265 = arith.addi %get3A_263, %add3A_264 : vector<16xi32>
      %swap3A_266 = arith.constant 336 : index
      %swap3A_267 = tpu.vector_load %arg6[%swap3A_266] {strides = array<i32>} : memref<512xi32, #tpu.memory_space<vmem>>, vector<16xi32>,
      %swap3A_268 = vector.shape_cast %swap3A_267 : vector<16xi32> to vector<16xi32>
      %swap3A_269 = vector.shape_cast %add3A_265 : vector<16xi32> to vector<16xi32>
      tpu.vector_store %arg6[%swap3A_266], %swap3A_269 {strides = array<i32>} : memref<512xi32, #tpu.memory_space<vmem>>, vector<16xi32>,
      %get3A_270 = arith.constant 22 : i32
      %get3A_271 = arith.index_cast %get3A_270 : i32 to index
      %get3A_272 = arith.constant 0 : index
      %get3A_273 = tpu.vector_load %arg5[%get3A_271, %get3A_272] {strides = array<i32>} : memref<32x16xi32, #tpu.memory_space<vmem>>, vector<1x16xi32>,
      %get3A_274 = vector.shape_cast %get3A_273 : vector<1x16xi32> to vector<16xi32>
      %add3A_275 = vector.broadcast %mul3A_29 : i32 to vector<16xi32>
      %add3A_276 = arith.addi %get3A_274, %add3A_275 : vector<16xi32>
      %swap3A_277 = arith.constant 352 : index
      %swap3A_278 = tpu.vector_load %arg6[%swap3A_277] {strides = array<i32>} : memref<512xi32, #tpu.memory_space<vmem>>, vector<16xi32>,
      %swap3A_279 = vector.shape_cast %swap3A_278 : vector<16xi32> to vector<16xi32>
      %swap3A_280 = vector.shape_cast %add3A_276 : vector<16xi32> to vector<16xi32>
      tpu.vector_store %arg6[%swap3A_277], %swap3A_280 {strides = array<i32>} : memref<512xi32, #tpu.memory_space<vmem>>, vector<16xi32>,
      %get3A_281 = arith.constant 23 : i32
      %get3A_282 = arith.index_cast %get3A_281 : i32 to index
      %get3A_283 = arith.constant 0 : index
      %get3A_284 = tpu.vector_load %arg5[%get3A_282, %get3A_283] {strides = array<i32>} : memref<32x16xi32, #tpu.memory_space<vmem>>, vector<1x16xi32>,
      %get3A_285 = vector.shape_cast %get3A_284 : vector<1x16xi32> to vector<16xi32>
      %add3A_286 = vector.broadcast %mul3A_29 : i32 to vector<16xi32>
      %add3A_287 = arith.addi %get3A_285, %add3A_286 : vector<16xi32>
      %swap3A_288 = arith.constant 368 : index
      %swap3A_289 = tpu.vector_load %arg6[%swap3A_288] {strides = array<i32>} : memref<512xi32, #tpu.memory_space<vmem>>, vector<16xi32>,
      %swap3A_290 = vector.shape_cast %swap3A_289 : vector<16xi32> to vector<16xi32>
      %swap3A_291 = vector.shape_cast %add3A_287 : vector<16xi32> to vector<16xi32>
      tpu.vector_store %arg6[%swap3A_288], %swap3A_291 {strides = array<i32>} : memref<512xi32, #tpu.memory_space<vmem>>, vector<16xi32>,
      %get3A_292 = arith.constant 24 : i32
      %get3A_293 = arith.index_cast %get3A_292 : i32 to index
      %get3A_294 = arith.constant 0 : index
      %get3A_295 = tpu.vector_load %arg5[%get3A_293, %get3A_294] {strides = array<i32>} : memref<32x16xi32, #tpu.memory_space<vmem>>, vector<1x16xi32>,
      %get3A_296 = vector.shape_cast %get3A_295 : vector<1x16xi32> to vector<16xi32>
      %add3A_297 = vector.broadcast %mul3A_29 : i32 to vector<16xi32>
      %add3A_298 = arith.addi %get3A_296, %add3A_297 : vector<16xi32>
      %swap3A_299 = arith.constant 384 : index
      %swap3A_300 = tpu.vector_load %arg6[%swap3A_299] {strides = array<i32>} : memref<512xi32, #tpu.memory_space<vmem>>, vector<16xi32>,
      %swap3A_301 = vector.shape_cast %swap3A_300 : vector<16xi32> to vector<16xi32>
      %swap3A_302 = vector.shape_cast %add3A_298 : vector<16xi32> to vector<16xi32>
      tpu.vector_store %arg6[%swap3A_299], %swap3A_302 {strides = array<i32>} : memref<512xi32, #tpu.memory_space<vmem>>, vector<16xi32>,
      %get3A_303 = arith.constant 25 : i32
      %get3A_304 = arith.index_cast %get3A_303 : i32 to index
      %get3A_305 = arith.constant 0 : index
      %get3A_306 = tpu.vector_load %arg5[%get3A_304, %get3A_305] {strides = array<i32>} : memref<32x16xi32, #tpu.memory_space<vmem>>, vector<1x16xi32>,
      %get3A_307 = vector.shape_cast %get3A_306 : vector<1x16xi32> to vector<16xi32>
      %add3A_308 = vector.broadcast %mul3A_29 : i32 to vector<16xi32>
      %add3A_309 = arith.addi %get3A_307, %add3A_308 : vector<16xi32>
      %swap3A_310 = arith.constant 400 : index
      %swap3A_311 = tpu.vector_load %arg6[%swap3A_310] {strides = array<i32>} : memref<512xi32, #tpu.memory_space<vmem>>, vector<16xi32>,
      %swap3A_312 = vector.shape_cast %swap3A_311 : vector<16xi32> to vector<16xi32>
      %swap3A_313 = vector.shape_cast %add3A_309 : vector<16xi32> to vector<16xi32>
      tpu.vector_store %arg6[%swap3A_310], %swap3A_313 {strides = array<i32>} : memref<512xi32, #tpu.memory_space<vmem>>, vector<16xi32>,
      %get3A_314 = arith.constant 26 : i32
      %get3A_315 = arith.index_cast %get3A_314 : i32 to index
      %get3A_316 = arith.constant 0 : index
      %get3A_317 = tpu.vector_load %arg5[%get3A_315, %get3A_316] {strides = array<i32>} : memref<32x16xi32, #tpu.memory_space<vmem>>, vector<1x16xi32>,
      %get3A_318 = vector.shape_cast %get3A_317 : vector<1x16xi32> to vector<16xi32>
      %add3A_319 = vector.broadcast %mul3A_29 : i32 to vector<16xi32>
      %add3A_320 = arith.addi %get3A_318, %add3A_319 : vector<16xi32>
      %swap3A_321 = arith.constant 416 : index
      %swap3A_322 = tpu.vector_load %arg6[%swap3A_321] {strides = array<i32>} : memref<512xi32, #tpu.memory_space<vmem>>, vector<16xi32>,
      %swap3A_323 = vector.shape_cast %swap3A_322 : vector<16xi32> to vector<16xi32>
      %swap3A_324 = vector.shape_cast %add3A_320 : vector<16xi32> to vector<16xi32>
      tpu.vector_store %arg6[%swap3A_321], %swap3A_324 {strides = array<i32>} : memref<512xi32, #tpu.memory_space<vmem>>, vector<16xi32>,
      %get3A_325 = arith.constant 27 : i32
      %get3A_326 = arith.index_cast %get3A_325 : i32 to index
      %get3A_327 = arith.constant 0 : index
      %get3A_328 = tpu.vector_load %arg5[%get3A_326, %get3A_327] {strides = array<i32>} : memref<32x16xi32, #tpu.memory_space<vmem>>, vector<1x16xi32>,
      %get3A_329 = vector.shape_cast %get3A_328 : vector<1x16xi32> to vector<16xi32>
      %add3A_330 = vector.broadcast %mul3A_29 : i32 to vector<16xi32>
      %add3A_331 = arith.addi %get3A_329, %add3A_330 : vector<16xi32>
      %swap3A_332 = arith.constant 432 : index
      %swap3A_333 = tpu.vector_load %arg6[%swap3A_332] {strides = array<i32>} : memref<512xi32, #tpu.memory_space<vmem>>, vector<16xi32>,
      %swap3A_334 = vector.shape_cast %swap3A_333 : vector<16xi32> to vector<16xi32>
      %swap3A_335 = vector.shape_cast %add3A_331 : vector<16xi32> to vector<16xi32>
      tpu.vector_store %arg6[%swap3A_332], %swap3A_335 {strides = array<i32>} : memref<512xi32, #tpu.memory_space<vmem>>, vector<16xi32>,
      %get3A_336 = arith.constant 28 : i32
      %get3A_337 = arith.index_cast %get3A_336 : i32 to index
      %get3A_338 = arith.constant 0 : index
      %get3A_339 = tpu.vector_load %arg5[%get3A_337, %get3A_338] {strides = array<i32>} : memref<32x16xi32, #tpu.memory_space<vmem>>, vector<1x16xi32>,
      %get3A_340 = vector.shape_cast %get3A_339 : vector<1x16xi32> to vector<16xi32>
      %add3A_341 = vector.broadcast %mul3A_29 : i32 to vector<16xi32>
      %add3A_342 = arith.addi %get3A_340, %add3A_341 : vector<16xi32>
      %swap3A_343 = arith.constant 448 : index
      %swap3A_344 = tpu.vector_load %arg6[%swap3A_343] {strides = array<i32>} : memref<512xi32, #tpu.memory_space<vmem>>, vector<16xi32>,
      %swap3A_345 = vector.shape_cast %swap3A_344 : vector<16xi32> to vector<16xi32>
      %swap3A_346 = vector.shape_cast %add3A_342 : vector<16xi32> to vector<16xi32>
      tpu.vector_store %arg6[%swap3A_343], %swap3A_346 {strides = array<i32>} : memref<512xi32, #tpu.memory_space<vmem>>, vector<16xi32>,
      %get3A_347 = arith.constant 29 : i32
      %get3A_348 = arith.index_cast %get3A_347 : i32 to index
      %get3A_349 = arith.constant 0 : index
      %get3A_350 = tpu.vector_load %arg5[%get3A_348, %get3A_349] {strides = array<i32>} : memref<32x16xi32, #tpu.memory_space<vmem>>, vector<1x16xi32>,
      %get3A_351 = vector.shape_cast %get3A_350 : vector<1x16xi32> to vector<16xi32>
      %add3A_352 = vector.broadcast %mul3A_29 : i32 to vector<16xi32>
      %add3A_353 = arith.addi %get3A_351, %add3A_352 : vector<16xi32>
      %swap3A_354 = arith.constant 464 : index
      %swap3A_355 = tpu.vector_load %arg6[%swap3A_354] {strides = array<i32>} : memref<512xi32, #tpu.memory_space<vmem>>, vector<16xi32>,
      %swap3A_356 = vector.shape_cast %swap3A_355 : vector<16xi32> to vector<16xi32>
      %swap3A_357 = vector.shape_cast %add3A_353 : vector<16xi32> to vector<16xi32>
      tpu.vector_store %arg6[%swap3A_354], %swap3A_357 {strides = array<i32>} : memref<512xi32, #tpu.memory_space<vmem>>, vector<16xi32>,
      %get3A_358 = arith.constant 30 : i32
      %get3A_359 = arith.index_cast %get3A_358 : i32 to index
      %get3A_360 = arith.constant 0 : index
      %get3A_361 = tpu.vector_load %arg5[%get3A_359, %get3A_360] {strides = array<i32>} : memref<32x16xi32, #tpu.memory_space<vmem>>, vector<1x16xi32>,
      %get3A_362 = vector.shape_cast %get3A_361 : vector<1x16xi32> to vector<16xi32>
      %add3A_363 = vector.broadcast %mul3A_29 : i32 to vector<16xi32>
      %add3A_364 = arith.addi %get3A_362, %add3A_363 : vector<16xi32>
      %swap3A_365 = arith.constant 480 : index
      %swap3A_366 = tpu.vector_load %arg6[%swap3A_365] {strides = array<i32>} : memref<512xi32, #tpu.memory_space<vmem>>, vector<16xi32>,
      %swap3A_367 = vector.shape_cast %swap3A_366 : vector<16xi32> to vector<16xi32>
      %swap3A_368 = vector.shape_cast %add3A_364 : vector<16xi32> to vector<16xi32>
      tpu.vector_store %arg6[%swap3A_365], %swap3A_368 {strides = array<i32>} : memref<512xi32, #tpu.memory_space<vmem>>, vector<16xi32>,
      %get3A_369 = arith.constant 31 : i32
      %get3A_370 = arith.index_cast %get3A_369 : i32 to index
      %get3A_371 = arith.constant 0 : index
      %get3A_372 = tpu.vector_load %arg5[%get3A_370, %get3A_371] {strides = array<i32>} : memref<32x16xi32, #tpu.memory_space<vmem>>, vector<1x16xi32>,
      %get3A_373 = vector.shape_cast %get3A_372 : vector<1x16xi32> to vector<16xi32>
      %add3A_374 = vector.broadcast %mul3A_29 : i32 to vector<16xi32>
      %add3A_375 = arith.addi %get3A_373, %add3A_374 : vector<16xi32>
      %swap3A_376 = arith.constant 496 : index
      %swap3A_377 = tpu.vector_load %arg6[%swap3A_376] {strides = array<i32>} : memref<512xi32, #tpu.memory_space<vmem>>, vector<16xi32>,
      %swap3A_378 = vector.shape_cast %swap3A_377 : vector<16xi32> to vector<16xi32>
      %swap3A_379 = vector.shape_cast %add3A_375 : vector<16xi32> to vector<16xi32>
      tpu.vector_store %arg6[%swap3A_376], %swap3A_379 {strides = array<i32>} : memref<512xi32, #tpu.memory_space<vmem>>, vector<16xi32>,
      %dma_start3A = arith.constant 0 : i32
      %dma_start3A_380 = arith.constant 0 : i32
      %dma_start3A_381 = tpu.memref_slice %arg7[%dma_start3A, %dma_start3A_380] : memref<512x128xf32, #tpu.memory_space<vmem>> -> memref<128x128xf32, #tpu.memory_space<vmem>>
      %dma_start3A_382 = arith.constant 0 : i32
      %dma_start3A_383 = tpu.memref_slice %arg6[%dma_start3A_382] : memref<512xi32, #tpu.memory_space<vmem>> -> memref<128xi32, #tpu.memory_space<vmem>>
      %dma_start3A_384 = arith.constant 0 : i32
      %dma_start3A_385 = arith.constant 0 : i32
      %dma_start3A_386 = tpu.memref_slice %arg2[%dma_start3A_384, %dma_start3A_385] : memref<16384x128xf32, #tpu.memory_space<hbm>> -> memref<16384x128xf32, #tpu.memory_space<hbm>>
      tpu.enqueue_indirect_dma source(%dma_start3A_386 : memref<16384x128xf32, #tpu.memory_space<hbm>>) target(%dma_start3A_381 : memref<128x128xf32, #tpu.memory_space<vmem>>) offsets(%dma_start3A_383 : memref<128xi32, #tpu.memory_space<vmem>>) semaphore(%arg8 : memref<!tpu.dma_semaphore, #tpu.memory_space<semaphore_mem>>)
      %dma_start3A_387 = arith.constant 128 : i32
      %dma_start3A_388 = arith.constant 0 : i32
      %dma_start3A_389 = tpu.memref_slice %arg7[%dma_start3A_387, %dma_start3A_388] : memref<512x128xf32, #tpu.memory_space<vmem>> -> memref<128x128xf32, #tpu.memory_space<vmem>>
      %dma_start3A_390 = arith.constant 128 : i32
      %dma_start3A_391 = tpu.memref_slice %arg6[%dma_start3A_390] : memref<512xi32, #tpu.memory_space<vmem>> -> memref<128xi32, #tpu.memory_space<vmem>>
      %dma_start3A_392 = arith.constant 0 : i32
      %dma_start3A_393 = arith.constant 0 : i32
      %dma_start3A_394 = tpu.memref_slice %arg2[%dma_start3A_392, %dma_start3A_393] : memref<16384x128xf32, #tpu.memory_space<hbm>> -> memref<16384x128xf32, #tpu.memory_space<hbm>>
      tpu.enqueue_indirect_dma source(%dma_start3A_394 : memref<16384x128xf32, #tpu.memory_space<hbm>>) target(%dma_start3A_389 : memref<128x128xf32, #tpu.memory_space<vmem>>) offsets(%dma_start3A_391 : memref<128xi32, #tpu.memory_space<vmem>>) semaphore(%arg8 : memref<!tpu.dma_semaphore, #tpu.memory_space<semaphore_mem>>)
      %dma_start3A_395 = arith.constant 256 : i32
      %dma_start3A_396 = arith.constant 0 : i32
      %dma_start3A_397 = tpu.memref_slice %arg7[%dma_start3A_395, %dma_start3A_396] : memref<512x128xf32, #tpu.memory_space<vmem>> -> memref<128x128xf32, #tpu.memory_space<vmem>>
      %dma_start3A_398 = arith.constant 256 : i32
      %dma_start3A_399 = tpu.memref_slice %arg6[%dma_start3A_398] : memref<512xi32, #tpu.memory_space<vmem>> -> memref<128xi32, #tpu.memory_space<vmem>>
      %dma_start3A_400 = arith.constant 0 : i32
      %dma_start3A_401 = arith.constant 0 : i32
      %dma_start3A_402 = tpu.memref_slice %arg2[%dma_start3A_400, %dma_start3A_401] : memref<16384x128xf32, #tpu.memory_space<hbm>> -> memref<16384x128xf32, #tpu.memory_space<hbm>>
      tpu.enqueue_indirect_dma source(%dma_start3A_402 : memref<16384x128xf32, #tpu.memory_space<hbm>>) target(%dma_start3A_397 : memref<128x128xf32, #tpu.memory_space<vmem>>) offsets(%dma_start3A_399 : memref<128xi32, #tpu.memory_space<vmem>>) semaphore(%arg8 : memref<!tpu.dma_semaphore, #tpu.memory_space<semaphore_mem>>)
      %dma_start3A_403 = arith.constant 384 : i32
      %dma_start3A_404 = arith.constant 0 : i32
      %dma_start3A_405 = tpu.memref_slice %arg7[%dma_start3A_403, %dma_start3A_404] : memref<512x128xf32, #tpu.memory_space<vmem>> -> memref<128x128xf32, #tpu.memory_space<vmem>>
      %dma_start3A_406 = arith.constant 384 : i32
      %dma_start3A_407 = tpu.memref_slice %arg6[%dma_start3A_406] : memref<512xi32, #tpu.memory_space<vmem>> -> memref<128xi32, #tpu.memory_space<vmem>>
      %dma_start3A_408 = arith.constant 0 : i32
      %dma_start3A_409 = arith.constant 0 : i32
      %dma_start3A_410 = tpu.memref_slice %arg2[%dma_start3A_408, %dma_start3A_409] : memref<16384x128xf32, #tpu.memory_space<hbm>> -> memref<16384x128xf32, #tpu.memory_space<hbm>>
      tpu.enqueue_indirect_dma source(%dma_start3A_410 : memref<16384x128xf32, #tpu.memory_space<hbm>>) target(%dma_start3A_405 : memref<128x128xf32, #tpu.memory_space<vmem>>) offsets(%dma_start3A_407 : memref<128xi32, #tpu.memory_space<vmem>>) semaphore(%arg8 : memref<!tpu.dma_semaphore, #tpu.memory_space<semaphore_mem>>)
      %dma_wait3A = arith.constant 0 : i32
      %dma_wait3A_411 = arith.constant 0 : i32
      %dma_wait3A_412 = tpu.memref_slice %arg7[%dma_wait3A, %dma_wait3A_411] : memref<512x128xf32, #tpu.memory_space<vmem>> -> memref<128x128xf32, #tpu.memory_space<vmem>>
      %dma_wait3A_413 = arith.constant 0 : i32
      %dma_wait3A_414 = tpu.memref_slice %arg6[%dma_wait3A_413] : memref<512xi32, #tpu.memory_space<vmem>> -> memref<128xi32, #tpu.memory_space<vmem>>
      %dma_wait3A_415 = arith.constant 0 : i32
      %dma_wait3A_416 = arith.constant 0 : i32
      %dma_wait3A_417 = tpu.memref_slice %arg2[%dma_wait3A_415, %dma_wait3A_416] : memref<16384x128xf32, #tpu.memory_space<hbm>> -> memref<16384x128xf32, #tpu.memory_space<hbm>>
      tpu.wait_indirect_dma semaphore(%arg8 : memref<!tpu.dma_semaphore, #tpu.memory_space<semaphore_mem>>) src(%dma_wait3A_417 : memref<16384x128xf32, #tpu.memory_space<hbm>>) dst(%dma_wait3A_412 : memref<128x128xf32, #tpu.memory_space<vmem>>)
      %dma_wait3A_418 = arith.constant 128 : i32
      %dma_wait3A_419 = arith.constant 0 : i32
      %dma_wait3A_420 = tpu.memref_slice %arg7[%dma_wait3A_418, %dma_wait3A_419] : memref<512x128xf32, #tpu.memory_space<vmem>> -> memref<128x128xf32, #tpu.memory_space<vmem>>
      %dma_wait3A_421 = arith.constant 128 : i32
      %dma_wait3A_422 = tpu.memref_slice %arg6[%dma_wait3A_421] : memref<512xi32, #tpu.memory_space<vmem>> -> memref<128xi32, #tpu.memory_space<vmem>>
      %dma_wait3A_423 = arith.constant 0 : i32
      %dma_wait3A_424 = arith.constant 0 : i32
      %dma_wait3A_425 = tpu.memref_slice %arg2[%dma_wait3A_423, %dma_wait3A_424] : memref<16384x128xf32, #tpu.memory_space<hbm>> -> memref<16384x128xf32, #tpu.memory_space<hbm>>
      tpu.wait_indirect_dma semaphore(%arg8 : memref<!tpu.dma_semaphore, #tpu.memory_space<semaphore_mem>>) src(%dma_wait3A_425 : memref<16384x128xf32, #tpu.memory_space<hbm>>) dst(%dma_wait3A_420 : memref<128x128xf32, #tpu.memory_space<vmem>>)
      %dma_wait3A_426 = arith.constant 256 : i32
      %dma_wait3A_427 = arith.constant 0 : i32
      %dma_wait3A_428 = tpu.memref_slice %arg7[%dma_wait3A_426, %dma_wait3A_427] : memref<512x128xf32, #tpu.memory_space<vmem>> -> memref<128x128xf32, #tpu.memory_space<vmem>>
      %dma_wait3A_429 = arith.constant 256 : i32
      %dma_wait3A_430 = tpu.memref_slice %arg6[%dma_wait3A_429] : memref<512xi32, #tpu.memory_space<vmem>> -> memref<128xi32, #tpu.memory_space<vmem>>
      %dma_wait3A_431 = arith.constant 0 : i32
      %dma_wait3A_432 = arith.constant 0 : i32
      %dma_wait3A_433 = tpu.memref_slice %arg2[%dma_wait3A_431, %dma_wait3A_432] : memref<16384x128xf32, #tpu.memory_space<hbm>> -> memref<16384x128xf32, #tpu.memory_space<hbm>>
      tpu.wait_indirect_dma semaphore(%arg8 : memref<!tpu.dma_semaphore, #tpu.memory_space<semaphore_mem>>) src(%dma_wait3A_433 : memref<16384x128xf32, #tpu.memory_space<hbm>>) dst(%dma_wait3A_428 : memref<128x128xf32, #tpu.memory_space<vmem>>)
      %dma_wait3A_434 = arith.constant 384 : i32
      %dma_wait3A_435 = arith.constant 0 : i32
      %dma_wait3A_436 = tpu.memref_slice %arg7[%dma_wait3A_434, %dma_wait3A_435] : memref<512x128xf32, #tpu.memory_space<vmem>> -> memref<128x128xf32, #tpu.memory_space<vmem>>
      %dma_wait3A_437 = arith.constant 384 : i32
      %dma_wait3A_438 = tpu.memref_slice %arg6[%dma_wait3A_437] : memref<512xi32, #tpu.memory_space<vmem>> -> memref<128xi32, #tpu.memory_space<vmem>>
      %dma_wait3A_439 = arith.constant 0 : i32
      %dma_wait3A_440 = arith.constant 0 : i32
      %dma_wait3A_441 = tpu.memref_slice %arg2[%dma_wait3A_439, %dma_wait3A_440] : memref<16384x128xf32, #tpu.memory_space<hbm>> -> memref<16384x128xf32, #tpu.memory_space<hbm>>
      tpu.wait_indirect_dma semaphore(%arg8 : memref<!tpu.dma_semaphore, #tpu.memory_space<semaphore_mem>>) src(%dma_wait3A_441 : memref<16384x128xf32, #tpu.memory_space<hbm>>) dst(%dma_wait3A_436 : memref<128x128xf32, #tpu.memory_space<vmem>>)
      %mul3A_442 = arith.constant 16 : i32
      %mul3A_443 = arith.muli %add3A_11, %mul3A_442 : i32
      "tpu.region"() ({
        %run_scoped3A = tpu.sem_alloc : memref<!tpu.dma_semaphore, #tpu.memory_space<semaphore_mem>>
        %dma_start3A_444 = arith.constant 0 : i32
        %dma_start3A_445 = tpu.memref_slice %arg4[%mul3A_443, %dma_start3A_444] : memref<262144x128xf32, #tpu.memory_space<hbm>> -> memref<512x128xf32, #tpu.memory_space<hbm>>
        %dma_start3A_446 = arith.constant 0 : i32
        %dma_start3A_447 = tpu.memref_slice %arg4[%mul3A_443, %dma_start3A_446] : memref<262144x128xf32, #tpu.memory_space<hbm>> -> memref<512x128xf32, #tpu.memory_space<hbm>>
        tpu.enqueue_dma source(%arg7 : memref<512x128xf32, #tpu.memory_space<vmem>>) target(%dma_start3A_447 : memref<512x128xf32, #tpu.memory_space<hbm>>) target_semaphore(%run_scoped3A : memref<!tpu.dma_semaphore, #tpu.memory_space<semaphore_mem>>)
        %dma_wait3A_448 = arith.constant 0 : i32
        %dma_wait3A_449 = tpu.memref_slice %arg4[%mul3A_443, %dma_wait3A_448] : memref<262144x128xf32, #tpu.memory_space<hbm>> -> memref<512x128xf32, #tpu.memory_space<hbm>>
        %dma_wait3A_450 = arith.constant 0 : i32
        %dma_wait3A_451 = tpu.memref_slice %arg4[%mul3A_443, %dma_wait3A_450] : memref<262144x128xf32, #tpu.memory_space<hbm>> -> memref<512x128xf32, #tpu.memory_space<hbm>>
        tpu.wait_dma2 semaphore(%run_scoped3A : memref<!tpu.dma_semaphore, #tpu.memory_space<semaphore_mem>>) src(%arg7 : memref<512x128xf32, #tpu.memory_space<vmem>>) dst(%dma_wait3A_451 : memref<512x128xf32, #tpu.memory_space<hbm>>)
        tpu.yield
      }) : () -> ()
    }
    %scan3A_5 = arith.constant 16 : i32
    return
  }
}

#map = affine_map<(d0, d1) -> (0, 0)>
module attributes {stable_mosaic.version = 14 : i64} {
  func.func @k(%arg0: i32, %arg1: i32, %arg2: memref<16384x128xf32, #tpu.memory_space<hbm>>, %arg3: memref<16384x16xi32, #tpu.memory_space<hbm>>, %arg4: memref<262144x128xf32, #tpu.memory_space<hbm>>, %arg5: memref<32x16xi32, #tpu.memory_space<vmem>>, %arg6: memref<512xi32, #tpu.memory_space<vmem>>, %arg7: memref<512x128xf32, #tpu.memory_space<vmem>>, %arg8: memref<!tpu.dma_semaphore, #tpu.memory_space<semaphore_mem>>) attributes {dimension_semantics = [#tpu.dimension_semantics<core_parallel>, #tpu.dimension_semantics<subcore_parallel>], iteration_bounds = array<i64: 2, 16>, scalar_prefetch = 0 : i64, scratch_operands = 4 : i64, tpu.core_type = #tpu.core_type<sc_vector_subcore>, window_params = [{transform_indices = #map}, {transform_indices = #map}, {transform_indices = #map}]} {
    %mul3A = arith.constant 2 : i32
    %mul3A_0 = arith.muli %arg1, %mul3A : i32
    %add3A = arith.addi %mul3A_0, %arg0 : i32
    %scan3A = arith.constant 0 : i32
    %scan3A_1 = arith.constant 0 : i32
    %scan3A_2 = arith.constant 16 : i32
    %scan3A_3 = arith.addi %scan3A_1, %scan3A_2 : i32
    %scan3A_4 = arith.constant 1 : i32
    scf.for %scan3A_6 = %scan3A_1 to %scan3A_3 step %scan3A_4  : i32 {
      %mul3A_7 = arith.constant 512 : i32
      %mul3A_8 = arith.muli %add3A, %mul3A_7 : i32
      %mul3A_9 = arith.constant 32 : i32
      %mul3A_10 = arith.muli %scan3A_6, %mul3A_9 : i32
      %add3A_11 = arith.addi %mul3A_8, %mul3A_10 : i32
      %jit3A = arith.constant 2048 : i32
      %div3A = arith.divsi %add3A_11, %jit3A : i32
      %sign3A = arith.constant 0 : i32
      %sign3A_12 = arith.cmpi sgt, %add3A_11, %sign3A : i32
      %sign3A_13 = arith.extui %sign3A_12 : i1 to i32
      %sign3A_14 = arith.constant 0 : i32
      %sign3A_15 = arith.cmpi slt, %add3A_11, %sign3A_14 : i32
      %sign3A_16 = arith.extui %sign3A_15 : i1 to i32
      %sign3A_17 = arith.subi %sign3A_13, %sign3A_16 : i32
      %sign3A_18 = arith.constant 0 : i32
      %sign3A_19 = arith.cmpi sgt, %jit3A, %sign3A_18 : i32
      %sign3A_20 = arith.extui %sign3A_19 : i1 to i32
      %sign3A_21 = arith.constant 0 : i32
      %sign3A_22 = arith.cmpi slt, %jit3A, %sign3A_21 : i32
      %sign3A_23 = arith.extui %sign3A_22 : i1 to i32
      %sign3A_24 = arith.subi %sign3A_20, %sign3A_23 : i32
      %ne3A = arith.cmpi ne, %sign3A_17, %sign3A_24 : i32
      %rem3A = arith.remsi %add3A_11, %jit3A : i32
      %ne3A_25 = arith.constant 0 : i32
      %ne3A_26 = arith.cmpi ne, %rem3A, %ne3A_25 : i32
      %and3A = arith.andi %ne3A, %ne3A_26 : i1
      %sub3A = arith.constant 1 : i32
      %sub3A_27 = arith.subi %div3A, %sub3A : i32
      %select_n3A = arith.select %and3A, %sub3A_27, %div3A : i32
      %mul3A_28 = arith.constant 2048 : i32
      %mul3A_29 = arith.muli %select_n3A, %mul3A_28 : i32
      "tpu.region"() ({
        %run_scoped3A = tpu.sem_alloc : memref<!tpu.dma_semaphore, #tpu.memory_space<semaphore_mem>>
        %dma_start3A_444 = arith.constant 0 : i32
        %dma_start3A_445 = tpu.memref_slice %arg3[%add3A_11, %dma_start3A_444] : memref<16384x16xi32, #tpu.memory_space<hbm>> -> memref<32x16xi32, #tpu.memory_space<hbm>>
        %dma_start3A_446 = arith.constant 0 : i32
        %dma_start3A_447 = tpu.memref_slice %arg3[%add3A_11, %dma_start3A_446] : memref<16384x16xi32, #tpu.memory_space<hbm>> -> memref<32x16xi32, #tpu.memory_space<hbm>>
        tpu.enqueue_dma source(%dma_start3A_447 : memref<32x16xi32, #tpu.memory_space<hbm>>) target(%arg5 : memref<32x16xi32, #tpu.memory_space<vmem>>) target_semaphore(%run_scoped3A : memref<!tpu.dma_semaphore, #tpu.memory_space<semaphore_mem>>)
        %dma_wait3A_448 = arith.constant 0 : i32
        %dma_wait3A_449 = tpu.memref_slice %arg3[%add3A_11, %dma_wait3A_448] : memref<16384x16xi32, #tpu.memory_space<hbm>> -> memref<32x16xi32, #tpu.memory_space<hbm>>
        %dma_wait3A_450 = arith.constant 0 : i32
        %dma_wait3A_451 = tpu.memref_slice %arg3[%add3A_11, %dma_wait3A_450] : memref<16384x16xi32, #tpu.memory_space<hbm>> -> memref<32x16xi32, #tpu.memory_space<hbm>>
        tpu.wait_dma2 semaphore(%run_scoped3A : memref<!tpu.dma_semaphore, #tpu.memory_space<semaphore_mem>>) src(%dma_wait3A_451 : memref<32x16xi32, #tpu.memory_space<hbm>>) dst(%arg5 : memref<32x16xi32, #tpu.memory_space<vmem>>)
        tpu.yield
      }) : () -> ()
      %get3A = arith.constant 0 : i32
      %get3A_30 = arith.index_cast %get3A : i32 to index
      %get3A_31 = arith.constant 0 : index
      %get3A_32 = tpu.vector_load %arg5[%get3A_30, %get3A_31] {strides = array<i32>} : memref<32x16xi32, #tpu.memory_space<vmem>>, vector<1x16xi32>,
      %get3A_33 = vector.shape_cast %get3A_32 : vector<1x16xi32> to vector<16xi32>
      %add3A_34 = vector.broadcast %mul3A_29 : i32 to vector<16xi32>
      %add3A_35 = arith.addi %get3A_33, %add3A_34 : vector<16xi32>
      %swap3A = arith.constant 0 : index
      %swap3A_36 = tpu.vector_load %arg6[%swap3A] {strides = array<i32>} : memref<512xi32, #tpu.memory_space<vmem>>, vector<16xi32>,
      %swap3A_37 = vector.shape_cast %swap3A_36 : vector<16xi32> to vector<16xi32>
      %swap3A_38 = vector.shape_cast %add3A_35 : vector<16xi32> to vector<16xi32>
      tpu.vector_store %arg6[%swap3A], %swap3A_38 {strides = array<i32>} : memref<512xi32, #tpu.memory_space<vmem>>, vector<16xi32>,
      %get3A_39 = arith.constant 1 : i32
      %get3A_40 = arith.index_cast %get3A_39 : i32 to index
      %get3A_41 = arith.constant 0 : index
      %get3A_42 = tpu.vector_load %arg5[%get3A_40, %get3A_41] {strides = array<i32>} : memref<32x16xi32, #tpu.memory_space<vmem>>, vector<1x16xi32>,
      %get3A_43 = vector.shape_cast %get3A_42 : vector<1x16xi32> to vector<16xi32>
      %add3A_44 = vector.broadcast %mul3A_29 : i32 to vector<16xi32>
      %add3A_45 = arith.addi %get3A_43, %add3A_44 : vector<16xi32>
      %swap3A_46 = arith.constant 16 : index
      %swap3A_47 = tpu.vector_load %arg6[%swap3A_46] {strides = array<i32>} : memref<512xi32, #tpu.memory_space<vmem>>, vector<16xi32>,
      %swap3A_48 = vector.shape_cast %swap3A_47 : vector<16xi32> to vector<16xi32>
      %swap3A_49 = vector.shape_cast %add3A_45 : vector<16xi32> to vector<16xi32>
      tpu.vector_store %arg6[%swap3A_46], %swap3A_49 {strides = array<i32>} : memref<512xi32, #tpu.memory_space<vmem>>, vector<16xi32>,
      %get3A_50 = arith.constant 2 : i32
      %get3A_51 = arith.index_cast %get3A_50 : i32 to index
      %get3A_52 = arith.constant 0 : index
      %get3A_53 = tpu.vector_load %arg5[%get3A_51, %get3A_52] {strides = array<i32>} : memref<32x16xi32, #tpu.memory_space<vmem>>, vector<1x16xi32>,
      %get3A_54 = vector.shape_cast %get3A_53 : vector<1x16xi32> to vector<16xi32>
      %add3A_55 = vector.broadcast %mul3A_29 : i32 to vector<16xi32>
      %add3A_56 = arith.addi %get3A_54, %add3A_55 : vector<16xi32>
      %swap3A_57 = arith.constant 32 : index
      %swap3A_58 = tpu.vector_load %arg6[%swap3A_57] {strides = array<i32>} : memref<512xi32, #tpu.memory_space<vmem>>, vector<16xi32>,
      %swap3A_59 = vector.shape_cast %swap3A_58 : vector<16xi32> to vector<16xi32>
      %swap3A_60 = vector.shape_cast %add3A_56 : vector<16xi32> to vector<16xi32>
      tpu.vector_store %arg6[%swap3A_57], %swap3A_60 {strides = array<i32>} : memref<512xi32, #tpu.memory_space<vmem>>, vector<16xi32>,
      %get3A_61 = arith.constant 3 : i32
      %get3A_62 = arith.index_cast %get3A_61 : i32 to index
      %get3A_63 = arith.constant 0 : index
      %get3A_64 = tpu.vector_load %arg5[%get3A_62, %get3A_63] {strides = array<i32>} : memref<32x16xi32, #tpu.memory_space<vmem>>, vector<1x16xi32>,
      %get3A_65 = vector.shape_cast %get3A_64 : vector<1x16xi32> to vector<16xi32>
      %add3A_66 = vector.broadcast %mul3A_29 : i32 to vector<16xi32>
      %add3A_67 = arith.addi %get3A_65, %add3A_66 : vector<16xi32>
      %swap3A_68 = arith.constant 48 : index
      %swap3A_69 = tpu.vector_load %arg6[%swap3A_68] {strides = array<i32>} : memref<512xi32, #tpu.memory_space<vmem>>, vector<16xi32>,
      %swap3A_70 = vector.shape_cast %swap3A_69 : vector<16xi32> to vector<16xi32>
      %swap3A_71 = vector.shape_cast %add3A_67 : vector<16xi32> to vector<16xi32>
      tpu.vector_store %arg6[%swap3A_68], %swap3A_71 {strides = array<i32>} : memref<512xi32, #tpu.memory_space<vmem>>, vector<16xi32>,
      %get3A_72 = arith.constant 4 : i32
      %get3A_73 = arith.index_cast %get3A_72 : i32 to index
      %get3A_74 = arith.constant 0 : index
      %get3A_75 = tpu.vector_load %arg5[%get3A_73, %get3A_74] {strides = array<i32>} : memref<32x16xi32, #tpu.memory_space<vmem>>, vector<1x16xi32>,
      %get3A_76 = vector.shape_cast %get3A_75 : vector<1x16xi32> to vector<16xi32>
      %add3A_77 = vector.broadcast %mul3A_29 : i32 to vector<16xi32>
      %add3A_78 = arith.addi %get3A_76, %add3A_77 : vector<16xi32>
      %swap3A_79 = arith.constant 64 : index
      %swap3A_80 = tpu.vector_load %arg6[%swap3A_79] {strides = array<i32>} : memref<512xi32, #tpu.memory_space<vmem>>, vector<16xi32>,
      %swap3A_81 = vector.shape_cast %swap3A_80 : vector<16xi32> to vector<16xi32>
      %swap3A_82 = vector.shape_cast %add3A_78 : vector<16xi32> to vector<16xi32>
      tpu.vector_store %arg6[%swap3A_79], %swap3A_82 {strides = array<i32>} : memref<512xi32, #tpu.memory_space<vmem>>, vector<16xi32>,
      %get3A_83 = arith.constant 5 : i32
      %get3A_84 = arith.index_cast %get3A_83 : i32 to index
      %get3A_85 = arith.constant 0 : index
      %get3A_86 = tpu.vector_load %arg5[%get3A_84, %get3A_85] {strides = array<i32>} : memref<32x16xi32, #tpu.memory_space<vmem>>, vector<1x16xi32>,
      %get3A_87 = vector.shape_cast %get3A_86 : vector<1x16xi32> to vector<16xi32>
      %add3A_88 = vector.broadcast %mul3A_29 : i32 to vector<16xi32>
      %add3A_89 = arith.addi %get3A_87, %add3A_88 : vector<16xi32>
      %swap3A_90 = arith.constant 80 : index
      %swap3A_91 = tpu.vector_load %arg6[%swap3A_90] {strides = array<i32>} : memref<512xi32, #tpu.memory_space<vmem>>, vector<16xi32>,
      %swap3A_92 = vector.shape_cast %swap3A_91 : vector<16xi32> to vector<16xi32>
      %swap3A_93 = vector.shape_cast %add3A_89 : vector<16xi32> to vector<16xi32>
      tpu.vector_store %arg6[%swap3A_90], %swap3A_93 {strides = array<i32>} : memref<512xi32, #tpu.memory_space<vmem>>, vector<16xi32>,
      %get3A_94 = arith.constant 6 : i32
      %get3A_95 = arith.index_cast %get3A_94 : i32 to index
      %get3A_96 = arith.constant 0 : index
      %get3A_97 = tpu.vector_load %arg5[%get3A_95, %get3A_96] {strides = array<i32>} : memref<32x16xi32, #tpu.memory_space<vmem>>, vector<1x16xi32>,
      %get3A_98 = vector.shape_cast %get3A_97 : vector<1x16xi32> to vector<16xi32>
      %add3A_99 = vector.broadcast %mul3A_29 : i32 to vector<16xi32>
      %add3A_100 = arith.addi %get3A_98, %add3A_99 : vector<16xi32>
      %swap3A_101 = arith.constant 96 : index
      %swap3A_102 = tpu.vector_load %arg6[%swap3A_101] {strides = array<i32>} : memref<512xi32, #tpu.memory_space<vmem>>, vector<16xi32>,
      %swap3A_103 = vector.shape_cast %swap3A_102 : vector<16xi32> to vector<16xi32>
      %swap3A_104 = vector.shape_cast %add3A_100 : vector<16xi32> to vector<16xi32>
      tpu.vector_store %arg6[%swap3A_101], %swap3A_104 {strides = array<i32>} : memref<512xi32, #tpu.memory_space<vmem>>, vector<16xi32>,
      %get3A_105 = arith.constant 7 : i32
      %get3A_106 = arith.index_cast %get3A_105 : i32 to index
      %get3A_107 = arith.constant 0 : index
      %get3A_108 = tpu.vector_load %arg5[%get3A_106, %get3A_107] {strides = array<i32>} : memref<32x16xi32, #tpu.memory_space<vmem>>, vector<1x16xi32>,
      %get3A_109 = vector.shape_cast %get3A_108 : vector<1x16xi32> to vector<16xi32>
      %add3A_110 = vector.broadcast %mul3A_29 : i32 to vector<16xi32>
      %add3A_111 = arith.addi %get3A_109, %add3A_110 : vector<16xi32>
      %swap3A_112 = arith.constant 112 : index
      %swap3A_113 = tpu.vector_load %arg6[%swap3A_112] {strides = array<i32>} : memref<512xi32, #tpu.memory_space<vmem>>, vector<16xi32>,
      %swap3A_114 = vector.shape_cast %swap3A_113 : vector<16xi32> to vector<16xi32>
      %swap3A_115 = vector.shape_cast %add3A_111 : vector<16xi32> to vector<16xi32>
      tpu.vector_store %arg6[%swap3A_112], %swap3A_115 {strides = array<i32>} : memref<512xi32, #tpu.memory_space<vmem>>, vector<16xi32>,
      %get3A_116 = arith.constant 8 : i32
      %get3A_117 = arith.index_cast %get3A_116 : i32 to index
      %get3A_118 = arith.constant 0 : index
      %get3A_119 = tpu.vector_load %arg5[%get3A_117, %get3A_118] {strides = array<i32>} : memref<32x16xi32, #tpu.memory_space<vmem>>, vector<1x16xi32>,
      %get3A_120 = vector.shape_cast %get3A_119 : vector<1x16xi32> to vector<16xi32>
      %add3A_121 = vector.broadcast %mul3A_29 : i32 to vector<16xi32>
      %add3A_122 = arith.addi %get3A_120, %add3A_121 : vector<16xi32>
      %swap3A_123 = arith.constant 128 : index
      %swap3A_124 = tpu.vector_load %arg6[%swap3A_123] {strides = array<i32>} : memref<512xi32, #tpu.memory_space<vmem>>, vector<16xi32>,
      %swap3A_125 = vector.shape_cast %swap3A_124 : vector<16xi32> to vector<16xi32>
      %swap3A_126 = vector.shape_cast %add3A_122 : vector<16xi32> to vector<16xi32>
      tpu.vector_store %arg6[%swap3A_123], %swap3A_126 {strides = array<i32>} : memref<512xi32, #tpu.memory_space<vmem>>, vector<16xi32>,
      %get3A_127 = arith.constant 9 : i32
      %get3A_128 = arith.index_cast %get3A_127 : i32 to index
      %get3A_129 = arith.constant 0 : index
      %get3A_130 = tpu.vector_load %arg5[%get3A_128, %get3A_129] {strides = array<i32>} : memref<32x16xi32, #tpu.memory_space<vmem>>, vector<1x16xi32>,
      %get3A_131 = vector.shape_cast %get3A_130 : vector<1x16xi32> to vector<16xi32>
      %add3A_132 = vector.broadcast %mul3A_29 : i32 to vector<16xi32>
      %add3A_133 = arith.addi %get3A_131, %add3A_132 : vector<16xi32>
      %swap3A_134 = arith.constant 144 : index
      %swap3A_135 = tpu.vector_load %arg6[%swap3A_134] {strides = array<i32>} : memref<512xi32, #tpu.memory_space<vmem>>, vector<16xi32>,
      %swap3A_136 = vector.shape_cast %swap3A_135 : vector<16xi32> to vector<16xi32>
      %swap3A_137 = vector.shape_cast %add3A_133 : vector<16xi32> to vector<16xi32>
      tpu.vector_store %arg6[%swap3A_134], %swap3A_137 {strides = array<i32>} : memref<512xi32, #tpu.memory_space<vmem>>, vector<16xi32>,
      %get3A_138 = arith.constant 10 : i32
      %get3A_139 = arith.index_cast %get3A_138 : i32 to index
      %get3A_140 = arith.constant 0 : index
      %get3A_141 = tpu.vector_load %arg5[%get3A_139, %get3A_140] {strides = array<i32>} : memref<32x16xi32, #tpu.memory_space<vmem>>, vector<1x16xi32>,
      %get3A_142 = vector.shape_cast %get3A_141 : vector<1x16xi32> to vector<16xi32>
      %add3A_143 = vector.broadcast %mul3A_29 : i32 to vector<16xi32>
      %add3A_144 = arith.addi %get3A_142, %add3A_143 : vector<16xi32>
      %swap3A_145 = arith.constant 160 : index
      %swap3A_146 = tpu.vector_load %arg6[%swap3A_145] {strides = array<i32>} : memref<512xi32, #tpu.memory_space<vmem>>, vector<16xi32>,
      %swap3A_147 = vector.shape_cast %swap3A_146 : vector<16xi32> to vector<16xi32>
      %swap3A_148 = vector.shape_cast %add3A_144 : vector<16xi32> to vector<16xi32>
      tpu.vector_store %arg6[%swap3A_145], %swap3A_148 {strides = array<i32>} : memref<512xi32, #tpu.memory_space<vmem>>, vector<16xi32>,
      %get3A_149 = arith.constant 11 : i32
      %get3A_150 = arith.index_cast %get3A_149 : i32 to index
      %get3A_151 = arith.constant 0 : index
      %get3A_152 = tpu.vector_load %arg5[%get3A_150, %get3A_151] {strides = array<i32>} : memref<32x16xi32, #tpu.memory_space<vmem>>, vector<1x16xi32>,
      %get3A_153 = vector.shape_cast %get3A_152 : vector<1x16xi32> to vector<16xi32>
      %add3A_154 = vector.broadcast %mul3A_29 : i32 to vector<16xi32>
      %add3A_155 = arith.addi %get3A_153, %add3A_154 : vector<16xi32>
      %swap3A_156 = arith.constant 176 : index
      %swap3A_157 = tpu.vector_load %arg6[%swap3A_156] {strides = array<i32>} : memref<512xi32, #tpu.memory_space<vmem>>, vector<16xi32>,
      %swap3A_158 = vector.shape_cast %swap3A_157 : vector<16xi32> to vector<16xi32>
      %swap3A_159 = vector.shape_cast %add3A_155 : vector<16xi32> to vector<16xi32>
      tpu.vector_store %arg6[%swap3A_156], %swap3A_159 {strides = array<i32>} : memref<512xi32, #tpu.memory_space<vmem>>, vector<16xi32>,
      %get3A_160 = arith.constant 12 : i32
      %get3A_161 = arith.index_cast %get3A_160 : i32 to index
      %get3A_162 = arith.constant 0 : index
      %get3A_163 = tpu.vector_load %arg5[%get3A_161, %get3A_162] {strides = array<i32>} : memref<32x16xi32, #tpu.memory_space<vmem>>, vector<1x16xi32>,
      %get3A_164 = vector.shape_cast %get3A_163 : vector<1x16xi32> to vector<16xi32>
      %add3A_165 = vector.broadcast %mul3A_29 : i32 to vector<16xi32>
      %add3A_166 = arith.addi %get3A_164, %add3A_165 : vector<16xi32>
      %swap3A_167 = arith.constant 192 : index
      %swap3A_168 = tpu.vector_load %arg6[%swap3A_167] {strides = array<i32>} : memref<512xi32, #tpu.memory_space<vmem>>, vector<16xi32>,
      %swap3A_169 = vector.shape_cast %swap3A_168 : vector<16xi32> to vector<16xi32>
      %swap3A_170 = vector.shape_cast %add3A_166 : vector<16xi32> to vector<16xi32>
      tpu.vector_store %arg6[%swap3A_167], %swap3A_170 {strides = array<i32>} : memref<512xi32, #tpu.memory_space<vmem>>, vector<16xi32>,
      %get3A_171 = arith.constant 13 : i32
      %get3A_172 = arith.index_cast %get3A_171 : i32 to index
      %get3A_173 = arith.constant 0 : index
      %get3A_174 = tpu.vector_load %arg5[%get3A_172, %get3A_173] {strides = array<i32>} : memref<32x16xi32, #tpu.memory_space<vmem>>, vector<1x16xi32>,
      %get3A_175 = vector.shape_cast %get3A_174 : vector<1x16xi32> to vector<16xi32>
      %add3A_176 = vector.broadcast %mul3A_29 : i32 to vector<16xi32>
      %add3A_177 = arith.addi %get3A_175, %add3A_176 : vector<16xi32>
      %swap3A_178 = arith.constant 208 : index
      %swap3A_179 = tpu.vector_load %arg6[%swap3A_178] {strides = array<i32>} : memref<512xi32, #tpu.memory_space<vmem>>, vector<16xi32>,
      %swap3A_180 = vector.shape_cast %swap3A_179 : vector<16xi32> to vector<16xi32>
      %swap3A_181 = vector.shape_cast %add3A_177 : vector<16xi32> to vector<16xi32>
      tpu.vector_store %arg6[%swap3A_178], %swap3A_181 {strides = array<i32>} : memref<512xi32, #tpu.memory_space<vmem>>, vector<16xi32>,
      %get3A_182 = arith.constant 14 : i32
      %get3A_183 = arith.index_cast %get3A_182 : i32 to index
      %get3A_184 = arith.constant 0 : index
      %get3A_185 = tpu.vector_load %arg5[%get3A_183, %get3A_184] {strides = array<i32>} : memref<32x16xi32, #tpu.memory_space<vmem>>, vector<1x16xi32>,
      %get3A_186 = vector.shape_cast %get3A_185 : vector<1x16xi32> to vector<16xi32>
      %add3A_187 = vector.broadcast %mul3A_29 : i32 to vector<16xi32>
      %add3A_188 = arith.addi %get3A_186, %add3A_187 : vector<16xi32>
      %swap3A_189 = arith.constant 224 : index
      %swap3A_190 = tpu.vector_load %arg6[%swap3A_189] {strides = array<i32>} : memref<512xi32, #tpu.memory_space<vmem>>, vector<16xi32>,
      %swap3A_191 = vector.shape_cast %swap3A_190 : vector<16xi32> to vector<16xi32>
      %swap3A_192 = vector.shape_cast %add3A_188 : vector<16xi32> to vector<16xi32>
      tpu.vector_store %arg6[%swap3A_189], %swap3A_192 {strides = array<i32>} : memref<512xi32, #tpu.memory_space<vmem>>, vector<16xi32>,
      %get3A_193 = arith.constant 15 : i32
      %get3A_194 = arith.index_cast %get3A_193 : i32 to index
      %get3A_195 = arith.constant 0 : index
      %get3A_196 = tpu.vector_load %arg5[%get3A_194, %get3A_195] {strides = array<i32>} : memref<32x16xi32, #tpu.memory_space<vmem>>, vector<1x16xi32>,
      %get3A_197 = vector.shape_cast %get3A_196 : vector<1x16xi32> to vector<16xi32>
      %add3A_198 = vector.broadcast %mul3A_29 : i32 to vector<16xi32>
      %add3A_199 = arith.addi %get3A_197, %add3A_198 : vector<16xi32>
      %swap3A_200 = arith.constant 240 : index
      %swap3A_201 = tpu.vector_load %arg6[%swap3A_200] {strides = array<i32>} : memref<512xi32, #tpu.memory_space<vmem>>, vector<16xi32>,
      %swap3A_202 = vector.shape_cast %swap3A_201 : vector<16xi32> to vector<16xi32>
      %swap3A_203 = vector.shape_cast %add3A_199 : vector<16xi32> to vector<16xi32>
      tpu.vector_store %arg6[%swap3A_200], %swap3A_203 {strides = array<i32>} : memref<512xi32, #tpu.memory_space<vmem>>, vector<16xi32>,
      %get3A_204 = arith.constant 16 : i32
      %get3A_205 = arith.index_cast %get3A_204 : i32 to index
      %get3A_206 = arith.constant 0 : index
      %get3A_207 = tpu.vector_load %arg5[%get3A_205, %get3A_206] {strides = array<i32>} : memref<32x16xi32, #tpu.memory_space<vmem>>, vector<1x16xi32>,
      %get3A_208 = vector.shape_cast %get3A_207 : vector<1x16xi32> to vector<16xi32>
      %add3A_209 = vector.broadcast %mul3A_29 : i32 to vector<16xi32>
      %add3A_210 = arith.addi %get3A_208, %add3A_209 : vector<16xi32>
      %swap3A_211 = arith.constant 256 : index
      %swap3A_212 = tpu.vector_load %arg6[%swap3A_211] {strides = array<i32>} : memref<512xi32, #tpu.memory_space<vmem>>, vector<16xi32>,
      %swap3A_213 = vector.shape_cast %swap3A_212 : vector<16xi32> to vector<16xi32>
      %swap3A_214 = vector.shape_cast %add3A_210 : vector<16xi32> to vector<16xi32>
      tpu.vector_store %arg6[%swap3A_211], %swap3A_214 {strides = array<i32>} : memref<512xi32, #tpu.memory_space<vmem>>, vector<16xi32>,
      %get3A_215 = arith.constant 17 : i32
      %get3A_216 = arith.index_cast %get3A_215 : i32 to index
      %get3A_217 = arith.constant 0 : index
      %get3A_218 = tpu.vector_load %arg5[%get3A_216, %get3A_217] {strides = array<i32>} : memref<32x16xi32, #tpu.memory_space<vmem>>, vector<1x16xi32>,
      %get3A_219 = vector.shape_cast %get3A_218 : vector<1x16xi32> to vector<16xi32>
      %add3A_220 = vector.broadcast %mul3A_29 : i32 to vector<16xi32>
      %add3A_221 = arith.addi %get3A_219, %add3A_220 : vector<16xi32>
      %swap3A_222 = arith.constant 272 : index
      %swap3A_223 = tpu.vector_load %arg6[%swap3A_222] {strides = array<i32>} : memref<512xi32, #tpu.memory_space<vmem>>, vector<16xi32>,
      %swap3A_224 = vector.shape_cast %swap3A_223 : vector<16xi32> to vector<16xi32>
      %swap3A_225 = vector.shape_cast %add3A_221 : vector<16xi32> to vector<16xi32>
      tpu.vector_store %arg6[%swap3A_222], %swap3A_225 {strides = array<i32>} : memref<512xi32, #tpu.memory_space<vmem>>, vector<16xi32>,
      %get3A_226 = arith.constant 18 : i32
      %get3A_227 = arith.index_cast %get3A_226 : i32 to index
      %get3A_228 = arith.constant 0 : index
      %get3A_229 = tpu.vector_load %arg5[%get3A_227, %get3A_228] {strides = array<i32>} : memref<32x16xi32, #tpu.memory_space<vmem>>, vector<1x16xi32>,
      %get3A_230 = vector.shape_cast %get3A_229 : vector<1x16xi32> to vector<16xi32>
      %add3A_231 = vector.broadcast %mul3A_29 : i32 to vector<16xi32>
      %add3A_232 = arith.addi %get3A_230, %add3A_231 : vector<16xi32>
      %swap3A_233 = arith.constant 288 : index
      %swap3A_234 = tpu.vector_load %arg6[%swap3A_233] {strides = array<i32>} : memref<512xi32, #tpu.memory_space<vmem>>, vector<16xi32>,
      %swap3A_235 = vector.shape_cast %swap3A_234 : vector<16xi32> to vector<16xi32>
      %swap3A_236 = vector.shape_cast %add3A_232 : vector<16xi32> to vector<16xi32>
      tpu.vector_store %arg6[%swap3A_233], %swap3A_236 {strides = array<i32>} : memref<512xi32, #tpu.memory_space<vmem>>, vector<16xi32>,
      %get3A_237 = arith.constant 19 : i32
      %get3A_238 = arith.index_cast %get3A_237 : i32 to index
      %get3A_239 = arith.constant 0 : index
      %get3A_240 = tpu.vector_load %arg5[%get3A_238, %get3A_239] {strides = array<i32>} : memref<32x16xi32, #tpu.memory_space<vmem>>, vector<1x16xi32>,
      %get3A_241 = vector.shape_cast %get3A_240 : vector<1x16xi32> to vector<16xi32>
      %add3A_242 = vector.broadcast %mul3A_29 : i32 to vector<16xi32>
      %add3A_243 = arith.addi %get3A_241, %add3A_242 : vector<16xi32>
      %swap3A_244 = arith.constant 304 : index
      %swap3A_245 = tpu.vector_load %arg6[%swap3A_244] {strides = array<i32>} : memref<512xi32, #tpu.memory_space<vmem>>, vector<16xi32>,
      %swap3A_246 = vector.shape_cast %swap3A_245 : vector<16xi32> to vector<16xi32>
      %swap3A_247 = vector.shape_cast %add3A_243 : vector<16xi32> to vector<16xi32>
      tpu.vector_store %arg6[%swap3A_244], %swap3A_247 {strides = array<i32>} : memref<512xi32, #tpu.memory_space<vmem>>, vector<16xi32>,
      %get3A_248 = arith.constant 20 : i32
      %get3A_249 = arith.index_cast %get3A_248 : i32 to index
      %get3A_250 = arith.constant 0 : index
      %get3A_251 = tpu.vector_load %arg5[%get3A_249, %get3A_250] {strides = array<i32>} : memref<32x16xi32, #tpu.memory_space<vmem>>, vector<1x16xi32>,
      %get3A_252 = vector.shape_cast %get3A_251 : vector<1x16xi32> to vector<16xi32>
      %add3A_253 = vector.broadcast %mul3A_29 : i32 to vector<16xi32>
      %add3A_254 = arith.addi %get3A_252, %add3A_253 : vector<16xi32>
      %swap3A_255 = arith.constant 320 : index
      %swap3A_256 = tpu.vector_load %arg6[%swap3A_255] {strides = array<i32>} : memref<512xi32, #tpu.memory_space<vmem>>, vector<16xi32>,
      %swap3A_257 = vector.shape_cast %swap3A_256 : vector<16xi32> to vector<16xi32>
      %swap3A_258 = vector.shape_cast %add3A_254 : vector<16xi32> to vector<16xi32>
      tpu.vector_store %arg6[%swap3A_255], %swap3A_258 {strides = array<i32>} : memref<512xi32, #tpu.memory_space<vmem>>, vector<16xi32>,
      %get3A_259 = arith.constant 21 : i32
      %get3A_260 = arith.index_cast %get3A_259 : i32 to index
      %get3A_261 = arith.constant 0 : index
      %get3A_262 = tpu.vector_load %arg5[%get3A_260, %get3A_261] {strides = array<i32>} : memref<32x16xi32, #tpu.memory_space<vmem>>, vector<1x16xi32>,
      %get3A_263 = vector.shape_cast %get3A_262 : vector<1x16xi32> to vector<16xi32>
      %add3A_264 = vector.broadcast %mul3A_29 : i32 to vector<16xi32>
      %add3A_265 = arith.addi %get3A_263, %add3A_264 : vector<16xi32>
      %swap3A_266 = arith.constant 336 : index
      %swap3A_267 = tpu.vector_load %arg6[%swap3A_266] {strides = array<i32>} : memref<512xi32, #tpu.memory_space<vmem>>, vector<16xi32>,
      %swap3A_268 = vector.shape_cast %swap3A_267 : vector<16xi32> to vector<16xi32>
      %swap3A_269 = vector.shape_cast %add3A_265 : vector<16xi32> to vector<16xi32>
      tpu.vector_store %arg6[%swap3A_266], %swap3A_269 {strides = array<i32>} : memref<512xi32, #tpu.memory_space<vmem>>, vector<16xi32>,
      %get3A_270 = arith.constant 22 : i32
      %get3A_271 = arith.index_cast %get3A_270 : i32 to index
      %get3A_272 = arith.constant 0 : index
      %get3A_273 = tpu.vector_load %arg5[%get3A_271, %get3A_272] {strides = array<i32>} : memref<32x16xi32, #tpu.memory_space<vmem>>, vector<1x16xi32>,
      %get3A_274 = vector.shape_cast %get3A_273 : vector<1x16xi32> to vector<16xi32>
      %add3A_275 = vector.broadcast %mul3A_29 : i32 to vector<16xi32>
      %add3A_276 = arith.addi %get3A_274, %add3A_275 : vector<16xi32>
      %swap3A_277 = arith.constant 352 : index
      %swap3A_278 = tpu.vector_load %arg6[%swap3A_277] {strides = array<i32>} : memref<512xi32, #tpu.memory_space<vmem>>, vector<16xi32>,
      %swap3A_279 = vector.shape_cast %swap3A_278 : vector<16xi32> to vector<16xi32>
      %swap3A_280 = vector.shape_cast %add3A_276 : vector<16xi32> to vector<16xi32>
      tpu.vector_store %arg6[%swap3A_277], %swap3A_280 {strides = array<i32>} : memref<512xi32, #tpu.memory_space<vmem>>, vector<16xi32>,
      %get3A_281 = arith.constant 23 : i32
      %get3A_282 = arith.index_cast %get3A_281 : i32 to index
      %get3A_283 = arith.constant 0 : index
      %get3A_284 = tpu.vector_load %arg5[%get3A_282, %get3A_283] {strides = array<i32>} : memref<32x16xi32, #tpu.memory_space<vmem>>, vector<1x16xi32>,
      %get3A_285 = vector.shape_cast %get3A_284 : vector<1x16xi32> to vector<16xi32>
      %add3A_286 = vector.broadcast %mul3A_29 : i32 to vector<16xi32>
      %add3A_287 = arith.addi %get3A_285, %add3A_286 : vector<16xi32>
      %swap3A_288 = arith.constant 368 : index
      %swap3A_289 = tpu.vector_load %arg6[%swap3A_288] {strides = array<i32>} : memref<512xi32, #tpu.memory_space<vmem>>, vector<16xi32>,
      %swap3A_290 = vector.shape_cast %swap3A_289 : vector<16xi32> to vector<16xi32>
      %swap3A_291 = vector.shape_cast %add3A_287 : vector<16xi32> to vector<16xi32>
      tpu.vector_store %arg6[%swap3A_288], %swap3A_291 {strides = array<i32>} : memref<512xi32, #tpu.memory_space<vmem>>, vector<16xi32>,
      %get3A_292 = arith.constant 24 : i32
      %get3A_293 = arith.index_cast %get3A_292 : i32 to index
      %get3A_294 = arith.constant 0 : index
      %get3A_295 = tpu.vector_load %arg5[%get3A_293, %get3A_294] {strides = array<i32>} : memref<32x16xi32, #tpu.memory_space<vmem>>, vector<1x16xi32>,
      %get3A_296 = vector.shape_cast %get3A_295 : vector<1x16xi32> to vector<16xi32>
      %add3A_297 = vector.broadcast %mul3A_29 : i32 to vector<16xi32>
      %add3A_298 = arith.addi %get3A_296, %add3A_297 : vector<16xi32>
      %swap3A_299 = arith.constant 384 : index
      %swap3A_300 = tpu.vector_load %arg6[%swap3A_299] {strides = array<i32>} : memref<512xi32, #tpu.memory_space<vmem>>, vector<16xi32>,
      %swap3A_301 = vector.shape_cast %swap3A_300 : vector<16xi32> to vector<16xi32>
      %swap3A_302 = vector.shape_cast %add3A_298 : vector<16xi32> to vector<16xi32>
      tpu.vector_store %arg6[%swap3A_299], %swap3A_302 {strides = array<i32>} : memref<512xi32, #tpu.memory_space<vmem>>, vector<16xi32>,
      %get3A_303 = arith.constant 25 : i32
      %get3A_304 = arith.index_cast %get3A_303 : i32 to index
      %get3A_305 = arith.constant 0 : index
      %get3A_306 = tpu.vector_load %arg5[%get3A_304, %get3A_305] {strides = array<i32>} : memref<32x16xi32, #tpu.memory_space<vmem>>, vector<1x16xi32>,
      %get3A_307 = vector.shape_cast %get3A_306 : vector<1x16xi32> to vector<16xi32>
      %add3A_308 = vector.broadcast %mul3A_29 : i32 to vector<16xi32>
      %add3A_309 = arith.addi %get3A_307, %add3A_308 : vector<16xi32>
      %swap3A_310 = arith.constant 400 : index
      %swap3A_311 = tpu.vector_load %arg6[%swap3A_310] {strides = array<i32>} : memref<512xi32, #tpu.memory_space<vmem>>, vector<16xi32>,
      %swap3A_312 = vector.shape_cast %swap3A_311 : vector<16xi32> to vector<16xi32>
      %swap3A_313 = vector.shape_cast %add3A_309 : vector<16xi32> to vector<16xi32>
      tpu.vector_store %arg6[%swap3A_310], %swap3A_313 {strides = array<i32>} : memref<512xi32, #tpu.memory_space<vmem>>, vector<16xi32>,
      %get3A_314 = arith.constant 26 : i32
      %get3A_315 = arith.index_cast %get3A_314 : i32 to index
      %get3A_316 = arith.constant 0 : index
      %get3A_317 = tpu.vector_load %arg5[%get3A_315, %get3A_316] {strides = array<i32>} : memref<32x16xi32, #tpu.memory_space<vmem>>, vector<1x16xi32>,
      %get3A_318 = vector.shape_cast %get3A_317 : vector<1x16xi32> to vector<16xi32>
      %add3A_319 = vector.broadcast %mul3A_29 : i32 to vector<16xi32>
      %add3A_320 = arith.addi %get3A_318, %add3A_319 : vector<16xi32>
      %swap3A_321 = arith.constant 416 : index
      %swap3A_322 = tpu.vector_load %arg6[%swap3A_321] {strides = array<i32>} : memref<512xi32, #tpu.memory_space<vmem>>, vector<16xi32>,
      %swap3A_323 = vector.shape_cast %swap3A_322 : vector<16xi32> to vector<16xi32>
      %swap3A_324 = vector.shape_cast %add3A_320 : vector<16xi32> to vector<16xi32>
      tpu.vector_store %arg6[%swap3A_321], %swap3A_324 {strides = array<i32>} : memref<512xi32, #tpu.memory_space<vmem>>, vector<16xi32>,
      %get3A_325 = arith.constant 27 : i32
      %get3A_326 = arith.index_cast %get3A_325 : i32 to index
      %get3A_327 = arith.constant 0 : index
      %get3A_328 = tpu.vector_load %arg5[%get3A_326, %get3A_327] {strides = array<i32>} : memref<32x16xi32, #tpu.memory_space<vmem>>, vector<1x16xi32>,
      %get3A_329 = vector.shape_cast %get3A_328 : vector<1x16xi32> to vector<16xi32>
      %add3A_330 = vector.broadcast %mul3A_29 : i32 to vector<16xi32>
      %add3A_331 = arith.addi %get3A_329, %add3A_330 : vector<16xi32>
      %swap3A_332 = arith.constant 432 : index
      %swap3A_333 = tpu.vector_load %arg6[%swap3A_332] {strides = array<i32>} : memref<512xi32, #tpu.memory_space<vmem>>, vector<16xi32>,
      %swap3A_334 = vector.shape_cast %swap3A_333 : vector<16xi32> to vector<16xi32>
      %swap3A_335 = vector.shape_cast %add3A_331 : vector<16xi32> to vector<16xi32>
      tpu.vector_store %arg6[%swap3A_332], %swap3A_335 {strides = array<i32>} : memref<512xi32, #tpu.memory_space<vmem>>, vector<16xi32>,
      %get3A_336 = arith.constant 28 : i32
      %get3A_337 = arith.index_cast %get3A_336 : i32 to index
      %get3A_338 = arith.constant 0 : index
      %get3A_339 = tpu.vector_load %arg5[%get3A_337, %get3A_338] {strides = array<i32>} : memref<32x16xi32, #tpu.memory_space<vmem>>, vector<1x16xi32>,
      %get3A_340 = vector.shape_cast %get3A_339 : vector<1x16xi32> to vector<16xi32>
      %add3A_341 = vector.broadcast %mul3A_29 : i32 to vector<16xi32>
      %add3A_342 = arith.addi %get3A_340, %add3A_341 : vector<16xi32>
      %swap3A_343 = arith.constant 448 : index
      %swap3A_344 = tpu.vector_load %arg6[%swap3A_343] {strides = array<i32>} : memref<512xi32, #tpu.memory_space<vmem>>, vector<16xi32>,
      %swap3A_345 = vector.shape_cast %swap3A_344 : vector<16xi32> to vector<16xi32>
      %swap3A_346 = vector.shape_cast %add3A_342 : vector<16xi32> to vector<16xi32>
      tpu.vector_store %arg6[%swap3A_343], %swap3A_346 {strides = array<i32>} : memref<512xi32, #tpu.memory_space<vmem>>, vector<16xi32>,
      %get3A_347 = arith.constant 29 : i32
      %get3A_348 = arith.index_cast %get3A_347 : i32 to index
      %get3A_349 = arith.constant 0 : index
      %get3A_350 = tpu.vector_load %arg5[%get3A_348, %get3A_349] {strides = array<i32>} : memref<32x16xi32, #tpu.memory_space<vmem>>, vector<1x16xi32>,
      %get3A_351 = vector.shape_cast %get3A_350 : vector<1x16xi32> to vector<16xi32>
      %add3A_352 = vector.broadcast %mul3A_29 : i32 to vector<16xi32>
      %add3A_353 = arith.addi %get3A_351, %add3A_352 : vector<16xi32>
      %swap3A_354 = arith.constant 464 : index
      %swap3A_355 = tpu.vector_load %arg6[%swap3A_354] {strides = array<i32>} : memref<512xi32, #tpu.memory_space<vmem>>, vector<16xi32>,
      %swap3A_356 = vector.shape_cast %swap3A_355 : vector<16xi32> to vector<16xi32>
      %swap3A_357 = vector.shape_cast %add3A_353 : vector<16xi32> to vector<16xi32>
      tpu.vector_store %arg6[%swap3A_354], %swap3A_357 {strides = array<i32>} : memref<512xi32, #tpu.memory_space<vmem>>, vector<16xi32>,
      %get3A_358 = arith.constant 30 : i32
      %get3A_359 = arith.index_cast %get3A_358 : i32 to index
      %get3A_360 = arith.constant 0 : index
      %get3A_361 = tpu.vector_load %arg5[%get3A_359, %get3A_360] {strides = array<i32>} : memref<32x16xi32, #tpu.memory_space<vmem>>, vector<1x16xi32>,
      %get3A_362 = vector.shape_cast %get3A_361 : vector<1x16xi32> to vector<16xi32>
      %add3A_363 = vector.broadcast %mul3A_29 : i32 to vector<16xi32>
      %add3A_364 = arith.addi %get3A_362, %add3A_363 : vector<16xi32>
      %swap3A_365 = arith.constant 480 : index
      %swap3A_366 = tpu.vector_load %arg6[%swap3A_365] {strides = array<i32>} : memref<512xi32, #tpu.memory_space<vmem>>, vector<16xi32>,
      %swap3A_367 = vector.shape_cast %swap3A_366 : vector<16xi32> to vector<16xi32>
      %swap3A_368 = vector.shape_cast %add3A_364 : vector<16xi32> to vector<16xi32>
      tpu.vector_store %arg6[%swap3A_365], %swap3A_368 {strides = array<i32>} : memref<512xi32, #tpu.memory_space<vmem>>, vector<16xi32>,
      %get3A_369 = arith.constant 31 : i32
      %get3A_370 = arith.index_cast %get3A_369 : i32 to index
      %get3A_371 = arith.constant 0 : index
      %get3A_372 = tpu.vector_load %arg5[%get3A_370, %get3A_371] {strides = array<i32>} : memref<32x16xi32, #tpu.memory_space<vmem>>, vector<1x16xi32>,
      %get3A_373 = vector.shape_cast %get3A_372 : vector<1x16xi32> to vector<16xi32>
      %add3A_374 = vector.broadcast %mul3A_29 : i32 to vector<16xi32>
      %add3A_375 = arith.addi %get3A_373, %add3A_374 : vector<16xi32>
      %swap3A_376 = arith.constant 496 : index
      %swap3A_377 = tpu.vector_load %arg6[%swap3A_376] {strides = array<i32>} : memref<512xi32, #tpu.memory_space<vmem>>, vector<16xi32>,
      %swap3A_378 = vector.shape_cast %swap3A_377 : vector<16xi32> to vector<16xi32>
      %swap3A_379 = vector.shape_cast %add3A_375 : vector<16xi32> to vector<16xi32>
      tpu.vector_store %arg6[%swap3A_376], %swap3A_379 {strides = array<i32>} : memref<512xi32, #tpu.memory_space<vmem>>, vector<16xi32>,
      %dma_start3A = arith.constant 0 : i32
      %dma_start3A_380 = arith.constant 0 : i32
      %dma_start3A_381 = tpu.memref_slice %arg7[%dma_start3A, %dma_start3A_380] : memref<512x128xf32, #tpu.memory_space<vmem>> -> memref<128x128xf32, #tpu.memory_space<vmem>>
      %dma_start3A_382 = arith.constant 0 : i32
      %dma_start3A_383 = tpu.memref_slice %arg6[%dma_start3A_382] : memref<512xi32, #tpu.memory_space<vmem>> -> memref<128xi32, #tpu.memory_space<vmem>>
      %dma_start3A_384 = arith.constant 0 : i32
      %dma_start3A_385 = arith.constant 0 : i32
      %dma_start3A_386 = tpu.memref_slice %arg2[%dma_start3A_384, %dma_start3A_385] : memref<16384x128xf32, #tpu.memory_space<hbm>> -> memref<16384x128xf32, #tpu.memory_space<hbm>>
      tpu.enqueue_indirect_dma source(%dma_start3A_386 : memref<16384x128xf32, #tpu.memory_space<hbm>>) target(%dma_start3A_381 : memref<128x128xf32, #tpu.memory_space<vmem>>) offsets(%dma_start3A_383 : memref<128xi32, #tpu.memory_space<vmem>>) semaphore(%arg8 : memref<!tpu.dma_semaphore, #tpu.memory_space<semaphore_mem>>)
      %dma_start3A_387 = arith.constant 128 : i32
      %dma_start3A_388 = arith.constant 0 : i32
      %dma_start3A_389 = tpu.memref_slice %arg7[%dma_start3A_387, %dma_start3A_388] : memref<512x128xf32, #tpu.memory_space<vmem>> -> memref<128x128xf32, #tpu.memory_space<vmem>>
      %dma_start3A_390 = arith.constant 128 : i32
      %dma_start3A_391 = tpu.memref_slice %arg6[%dma_start3A_390] : memref<512xi32, #tpu.memory_space<vmem>> -> memref<128xi32, #tpu.memory_space<vmem>>
      %dma_start3A_392 = arith.constant 0 : i32
      %dma_start3A_393 = arith.constant 0 : i32
      %dma_start3A_394 = tpu.memref_slice %arg2[%dma_start3A_392, %dma_start3A_393] : memref<16384x128xf32, #tpu.memory_space<hbm>> -> memref<16384x128xf32, #tpu.memory_space<hbm>>
      tpu.enqueue_indirect_dma source(%dma_start3A_394 : memref<16384x128xf32, #tpu.memory_space<hbm>>) target(%dma_start3A_389 : memref<128x128xf32, #tpu.memory_space<vmem>>) offsets(%dma_start3A_391 : memref<128xi32, #tpu.memory_space<vmem>>) semaphore(%arg8 : memref<!tpu.dma_semaphore, #tpu.memory_space<semaphore_mem>>)
      %dma_start3A_395 = arith.constant 256 : i32
      %dma_start3A_396 = arith.constant 0 : i32
      %dma_start3A_397 = tpu.memref_slice %arg7[%dma_start3A_395, %dma_start3A_396] : memref<512x128xf32, #tpu.memory_space<vmem>> -> memref<128x128xf32, #tpu.memory_space<vmem>>
      %dma_start3A_398 = arith.constant 256 : i32
      %dma_start3A_399 = tpu.memref_slice %arg6[%dma_start3A_398] : memref<512xi32, #tpu.memory_space<vmem>> -> memref<128xi32, #tpu.memory_space<vmem>>
      %dma_start3A_400 = arith.constant 0 : i32
      %dma_start3A_401 = arith.constant 0 : i32
      %dma_start3A_402 = tpu.memref_slice %arg2[%dma_start3A_400, %dma_start3A_401] : memref<16384x128xf32, #tpu.memory_space<hbm>> -> memref<16384x128xf32, #tpu.memory_space<hbm>>
      tpu.enqueue_indirect_dma source(%dma_start3A_402 : memref<16384x128xf32, #tpu.memory_space<hbm>>) target(%dma_start3A_397 : memref<128x128xf32, #tpu.memory_space<vmem>>) offsets(%dma_start3A_399 : memref<128xi32, #tpu.memory_space<vmem>>) semaphore(%arg8 : memref<!tpu.dma_semaphore, #tpu.memory_space<semaphore_mem>>)
      %dma_start3A_403 = arith.constant 384 : i32
      %dma_start3A_404 = arith.constant 0 : i32
      %dma_start3A_405 = tpu.memref_slice %arg7[%dma_start3A_403, %dma_start3A_404] : memref<512x128xf32, #tpu.memory_space<vmem>> -> memref<128x128xf32, #tpu.memory_space<vmem>>
      %dma_start3A_406 = arith.constant 384 : i32
      %dma_start3A_407 = tpu.memref_slice %arg6[%dma_start3A_406] : memref<512xi32, #tpu.memory_space<vmem>> -> memref<128xi32, #tpu.memory_space<vmem>>
      %dma_start3A_408 = arith.constant 0 : i32
      %dma_start3A_409 = arith.constant 0 : i32
      %dma_start3A_410 = tpu.memref_slice %arg2[%dma_start3A_408, %dma_start3A_409] : memref<16384x128xf32, #tpu.memory_space<hbm>> -> memref<16384x128xf32, #tpu.memory_space<hbm>>
      tpu.enqueue_indirect_dma source(%dma_start3A_410 : memref<16384x128xf32, #tpu.memory_space<hbm>>) target(%dma_start3A_405 : memref<128x128xf32, #tpu.memory_space<vmem>>) offsets(%dma_start3A_407 : memref<128xi32, #tpu.memory_space<vmem>>) semaphore(%arg8 : memref<!tpu.dma_semaphore, #tpu.memory_space<semaphore_mem>>)
      %dma_wait3A = arith.constant 0 : i32
      %dma_wait3A_411 = arith.constant 0 : i32
      %dma_wait3A_412 = tpu.memref_slice %arg7[%dma_wait3A, %dma_wait3A_411] : memref<512x128xf32, #tpu.memory_space<vmem>> -> memref<128x128xf32, #tpu.memory_space<vmem>>
      %dma_wait3A_413 = arith.constant 0 : i32
      %dma_wait3A_414 = tpu.memref_slice %arg6[%dma_wait3A_413] : memref<512xi32, #tpu.memory_space<vmem>> -> memref<128xi32, #tpu.memory_space<vmem>>
      %dma_wait3A_415 = arith.constant 0 : i32
      %dma_wait3A_416 = arith.constant 0 : i32
      %dma_wait3A_417 = tpu.memref_slice %arg2[%dma_wait3A_415, %dma_wait3A_416] : memref<16384x128xf32, #tpu.memory_space<hbm>> -> memref<16384x128xf32, #tpu.memory_space<hbm>>
      tpu.wait_indirect_dma semaphore(%arg8 : memref<!tpu.dma_semaphore, #tpu.memory_space<semaphore_mem>>) src(%dma_wait3A_417 : memref<16384x128xf32, #tpu.memory_space<hbm>>) dst(%dma_wait3A_412 : memref<128x128xf32, #tpu.memory_space<vmem>>)
      %dma_wait3A_418 = arith.constant 128 : i32
      %dma_wait3A_419 = arith.constant 0 : i32
      %dma_wait3A_420 = tpu.memref_slice %arg7[%dma_wait3A_418, %dma_wait3A_419] : memref<512x128xf32, #tpu.memory_space<vmem>> -> memref<128x128xf32, #tpu.memory_space<vmem>>
      %dma_wait3A_421 = arith.constant 128 : i32
      %dma_wait3A_422 = tpu.memref_slice %arg6[%dma_wait3A_421] : memref<512xi32, #tpu.memory_space<vmem>> -> memref<128xi32, #tpu.memory_space<vmem>>
      %dma_wait3A_423 = arith.constant 0 : i32
      %dma_wait3A_424 = arith.constant 0 : i32
      %dma_wait3A_425 = tpu.memref_slice %arg2[%dma_wait3A_423, %dma_wait3A_424] : memref<16384x128xf32, #tpu.memory_space<hbm>> -> memref<16384x128xf32, #tpu.memory_space<hbm>>
      tpu.wait_indirect_dma semaphore(%arg8 : memref<!tpu.dma_semaphore, #tpu.memory_space<semaphore_mem>>) src(%dma_wait3A_425 : memref<16384x128xf32, #tpu.memory_space<hbm>>) dst(%dma_wait3A_420 : memref<128x128xf32, #tpu.memory_space<vmem>>)
      %dma_wait3A_426 = arith.constant 256 : i32
      %dma_wait3A_427 = arith.constant 0 : i32
      %dma_wait3A_428 = tpu.memref_slice %arg7[%dma_wait3A_426, %dma_wait3A_427] : memref<512x128xf32, #tpu.memory_space<vmem>> -> memref<128x128xf32, #tpu.memory_space<vmem>>
      %dma_wait3A_429 = arith.constant 256 : i32
      %dma_wait3A_430 = tpu.memref_slice %arg6[%dma_wait3A_429] : memref<512xi32, #tpu.memory_space<vmem>> -> memref<128xi32, #tpu.memory_space<vmem>>
      %dma_wait3A_431 = arith.constant 0 : i32
      %dma_wait3A_432 = arith.constant 0 : i32
      %dma_wait3A_433 = tpu.memref_slice %arg2[%dma_wait3A_431, %dma_wait3A_432] : memref<16384x128xf32, #tpu.memory_space<hbm>> -> memref<16384x128xf32, #tpu.memory_space<hbm>>
      tpu.wait_indirect_dma semaphore(%arg8 : memref<!tpu.dma_semaphore, #tpu.memory_space<semaphore_mem>>) src(%dma_wait3A_433 : memref<16384x128xf32, #tpu.memory_space<hbm>>) dst(%dma_wait3A_428 : memref<128x128xf32, #tpu.memory_space<vmem>>)
      %dma_wait3A_434 = arith.constant 384 : i32
      %dma_wait3A_435 = arith.constant 0 : i32
      %dma_wait3A_436 = tpu.memref_slice %arg7[%dma_wait3A_434, %dma_wait3A_435] : memref<512x128xf32, #tpu.memory_space<vmem>> -> memref<128x128xf32, #tpu.memory_space<vmem>>
      %dma_wait3A_437 = arith.constant 384 : i32
      %dma_wait3A_438 = tpu.memref_slice %arg6[%dma_wait3A_437] : memref<512xi32, #tpu.memory_space<vmem>> -> memref<128xi32, #tpu.memory_space<vmem>>
      %dma_wait3A_439 = arith.constant 0 : i32
      %dma_wait3A_440 = arith.constant 0 : i32
      %dma_wait3A_441 = tpu.memref_slice %arg2[%dma_wait3A_439, %dma_wait3A_440] : memref<16384x128xf32, #tpu.memory_space<hbm>> -> memref<16384x128xf32, #tpu.memory_space<hbm>>
      tpu.wait_indirect_dma semaphore(%arg8 : memref<!tpu.dma_semaphore, #tpu.memory_space<semaphore_mem>>) src(%dma_wait3A_441 : memref<16384x128xf32, #tpu.memory_space<hbm>>) dst(%dma_wait3A_436 : memref<128x128xf32, #tpu.memory_space<vmem>>)
      %mul3A_442 = arith.constant 16 : i32
      %mul3A_443 = arith.muli %add3A_11, %mul3A_442 : i32
      "tpu.region"() ({
        %run_scoped3A = tpu.sem_alloc : memref<!tpu.dma_semaphore, #tpu.memory_space<semaphore_mem>>
        %dma_start3A_444 = arith.constant 0 : i32
        %dma_start3A_445 = tpu.memref_slice %arg4[%mul3A_443, %dma_start3A_444] : memref<262144x128xf32, #tpu.memory_space<hbm>> -> memref<512x128xf32, #tpu.memory_space<hbm>>
        %dma_start3A_446 = arith.constant 0 : i32
        %dma_start3A_447 = tpu.memref_slice %arg4[%mul3A_443, %dma_start3A_446] : memref<262144x128xf32, #tpu.memory_space<hbm>> -> memref<512x128xf32, #tpu.memory_space<hbm>>
        tpu.enqueue_dma source(%arg7 : memref<512x128xf32, #tpu.memory_space<vmem>>) target(%dma_start3A_447 : memref<512x128xf32, #tpu.memory_space<hbm>>) target_semaphore(%run_scoped3A : memref<!tpu.dma_semaphore, #tpu.memory_space<semaphore_mem>>)
        %dma_wait3A_448 = arith.constant 0 : i32
        %dma_wait3A_449 = tpu.memref_slice %arg4[%mul3A_443, %dma_wait3A_448] : memref<262144x128xf32, #tpu.memory_space<hbm>> -> memref<512x128xf32, #tpu.memory_space<hbm>>
        %dma_wait3A_450 = arith.constant 0 : i32
        %dma_wait3A_451 = tpu.memref_slice %arg4[%mul3A_443, %dma_wait3A_450] : memref<262144x128xf32, #tpu.memory_space<hbm>> -> memref<512x128xf32, #tpu.memory_space<hbm>>
        tpu.wait_dma2 semaphore(%run_scoped3A : memref<!tpu.dma_semaphore, #tpu.memory_space<semaphore_mem>>) src(%arg7 : memref<512x128xf32, #tpu.memory_space<vmem>>) dst(%dma_wait3A_451 : memref<512x128xf32, #tpu.memory_space<hbm>>)
        tpu.yield
      }) : () -> ()
    }
    %scan3A_5 = arith.constant 16 : i32
    return
  }
}

module attributes {stable_mosaic.version = 14 : i64} {
  func.func @_tc_knn_body(%arg0: i32, %arg1: i32, %arg2: memref<1x512x3xf32, #tpu.memory_space<vmem>>, %arg3: memref<1x3x2048xf32, #tpu.memory_space<vmem>>, %arg4: memref<1x512x16xi32, #tpu.memory_space<vmem>>) attributes {dimension_semantics = [#tpu.dimension_semantics<arbitrary>, #tpu.dimension_semantics<arbitrary>], iteration_bounds = array<i64: 8, 4>, scalar_prefetch = 0 : i64, scratch_operands = 0 : i64, tpu.core_type = #tpu.core_type<tc>, window_params = [{transform_indices = @transform_0, window_bounds = array<i64: 1, 512, 3>}, {transform_indices = @transform_1, window_bounds = array<i64: 1, 3, 2048>}, {transform_indices = @transform_2, window_bounds = array<i64: 1, 512, 16>}]} {
    %get3A = arith.constant 0 : index
    %get3A_0 = arith.constant 0 : index
    %get3A_1 = arith.constant 0 : index
    %get3A_2 = vector.load %arg2[%get3A, %get3A_0, %get3A_1] : memref<1x512x3xf32, #tpu.memory_space<vmem>>, vector<1x512x3xf32>
    %get3A_3 = vector.shape_cast %get3A_2 : vector<1x512x3xf32> to vector<512x3xf32>
    %get3A_4 = arith.constant 0 : index
    %get3A_5 = arith.constant 0 : index
    %get3A_6 = arith.constant 0 : index
    %get3A_7 = vector.load %arg3[%get3A_4, %get3A_5, %get3A_6] : memref<1x3x2048xf32, #tpu.memory_space<vmem>>, vector<1x3x2048xf32>
    %get3A_8 = vector.shape_cast %get3A_7 : vector<1x3x2048xf32> to vector<3x2048xf32>
    %dot_general3A = arith.constant dense<0.000000e+00> : vector<512x2048xf32>
    %dot_general3A_9 = tpu.matmul %get3A_3, %get3A_8, %dot_general3A {dimension_numbers = #tpu.dot_dimension_numbers<[1], [0], [0], [1], [0, 0, 1, 1], [], []>, transpose_lhs_hint = false} : vector<512x3xf32>, vector<3x2048xf32>, vector<512x2048xf32> -> vector<512x2048xf32>
    %mul3A = arith.mulf %get3A_3, %get3A_3 : vector<512x3xf32>
    %reduce_sum3A = arith.constant dense<0.000000e+00> : vector<512xf32>
    %reduce_sum3A_10 = vector.multi_reduction <add>, %mul3A, %reduce_sum3A [1] : vector<512x3xf32> to vector<512xf32>
    %broadcast_in_dim3A = vector.shape_cast %reduce_sum3A_10 : vector<512xf32> to vector<512x1xf32>
    %mul3A_11 = arith.mulf %get3A_8, %get3A_8 : vector<3x2048xf32>
    %reduce_sum3A_12 = arith.constant dense<0.000000e+00> : vector<2048xf32>
    %reduce_sum3A_13 = vector.multi_reduction <add>, %mul3A_11, %reduce_sum3A_12 [0] : vector<3x2048xf32> to vector<2048xf32>
    %broadcast_in_dim3A_14 = vector.shape_cast %reduce_sum3A_13 : vector<2048xf32> to vector<1x2048xf32>
    %mul3A_15 = arith.constant 2.000000e+00 : f32
    %mul3A_16 = vector.broadcast %mul3A_15 : f32 to vector<512x2048xf32>
    %mul3A_17 = arith.mulf %mul3A_16, %dot_general3A_9 : vector<512x2048xf32>
    %sub3A = vector.broadcast %broadcast_in_dim3A : vector<512x1xf32> to vector<512x2048xf32>
    %sub3A_18 = arith.subf %mul3A_17, %sub3A : vector<512x2048xf32>
    %sub3A_19 = vector.broadcast %broadcast_in_dim3A_14 : vector<1x2048xf32> to vector<512x2048xf32>
    %sub3A_20 = arith.subf %sub3A_18, %sub3A_19 : vector<512x2048xf32>
    %iota3A = tpu.iota {dimensions = array<i32: 1>} : vector<512x2048xi32>
    %argmax3A = tpu.reduce_index %sub3A_20 {axis = 1 : i32, kind = #tpu.reduction_kind<arg_max>} : vector<512x2048xf32> -> vector<512xi32>
    %broadcast_in_dim3A_21 = vector.shape_cast %argmax3A : vector<512xi32> to vector<512x1xi32>
    %eq3A = vector.broadcast %broadcast_in_dim3A_21 : vector<512x1xi32> to vector<512x2048xi32>
    %eq3A_22 = arith.cmpi eq, %iota3A, %eq3A : vector<512x2048xi32>
    %jit3A = arith.constant 0xFF800000 : f32
    %broadcast_in_dim3A_23 = vector.broadcast %jit3A : f32 to vector<512x2048xf32>
    %select_n3A = arith.select %eq3A_22, %broadcast_in_dim3A_23, %sub3A_20 : vector<512x2048xi1>, vector<512x2048xf32>
    %argmax3A_24 = tpu.reduce_index %select_n3A {axis = 1 : i32, kind = #tpu.reduction_kind<arg_max>} : vector<512x2048xf32> -> vector<512xi32>
    %broadcast_in_dim3A_25 = vector.shape_cast %argmax3A_24 : vector<512xi32> to vector<512x1xi32>
    %eq3A_26 = vector.broadcast %broadcast_in_dim3A_25 : vector<512x1xi32> to vector<512x2048xi32>
    %eq3A_27 = arith.cmpi eq, %iota3A, %eq3A_26 : vector<512x2048xi32>
    %jit3A_28 = arith.constant 0xFF800000 : f32
    %broadcast_in_dim3A_29 = vector.broadcast %jit3A_28 : f32 to vector<512x2048xf32>
    %select_n3A_30 = arith.select %eq3A_27, %broadcast_in_dim3A_29, %select_n3A : vector<512x2048xi1>, vector<512x2048xf32>
    %argmax3A_31 = tpu.reduce_index %select_n3A_30 {axis = 1 : i32, kind = #tpu.reduction_kind<arg_max>} : vector<512x2048xf32> -> vector<512xi32>
    %broadcast_in_dim3A_32 = vector.shape_cast %argmax3A_31 : vector<512xi32> to vector<512x1xi32>
    %eq3A_33 = vector.broadcast %broadcast_in_dim3A_32 : vector<512x1xi32> to vector<512x2048xi32>
    %eq3A_34 = arith.cmpi eq, %iota3A, %eq3A_33 : vector<512x2048xi32>
    %jit3A_35 = arith.constant 0xFF800000 : f32
    %broadcast_in_dim3A_36 = vector.broadcast %jit3A_35 : f32 to vector<512x2048xf32>
    %select_n3A_37 = arith.select %eq3A_34, %broadcast_in_dim3A_36, %select_n3A_30 : vector<512x2048xi1>, vector<512x2048xf32>
    %argmax3A_38 = tpu.reduce_index %select_n3A_37 {axis = 1 : i32, kind = #tpu.reduction_kind<arg_max>} : vector<512x2048xf32> -> vector<512xi32>
    %broadcast_in_dim3A_39 = vector.shape_cast %argmax3A_38 : vector<512xi32> to vector<512x1xi32>
    %eq3A_40 = vector.broadcast %broadcast_in_dim3A_39 : vector<512x1xi32> to vector<512x2048xi32>
    %eq3A_41 = arith.cmpi eq, %iota3A, %eq3A_40 : vector<512x2048xi32>
    %jit3A_42 = arith.constant 0xFF800000 : f32
    %broadcast_in_dim3A_43 = vector.broadcast %jit3A_42 : f32 to vector<512x2048xf32>
    %select_n3A_44 = arith.select %eq3A_41, %broadcast_in_dim3A_43, %select_n3A_37 : vector<512x2048xi1>, vector<512x2048xf32>
    %argmax3A_45 = tpu.reduce_index %select_n3A_44 {axis = 1 : i32, kind = #tpu.reduction_kind<arg_max>} : vector<512x2048xf32> -> vector<512xi32>
    %broadcast_in_dim3A_46 = vector.shape_cast %argmax3A_45 : vector<512xi32> to vector<512x1xi32>
    %eq3A_47 = vector.broadcast %broadcast_in_dim3A_46 : vector<512x1xi32> to vector<512x2048xi32>
    %eq3A_48 = arith.cmpi eq, %iota3A, %eq3A_47 : vector<512x2048xi32>
    %jit3A_49 = arith.constant 0xFF800000 : f32
    %broadcast_in_dim3A_50 = vector.broadcast %jit3A_49 : f32 to vector<512x2048xf32>
    %select_n3A_51 = arith.select %eq3A_48, %broadcast_in_dim3A_50, %select_n3A_44 : vector<512x2048xi1>, vector<512x2048xf32>
    %argmax3A_52 = tpu.reduce_index %select_n3A_51 {axis = 1 : i32, kind = #tpu.reduction_kind<arg_max>} : vector<512x2048xf32> -> vector<512xi32>
    %broadcast_in_dim3A_53 = vector.shape_cast %argmax3A_52 : vector<512xi32> to vector<512x1xi32>
    %eq3A_54 = vector.broadcast %broadcast_in_dim3A_53 : vector<512x1xi32> to vector<512x2048xi32>
    %eq3A_55 = arith.cmpi eq, %iota3A, %eq3A_54 : vector<512x2048xi32>
    %jit3A_56 = arith.constant 0xFF800000 : f32
    %broadcast_in_dim3A_57 = vector.broadcast %jit3A_56 : f32 to vector<512x2048xf32>
    %select_n3A_58 = arith.select %eq3A_55, %broadcast_in_dim3A_57, %select_n3A_51 : vector<512x2048xi1>, vector<512x2048xf32>
    %argmax3A_59 = tpu.reduce_index %select_n3A_58 {axis = 1 : i32, kind = #tpu.reduction_kind<arg_max>} : vector<512x2048xf32> -> vector<512xi32>
    %broadcast_in_dim3A_60 = vector.shape_cast %argmax3A_59 : vector<512xi32> to vector<512x1xi32>
    %eq3A_61 = vector.broadcast %broadcast_in_dim3A_60 : vector<512x1xi32> to vector<512x2048xi32>
    %eq3A_62 = arith.cmpi eq, %iota3A, %eq3A_61 : vector<512x2048xi32>
    %jit3A_63 = arith.constant 0xFF800000 : f32
    %broadcast_in_dim3A_64 = vector.broadcast %jit3A_63 : f32 to vector<512x2048xf32>
    %select_n3A_65 = arith.select %eq3A_62, %broadcast_in_dim3A_64, %select_n3A_58 : vector<512x2048xi1>, vector<512x2048xf32>
    %argmax3A_66 = tpu.reduce_index %select_n3A_65 {axis = 1 : i32, kind = #tpu.reduction_kind<arg_max>} : vector<512x2048xf32> -> vector<512xi32>
    %broadcast_in_dim3A_67 = vector.shape_cast %argmax3A_66 : vector<512xi32> to vector<512x1xi32>
    %eq3A_68 = vector.broadcast %broadcast_in_dim3A_67 : vector<512x1xi32> to vector<512x2048xi32>
    %eq3A_69 = arith.cmpi eq, %iota3A, %eq3A_68 : vector<512x2048xi32>
    %jit3A_70 = arith.constant 0xFF800000 : f32
    %broadcast_in_dim3A_71 = vector.broadcast %jit3A_70 : f32 to vector<512x2048xf32>
    %select_n3A_72 = arith.select %eq3A_69, %broadcast_in_dim3A_71, %select_n3A_65 : vector<512x2048xi1>, vector<512x2048xf32>
    %argmax3A_73 = tpu.reduce_index %select_n3A_72 {axis = 1 : i32, kind = #tpu.reduction_kind<arg_max>} : vector<512x2048xf32> -> vector<512xi32>
    %broadcast_in_dim3A_74 = vector.shape_cast %argmax3A_73 : vector<512xi32> to vector<512x1xi32>
    %eq3A_75 = vector.broadcast %broadcast_in_dim3A_74 : vector<512x1xi32> to vector<512x2048xi32>
    %eq3A_76 = arith.cmpi eq, %iota3A, %eq3A_75 : vector<512x2048xi32>
    %jit3A_77 = arith.constant 0xFF800000 : f32
    %broadcast_in_dim3A_78 = vector.broadcast %jit3A_77 : f32 to vector<512x2048xf32>
    %select_n3A_79 = arith.select %eq3A_76, %broadcast_in_dim3A_78, %select_n3A_72 : vector<512x2048xi1>, vector<512x2048xf32>
    %argmax3A_80 = tpu.reduce_index %select_n3A_79 {axis = 1 : i32, kind = #tpu.reduction_kind<arg_max>} : vector<512x2048xf32> -> vector<512xi32>
    %broadcast_in_dim3A_81 = vector.shape_cast %argmax3A_80 : vector<512xi32> to vector<512x1xi32>
    %eq3A_82 = vector.broadcast %broadcast_in_dim3A_81 : vector<512x1xi32> to vector<512x2048xi32>
    %eq3A_83 = arith.cmpi eq, %iota3A, %eq3A_82 : vector<512x2048xi32>
    %jit3A_84 = arith.constant 0xFF800000 : f32
    %broadcast_in_dim3A_85 = vector.broadcast %jit3A_84 : f32 to vector<512x2048xf32>
    %select_n3A_86 = arith.select %eq3A_83, %broadcast_in_dim3A_85, %select_n3A_79 : vector<512x2048xi1>, vector<512x2048xf32>
    %argmax3A_87 = tpu.reduce_index %select_n3A_86 {axis = 1 : i32, kind = #tpu.reduction_kind<arg_max>} : vector<512x2048xf32> -> vector<512xi32>
    %broadcast_in_dim3A_88 = vector.shape_cast %argmax3A_87 : vector<512xi32> to vector<512x1xi32>
    %eq3A_89 = vector.broadcast %broadcast_in_dim3A_88 : vector<512x1xi32> to vector<512x2048xi32>
    %eq3A_90 = arith.cmpi eq, %iota3A, %eq3A_89 : vector<512x2048xi32>
    %jit3A_91 = arith.constant 0xFF800000 : f32
    %broadcast_in_dim3A_92 = vector.broadcast %jit3A_91 : f32 to vector<512x2048xf32>
    %select_n3A_93 = arith.select %eq3A_90, %broadcast_in_dim3A_92, %select_n3A_86 : vector<512x2048xi1>, vector<512x2048xf32>
    %argmax3A_94 = tpu.reduce_index %select_n3A_93 {axis = 1 : i32, kind = #tpu.reduction_kind<arg_max>} : vector<512x2048xf32> -> vector<512xi32>
    %broadcast_in_dim3A_95 = vector.shape_cast %argmax3A_94 : vector<512xi32> to vector<512x1xi32>
    %eq3A_96 = vector.broadcast %broadcast_in_dim3A_95 : vector<512x1xi32> to vector<512x2048xi32>
    %eq3A_97 = arith.cmpi eq, %iota3A, %eq3A_96 : vector<512x2048xi32>
    %jit3A_98 = arith.constant 0xFF800000 : f32
    %broadcast_in_dim3A_99 = vector.broadcast %jit3A_98 : f32 to vector<512x2048xf32>
    %select_n3A_100 = arith.select %eq3A_97, %broadcast_in_dim3A_99, %select_n3A_93 : vector<512x2048xi1>, vector<512x2048xf32>
    %argmax3A_101 = tpu.reduce_index %select_n3A_100 {axis = 1 : i32, kind = #tpu.reduction_kind<arg_max>} : vector<512x2048xf32> -> vector<512xi32>
    %broadcast_in_dim3A_102 = vector.shape_cast %argmax3A_101 : vector<512xi32> to vector<512x1xi32>
    %eq3A_103 = vector.broadcast %broadcast_in_dim3A_102 : vector<512x1xi32> to vector<512x2048xi32>
    %eq3A_104 = arith.cmpi eq, %iota3A, %eq3A_103 : vector<512x2048xi32>
    %jit3A_105 = arith.constant 0xFF800000 : f32
    %broadcast_in_dim3A_106 = vector.broadcast %jit3A_105 : f32 to vector<512x2048xf32>
    %select_n3A_107 = arith.select %eq3A_104, %broadcast_in_dim3A_106, %select_n3A_100 : vector<512x2048xi1>, vector<512x2048xf32>
    %argmax3A_108 = tpu.reduce_index %select_n3A_107 {axis = 1 : i32, kind = #tpu.reduction_kind<arg_max>} : vector<512x2048xf32> -> vector<512xi32>
    %broadcast_in_dim3A_109 = vector.shape_cast %argmax3A_108 : vector<512xi32> to vector<512x1xi32>
    %eq3A_110 = vector.broadcast %broadcast_in_dim3A_109 : vector<512x1xi32> to vector<512x2048xi32>
    %eq3A_111 = arith.cmpi eq, %iota3A, %eq3A_110 : vector<512x2048xi32>
    %jit3A_112 = arith.constant 0xFF800000 : f32
    %broadcast_in_dim3A_113 = vector.broadcast %jit3A_112 : f32 to vector<512x2048xf32>
    %select_n3A_114 = arith.select %eq3A_111, %broadcast_in_dim3A_113, %select_n3A_107 : vector<512x2048xi1>, vector<512x2048xf32>
    %argmax3A_115 = tpu.reduce_index %select_n3A_114 {axis = 1 : i32, kind = #tpu.reduction_kind<arg_max>} : vector<512x2048xf32> -> vector<512xi32>
    %broadcast_in_dim3A_116 = vector.shape_cast %argmax3A_115 : vector<512xi32> to vector<512x1xi32>
    %eq3A_117 = vector.broadcast %broadcast_in_dim3A_116 : vector<512x1xi32> to vector<512x2048xi32>
    %eq3A_118 = arith.cmpi eq, %iota3A, %eq3A_117 : vector<512x2048xi32>
    %jit3A_119 = arith.constant 0xFF800000 : f32
    %broadcast_in_dim3A_120 = vector.broadcast %jit3A_119 : f32 to vector<512x2048xf32>
    %select_n3A_121 = arith.select %eq3A_118, %broadcast_in_dim3A_120, %select_n3A_114 : vector<512x2048xi1>, vector<512x2048xf32>
    %argmax3A_122 = tpu.reduce_index %select_n3A_121 {axis = 1 : i32, kind = #tpu.reduction_kind<arg_max>} : vector<512x2048xf32> -> vector<512xi32>
    %broadcast_in_dim3A_123 = vector.shape_cast %argmax3A_122 : vector<512xi32> to vector<512x1xi32>
    %concatenate3A = tpu.concatenate %broadcast_in_dim3A_21, %broadcast_in_dim3A_25, %broadcast_in_dim3A_32, %broadcast_in_dim3A_39, %broadcast_in_dim3A_46, %broadcast_in_dim3A_53, %broadcast_in_dim3A_60, %broadcast_in_dim3A_67, %broadcast_in_dim3A_74, %broadcast_in_dim3A_81, %broadcast_in_dim3A_88, %broadcast_in_dim3A_95, %broadcast_in_dim3A_102, %broadcast_in_dim3A_109, %broadcast_in_dim3A_116, %broadcast_in_dim3A_123 in 1 : vector<512x1xi32>, vector<512x1xi32>, vector<512x1xi32>, vector<512x1xi32>, vector<512x1xi32>, vector<512x1xi32>, vector<512x1xi32>, vector<512x1xi32>, vector<512x1xi32>, vector<512x1xi32>, vector<512x1xi32>, vector<512x1xi32>, vector<512x1xi32>, vector<512x1xi32>, vector<512x1xi32>, vector<512x1xi32> -> vector<512x16xi32>
    %swap3A = arith.constant 0 : index
    %swap3A_124 = arith.constant 0 : index
    %swap3A_125 = arith.constant 0 : index
    %swap3A_126 = vector.load %arg4[%swap3A, %swap3A_124, %swap3A_125] : memref<1x512x16xi32, #tpu.memory_space<vmem>>, vector<1x512x16xi32>
    %swap3A_127 = vector.shape_cast %swap3A_126 : vector<1x512x16xi32> to vector<512x16xi32>
    %swap3A_128 = vector.shape_cast %concatenate3A : vector<512x16xi32> to vector<1x512x16xi32>
    tpu.vector_store %arg4[%swap3A, %swap3A_124, %swap3A_125], %swap3A_128 {strides = array<i32>} : memref<1x512x16xi32, #tpu.memory_space<vmem>>, vector<1x512x16xi32>,
    return
  }
  func.func @transform_0(%arg0: i32, %arg1: i32) -> (i32, i32, i32) {
    %c0_i32 = arith.constant 0 : i32
    %c0_i32_0 = arith.constant 0 : i32
    return %arg0, %arg1, %c0_i32 : i32, i32, i32
  }
  func.func @transform_1(%arg0: i32, %arg1: i32) -> (i32, i32, i32) {
    %c0_i32 = arith.constant 0 : i32
    %c0_i32_0 = arith.constant 0 : i32
    %c0_i32_1 = arith.constant 0 : i32
    return %arg0, %c0_i32, %c0_i32_0 : i32, i32, i32
  }
  func.func @transform_2(%arg0: i32, %arg1: i32) -> (i32, i32, i32) {
    %c0_i32 = arith.constant 0 : i32
    %c0_i32_0 = arith.constant 0 : i32
    return %arg0, %arg1, %c0_i32 : i32, i32, i32
  }
}

module attributes {stable_mosaic.version = 14 : i64} {
  func.func @_tc_edge_body(%arg0: i32, %arg1: i32, %arg2: memref<1x512x3xf32, #tpu.memory_space<vmem>>, %arg3: memref<8192x128xf32, #tpu.memory_space<vmem>>, %arg4: memref<3x32xf32, #tpu.memory_space<vmem>>, %arg5: memref<3x32xf32, #tpu.memory_space<vmem>>, %arg6: memref<512x32xf32, #tpu.memory_space<vmem>>, %arg7: memref<1x32xf32, #tpu.memory_space<vmem>>, %arg8: memref<1x32xf32, #tpu.memory_space<vmem>>) attributes {dimension_semantics = [#tpu.dimension_semantics<arbitrary>, #tpu.dimension_semantics<arbitrary>], iteration_bounds = array<i64: 8, 4>, scalar_prefetch = 0 : i64, scratch_operands = 0 : i64, tpu.core_type = #tpu.core_type<tc>, window_params = [{transform_indices = @transform_0, window_bounds = array<i64: 1, 512, 3>}, {transform_indices = @transform_1, window_bounds = array<i64: 8192, 128>}, {pipeline_mode = #tpu.pipeline_mode<synchronous>, transform_indices = @transform_2, window_bounds = array<i64: 3, 32>}, {pipeline_mode = #tpu.pipeline_mode<synchronous>, transform_indices = @transform_3, window_bounds = array<i64: 3, 32>}, {transform_indices = @transform_4, window_bounds = array<i64: 512, 32>}, {pipeline_mode = #tpu.pipeline_mode<synchronous>, transform_indices = @transform_5, window_bounds = array<i64: 1, 32>}, {pipeline_mode = #tpu.pipeline_mode<synchronous>, transform_indices = @transform_6, window_bounds = array<i64: 1, 32>}]} {
    %eq3A = arith.constant 0 : i32
    %eq3A_0 = arith.cmpi eq, %arg0, %eq3A : i32
    %eq3A_1 = arith.constant 0 : i32
    %eq3A_2 = arith.cmpi eq, %arg1, %eq3A_1 : i32
    %and3A = arith.andi %eq3A_0, %eq3A_2 : i1
    %get3A = arith.constant 0 : index
    %get3A_3 = arith.constant 0 : index
    %get3A_4 = arith.constant 0 : index
    %get3A_5 = vector.load %arg2[%get3A, %get3A_3, %get3A_4] : memref<1x512x3xf32, #tpu.memory_space<vmem>>, vector<1x512x3xf32>
    %get3A_6 = vector.shape_cast %get3A_5 : vector<1x512x3xf32> to vector<512x3xf32>
    %get3A_7 = arith.constant 0 : index
    %get3A_8 = arith.constant 0 : index
    %get3A_9 = vector.load %arg3[%get3A_7, %get3A_8] : memref<8192x128xf32, #tpu.memory_space<vmem>>, vector<8192x128xf32>
    %slice3A = vector.extract_strided_slice %get3A_9 {offsets = [0, 0], sizes = [8192, 3], strides = [1, 1]} : vector<8192x128xf32> to vector<8192x3xf32>
    %reshape3A = vector.shape_cast %slice3A : vector<8192x3xf32> to vector<512x16x3xf32>
    %broadcast_in_dim3A = vector.shape_cast %get3A_6 : vector<512x3xf32> to vector<512x1x3xf32>
    %sub3A = vector.broadcast %broadcast_in_dim3A : vector<512x1x3xf32> to vector<512x16x3xf32>
    %sub3A_10 = arith.subf %reshape3A, %sub3A : vector<512x16x3xf32>
    %reshape3A_11 = vector.shape_cast %sub3A_10 : vector<512x16x3xf32> to vector<8192x3xf32>
    %get3A_12 = arith.constant 0 : index
    %get3A_13 = arith.constant 0 : index
    %get3A_14 = vector.load %arg5[%get3A_12, %get3A_13] : memref<3x32xf32, #tpu.memory_space<vmem>>, vector<3x32xf32>
    %dot_general3A = arith.constant dense<0.000000e+00> : vector<8192x32xf32>
    %dot_general3A_15 = tpu.matmul %reshape3A_11, %get3A_14, %dot_general3A {dimension_numbers = #tpu.dot_dimension_numbers<[1], [0], [0], [1], [0, 0, 1, 1], [], []>, transpose_lhs_hint = false} : vector<8192x3xf32>, vector<3x32xf32>, vector<8192x32xf32> -> vector<8192x32xf32>
    %get3A_16 = arith.constant 0 : index
    %get3A_17 = arith.constant 0 : index
    %get3A_18 = vector.load %arg4[%get3A_16, %get3A_17] : memref<3x32xf32, #tpu.memory_space<vmem>>, vector<3x32xf32>
    %dot_general3A_19 = arith.constant dense<0.000000e+00> : vector<512x32xf32>
    %dot_general3A_20 = tpu.matmul %get3A_6, %get3A_18, %dot_general3A_19 {dimension_numbers = #tpu.dot_dimension_numbers<[1], [0], [0], [1], [0, 0, 1, 1], [], []>, transpose_lhs_hint = false} : vector<512x3xf32>, vector<3x32xf32>, vector<512x32xf32> -> vector<512x32xf32>
    %reshape3A_21 = vector.shape_cast %dot_general3A_15 : vector<8192x32xf32> to vector<512x16x32xf32>
    %broadcast_in_dim3A_22 = vector.shape_cast %dot_general3A_20 : vector<512x32xf32> to vector<512x1x32xf32>
    %add3A = vector.broadcast %broadcast_in_dim3A_22 : vector<512x1x32xf32> to vector<512x16x32xf32>
    %add3A_23 = arith.addf %reshape3A_21, %add3A : vector<512x16x32xf32>
    %reduce_max3A = arith.constant dense<0xFF800000> : vector<512x32xf32>
    %reduce_max3A_24 = vector.multi_reduction <maximumf>, %add3A_23, %reduce_max3A [1] : vector<512x16x32xf32> to vector<512x32xf32>
    %swap3A = arith.constant 0 : index
    %swap3A_25 = arith.constant 0 : index
    %swap3A_26 = vector.load %arg6[%swap3A, %swap3A_25] : memref<512x32xf32, #tpu.memory_space<vmem>>, vector<512x32xf32>
    tpu.vector_store %arg6[%swap3A, %swap3A_25], %reduce_max3A_24 {strides = array<i32>} : memref<512x32xf32, #tpu.memory_space<vmem>>, vector<512x32xf32>,
    %reduce_sum3A = arith.constant dense<0.000000e+00> : vector<512x32xf32>
    %reduce_sum3A_27 = vector.multi_reduction <add>, %add3A_23, %reduce_sum3A [1] : vector<512x16x32xf32> to vector<512x32xf32>
    %reduce_sum3A_28 = arith.constant dense<0.000000e+00> : vector<32xf32>
    %reduce_sum3A_29 = vector.multi_reduction <add>, %reduce_sum3A_27, %reduce_sum3A_28 [0] : vector<512x32xf32> to vector<32xf32>
    %broadcast_in_dim3A_30 = vector.shape_cast %reduce_sum3A_29 : vector<32xf32> to vector<1x32xf32>
    %mul3A = arith.mulf %add3A_23, %add3A_23 : vector<512x16x32xf32>
    %reduce_sum3A_31 = arith.constant dense<0.000000e+00> : vector<512x32xf32>
    %reduce_sum3A_32 = vector.multi_reduction <add>, %mul3A, %reduce_sum3A_31 [1] : vector<512x16x32xf32> to vector<512x32xf32>
    %reduce_sum3A_33 = arith.constant dense<0.000000e+00> : vector<32xf32>
    %reduce_sum3A_34 = vector.multi_reduction <add>, %reduce_sum3A_32, %reduce_sum3A_33 [0] : vector<512x32xf32> to vector<32xf32>
    %broadcast_in_dim3A_35 = vector.shape_cast %reduce_sum3A_34 : vector<32xf32> to vector<1x32xf32>
    %convert_element_type3A = arith.extui %and3A : i1 to i32
    %cond3A = arith.constant 0 : i32
    %cond3A_36 = arith.cmpi ne, %convert_element_type3A, %cond3A : i32
    scf.if %cond3A_36 {
      %broadcast_in_dim3A_51 = arith.constant 0.000000e+00 : f32
      %broadcast_in_dim3A_52 = vector.broadcast %broadcast_in_dim3A_51 : f32 to vector<1x32xf32>
      %swap3A_53 = arith.constant 0 : index
      %swap3A_54 = arith.constant 0 : index
      %swap3A_55 = vector.load %arg7[%swap3A_53, %swap3A_54] : memref<1x32xf32, #tpu.memory_space<vmem>>, vector<1x32xf32>
      tpu.vector_store %arg7[%swap3A_53, %swap3A_54], %broadcast_in_dim3A_52 {strides = array<i32>} : memref<1x32xf32, #tpu.memory_space<vmem>>, vector<1x32xf32>,
      %broadcast_in_dim3A_56 = arith.constant 0.000000e+00 : f32
      %broadcast_in_dim3A_57 = vector.broadcast %broadcast_in_dim3A_56 : f32 to vector<1x32xf32>
      %swap3A_58 = arith.constant 0 : index
      %swap3A_59 = arith.constant 0 : index
      %swap3A_60 = vector.load %arg8[%swap3A_58, %swap3A_59] : memref<1x32xf32, #tpu.memory_space<vmem>>, vector<1x32xf32>
      tpu.vector_store %arg8[%swap3A_58, %swap3A_59], %broadcast_in_dim3A_57 {strides = array<i32>} : memref<1x32xf32, #tpu.memory_space<vmem>>, vector<1x32xf32>,
    } else {
    }
    %get3A_37 = arith.constant 0 : index
    %get3A_38 = arith.constant 0 : index
    %get3A_39 = vector.load %arg7[%get3A_37, %get3A_38] : memref<1x32xf32, #tpu.memory_space<vmem>>, vector<1x32xf32>
    %add3A_40 = arith.addf %get3A_39, %broadcast_in_dim3A_30 : vector<1x32xf32>
    %swap3A_41 = arith.constant 0 : index
    %swap3A_42 = arith.constant 0 : index
    %swap3A_43 = vector.load %arg7[%swap3A_41, %swap3A_42] : memref<1x32xf32, #tpu.memory_space<vmem>>, vector<1x32xf32>
    tpu.vector_store %arg7[%swap3A_41, %swap3A_42], %add3A_40 {strides = array<i32>} : memref<1x32xf32, #tpu.memory_space<vmem>>, vector<1x32xf32>,
    %get3A_44 = arith.constant 0 : index
    %get3A_45 = arith.constant 0 : index
    %get3A_46 = vector.load %arg8[%get3A_44, %get3A_45] : memref<1x32xf32, #tpu.memory_space<vmem>>, vector<1x32xf32>
    %add3A_47 = arith.addf %get3A_46, %broadcast_in_dim3A_35 : vector<1x32xf32>
    %swap3A_48 = arith.constant 0 : index
    %swap3A_49 = arith.constant 0 : index
    %swap3A_50 = vector.load %arg8[%swap3A_48, %swap3A_49] : memref<1x32xf32, #tpu.memory_space<vmem>>, vector<1x32xf32>
    tpu.vector_store %arg8[%swap3A_48, %swap3A_49], %add3A_47 {strides = array<i32>} : memref<1x32xf32, #tpu.memory_space<vmem>>, vector<1x32xf32>,
    return
  }
  func.func @transform_0(%arg0: i32, %arg1: i32) -> (i32, i32, i32) {
    %c0_i32 = arith.constant 0 : i32
    %c0_i32_0 = arith.constant 0 : i32
    return %arg0, %arg1, %c0_i32 : i32, i32, i32
  }
  func.func @transform_1(%arg0: i32, %arg1: i32) -> (i32, i32) {
    %mul3A = arith.constant 4 : i32
    %mul3A_0 = arith.muli %arg0, %mul3A : i32
    %add3A = arith.addi %mul3A_0, %arg1 : i32
    %c0_i32 = arith.constant 0 : i32
    %c0_i32_1 = arith.constant 0 : i32
    return %add3A, %c0_i32 : i32, i32
  }
  func.func @transform_2(%arg0: i32, %arg1: i32) -> (i32, i32) {
    %c0_i32 = arith.constant 0 : i32
    %c0_i32_0 = arith.constant 0 : i32
    %c0_i32_1 = arith.constant 0 : i32
    return %c0_i32, %c0_i32_0 : i32, i32
  }
  func.func @transform_3(%arg0: i32, %arg1: i32) -> (i32, i32) {
    %c0_i32 = arith.constant 0 : i32
    %c0_i32_0 = arith.constant 0 : i32
    %c0_i32_1 = arith.constant 0 : i32
    return %c0_i32, %c0_i32_0 : i32, i32
  }
  func.func @transform_4(%arg0: i32, %arg1: i32) -> (i32, i32) {
    %mul3A = arith.constant 4 : i32
    %mul3A_0 = arith.muli %arg0, %mul3A : i32
    %add3A = arith.addi %mul3A_0, %arg1 : i32
    %c0_i32 = arith.constant 0 : i32
    %c0_i32_1 = arith.constant 0 : i32
    return %add3A, %c0_i32 : i32, i32
  }
  func.func @transform_5(%arg0: i32, %arg1: i32) -> (i32, i32) {
    %c0_i32 = arith.constant 0 : i32
    %c0_i32_0 = arith.constant 0 : i32
    %c0_i32_1 = arith.constant 0 : i32
    return %c0_i32, %c0_i32_0 : i32, i32
  }
  func.func @transform_6(%arg0: i32, %arg1: i32) -> (i32, i32) {
    %c0_i32 = arith.constant 0 : i32
    %c0_i32_0 = arith.constant 0 : i32
    %c0_i32_1 = arith.constant 0 : i32
    return %c0_i32, %c0_i32_0 : i32, i32
  }
}

module attributes {stable_mosaic.version = 14 : i64} {
  func.func @_tc_bn_body(%arg0: memref<16384x32xf32, #tpu.memory_space<vmem>>, %arg1: memref<1x32xf32, #tpu.memory_space<vmem>>, %arg2: memref<1x32xf32, #tpu.memory_space<vmem>>, %arg3: memref<1x32xf32, #tpu.memory_space<vmem>>, %arg4: memref<1x32xf32, #tpu.memory_space<vmem>>, %arg5: memref<16384x32xf32, #tpu.memory_space<vmem>>) attributes {dimension_semantics = [], scalar_prefetch = 0 : i64, scratch_operands = 0 : i64, tpu.core_type = #tpu.core_type<tc>} {
    %get3A = arith.constant 0 : index
    %get3A_0 = arith.constant 0 : index
    %get3A_1 = vector.load %arg1[%get3A, %get3A_0] : memref<1x32xf32, #tpu.memory_space<vmem>>, vector<1x32xf32>
    %div3A = arith.constant 2.621440e+05 : f32
    %div3A_2 = vector.broadcast %div3A : f32 to vector<1x32xf32>
    %div3A_3 = arith.divf %get3A_1, %div3A_2 : vector<1x32xf32>
    %get3A_4 = arith.constant 0 : index
    %get3A_5 = arith.constant 0 : index
    %get3A_6 = vector.load %arg2[%get3A_4, %get3A_5] : memref<1x32xf32, #tpu.memory_space<vmem>>, vector<1x32xf32>
    %div3A_7 = arith.constant 2.621440e+05 : f32
    %div3A_8 = vector.broadcast %div3A_7 : f32 to vector<1x32xf32>
    %div3A_9 = arith.divf %get3A_6, %div3A_8 : vector<1x32xf32>
    %mul3A = arith.mulf %div3A_3, %div3A_3 : vector<1x32xf32>
    %sub3A = arith.subf %div3A_9, %mul3A : vector<1x32xf32>
    %get3A_10 = arith.constant 0 : index
    %get3A_11 = arith.constant 0 : index
    %get3A_12 = vector.load %arg3[%get3A_10, %get3A_11] : memref<1x32xf32, #tpu.memory_space<vmem>>, vector<1x32xf32>
    %add3A = arith.constant 9.99999974E-6 : f32
    %add3A_13 = vector.broadcast %add3A : f32 to vector<1x32xf32>
    %add3A_14 = arith.addf %sub3A, %add3A_13 : vector<1x32xf32>
    %rsqrt3A = math.rsqrt %add3A_14 : vector<1x32xf32>
    %mul3A_15 = arith.mulf %get3A_12, %rsqrt3A : vector<1x32xf32>
    %get3A_16 = arith.constant 0 : index
    %get3A_17 = arith.constant 0 : index
    %get3A_18 = vector.load %arg0[%get3A_16, %get3A_17] : memref<16384x32xf32, #tpu.memory_space<vmem>>, vector<16384x32xf32>
    %sub3A_19 = vector.broadcast %div3A_3 : vector<1x32xf32> to vector<16384x32xf32>
    %sub3A_20 = arith.subf %get3A_18, %sub3A_19 : vector<16384x32xf32>
    %mul3A_21 = vector.broadcast %mul3A_15 : vector<1x32xf32> to vector<16384x32xf32>
    %mul3A_22 = arith.mulf %sub3A_20, %mul3A_21 : vector<16384x32xf32>
    %get3A_23 = arith.constant 0 : index
    %get3A_24 = arith.constant 0 : index
    %get3A_25 = vector.load %arg4[%get3A_23, %get3A_24] : memref<1x32xf32, #tpu.memory_space<vmem>>, vector<1x32xf32>
    %add3A_26 = vector.broadcast %get3A_25 : vector<1x32xf32> to vector<16384x32xf32>
    %add3A_27 = arith.addf %mul3A_22, %add3A_26 : vector<16384x32xf32>
    %max3A = arith.constant 0.000000e+00 : f32
    %max3A_28 = vector.broadcast %max3A : f32 to vector<16384x32xf32>
    %max3A_29 = arith.maximumf %add3A_27, %max3A_28 : vector<16384x32xf32>
    %swap3A = arith.constant 0 : index
    %swap3A_30 = arith.constant 0 : index
    %swap3A_31 = vector.load %arg5[%swap3A, %swap3A_30] : memref<16384x32xf32, #tpu.memory_space<vmem>>, vector<16384x32xf32>
    tpu.vector_store %arg5[%swap3A, %swap3A_30], %max3A_29 {strides = array<i32>} : memref<16384x32xf32, #tpu.memory_space<vmem>>, vector<16384x32xf32>,
    return
  }
}

module attributes {stable_mosaic.version = 14 : i64} {
  func.func @_tc_knn_body(%arg0: i32, %arg1: i32, %arg2: memref<1x512x32xf32, #tpu.memory_space<vmem>>, %arg3: memref<1x32x2048xf32, #tpu.memory_space<vmem>>, %arg4: memref<1x512x16xi32, #tpu.memory_space<vmem>>) attributes {dimension_semantics = [#tpu.dimension_semantics<arbitrary>, #tpu.dimension_semantics<arbitrary>], iteration_bounds = array<i64: 8, 4>, scalar_prefetch = 0 : i64, scratch_operands = 0 : i64, tpu.core_type = #tpu.core_type<tc>, window_params = [{transform_indices = @transform_0, window_bounds = array<i64: 1, 512, 32>}, {transform_indices = @transform_1, window_bounds = array<i64: 1, 32, 2048>}, {transform_indices = @transform_2, window_bounds = array<i64: 1, 512, 16>}]} {
    %get3A = arith.constant 0 : index
    %get3A_0 = arith.constant 0 : index
    %get3A_1 = arith.constant 0 : index
    %get3A_2 = vector.load %arg2[%get3A, %get3A_0, %get3A_1] : memref<1x512x32xf32, #tpu.memory_space<vmem>>, vector<1x512x32xf32>
    %get3A_3 = vector.shape_cast %get3A_2 : vector<1x512x32xf32> to vector<512x32xf32>
    %get3A_4 = arith.constant 0 : index
    %get3A_5 = arith.constant 0 : index
    %get3A_6 = arith.constant 0 : index
    %get3A_7 = vector.load %arg3[%get3A_4, %get3A_5, %get3A_6] : memref<1x32x2048xf32, #tpu.memory_space<vmem>>, vector<1x32x2048xf32>
    %get3A_8 = vector.shape_cast %get3A_7 : vector<1x32x2048xf32> to vector<32x2048xf32>
    %dot_general3A = arith.constant dense<0.000000e+00> : vector<512x2048xf32>
    %dot_general3A_9 = tpu.matmul %get3A_3, %get3A_8, %dot_general3A {dimension_numbers = #tpu.dot_dimension_numbers<[1], [0], [0], [1], [0, 0, 1, 1], [], []>, transpose_lhs_hint = false} : vector<512x32xf32>, vector<32x2048xf32>, vector<512x2048xf32> -> vector<512x2048xf32>
    %mul3A = arith.mulf %get3A_3, %get3A_3 : vector<512x32xf32>
    %reduce_sum3A = arith.constant dense<0.000000e+00> : vector<512xf32>
    %reduce_sum3A_10 = vector.multi_reduction <add>, %mul3A, %reduce_sum3A [1] : vector<512x32xf32> to vector<512xf32>
    %broadcast_in_dim3A = vector.shape_cast %reduce_sum3A_10 : vector<512xf32> to vector<512x1xf32>
    %mul3A_11 = arith.mulf %get3A_8, %get3A_8 : vector<32x2048xf32>
    %reduce_sum3A_12 = arith.constant dense<0.000000e+00> : vector<2048xf32>
    %reduce_sum3A_13 = vector.multi_reduction <add>, %mul3A_11, %reduce_sum3A_12 [0] : vector<32x2048xf32> to vector<2048xf32>
    %broadcast_in_dim3A_14 = vector.shape_cast %reduce_sum3A_13 : vector<2048xf32> to vector<1x2048xf32>
    %mul3A_15 = arith.constant 2.000000e+00 : f32
    %mul3A_16 = vector.broadcast %mul3A_15 : f32 to vector<512x2048xf32>
    %mul3A_17 = arith.mulf %mul3A_16, %dot_general3A_9 : vector<512x2048xf32>
    %sub3A = vector.broadcast %broadcast_in_dim3A : vector<512x1xf32> to vector<512x2048xf32>
    %sub3A_18 = arith.subf %mul3A_17, %sub3A : vector<512x2048xf32>
    %sub3A_19 = vector.broadcast %broadcast_in_dim3A_14 : vector<1x2048xf32> to vector<512x2048xf32>
    %sub3A_20 = arith.subf %sub3A_18, %sub3A_19 : vector<512x2048xf32>
    %iota3A = tpu.iota {dimensions = array<i32: 1>} : vector<512x2048xi32>
    %argmax3A = tpu.reduce_index %sub3A_20 {axis = 1 : i32, kind = #tpu.reduction_kind<arg_max>} : vector<512x2048xf32> -> vector<512xi32>
    %broadcast_in_dim3A_21 = vector.shape_cast %argmax3A : vector<512xi32> to vector<512x1xi32>
    %eq3A = vector.broadcast %broadcast_in_dim3A_21 : vector<512x1xi32> to vector<512x2048xi32>
    %eq3A_22 = arith.cmpi eq, %iota3A, %eq3A : vector<512x2048xi32>
    %jit3A = arith.constant 0xFF800000 : f32
    %broadcast_in_dim3A_23 = vector.broadcast %jit3A : f32 to vector<512x2048xf32>
    %select_n3A = arith.select %eq3A_22, %broadcast_in_dim3A_23, %sub3A_20 : vector<512x2048xi1>, vector<512x2048xf32>
    %argmax3A_24 = tpu.reduce_index %select_n3A {axis = 1 : i32, kind = #tpu.reduction_kind<arg_max>} : vector<512x2048xf32> -> vector<512xi32>
    %broadcast_in_dim3A_25 = vector.shape_cast %argmax3A_24 : vector<512xi32> to vector<512x1xi32>
    %eq3A_26 = vector.broadcast %broadcast_in_dim3A_25 : vector<512x1xi32> to vector<512x2048xi32>
    %eq3A_27 = arith.cmpi eq, %iota3A, %eq3A_26 : vector<512x2048xi32>
    %jit3A_28 = arith.constant 0xFF800000 : f32
    %broadcast_in_dim3A_29 = vector.broadcast %jit3A_28 : f32 to vector<512x2048xf32>
    %select_n3A_30 = arith.select %eq3A_27, %broadcast_in_dim3A_29, %select_n3A : vector<512x2048xi1>, vector<512x2048xf32>
    %argmax3A_31 = tpu.reduce_index %select_n3A_30 {axis = 1 : i32, kind = #tpu.reduction_kind<arg_max>} : vector<512x2048xf32> -> vector<512xi32>
    %broadcast_in_dim3A_32 = vector.shape_cast %argmax3A_31 : vector<512xi32> to vector<512x1xi32>
    %eq3A_33 = vector.broadcast %broadcast_in_dim3A_32 : vector<512x1xi32> to vector<512x2048xi32>
    %eq3A_34 = arith.cmpi eq, %iota3A, %eq3A_33 : vector<512x2048xi32>
    %jit3A_35 = arith.constant 0xFF800000 : f32
    %broadcast_in_dim3A_36 = vector.broadcast %jit3A_35 : f32 to vector<512x2048xf32>
    %select_n3A_37 = arith.select %eq3A_34, %broadcast_in_dim3A_36, %select_n3A_30 : vector<512x2048xi1>, vector<512x2048xf32>
    %argmax3A_38 = tpu.reduce_index %select_n3A_37 {axis = 1 : i32, kind = #tpu.reduction_kind<arg_max>} : vector<512x2048xf32> -> vector<512xi32>
    %broadcast_in_dim3A_39 = vector.shape_cast %argmax3A_38 : vector<512xi32> to vector<512x1xi32>
    %eq3A_40 = vector.broadcast %broadcast_in_dim3A_39 : vector<512x1xi32> to vector<512x2048xi32>
    %eq3A_41 = arith.cmpi eq, %iota3A, %eq3A_40 : vector<512x2048xi32>
    %jit3A_42 = arith.constant 0xFF800000 : f32
    %broadcast_in_dim3A_43 = vector.broadcast %jit3A_42 : f32 to vector<512x2048xf32>
    %select_n3A_44 = arith.select %eq3A_41, %broadcast_in_dim3A_43, %select_n3A_37 : vector<512x2048xi1>, vector<512x2048xf32>
    %argmax3A_45 = tpu.reduce_index %select_n3A_44 {axis = 1 : i32, kind = #tpu.reduction_kind<arg_max>} : vector<512x2048xf32> -> vector<512xi32>
    %broadcast_in_dim3A_46 = vector.shape_cast %argmax3A_45 : vector<512xi32> to vector<512x1xi32>
    %eq3A_47 = vector.broadcast %broadcast_in_dim3A_46 : vector<512x1xi32> to vector<512x2048xi32>
    %eq3A_48 = arith.cmpi eq, %iota3A, %eq3A_47 : vector<512x2048xi32>
    %jit3A_49 = arith.constant 0xFF800000 : f32
    %broadcast_in_dim3A_50 = vector.broadcast %jit3A_49 : f32 to vector<512x2048xf32>
    %select_n3A_51 = arith.select %eq3A_48, %broadcast_in_dim3A_50, %select_n3A_44 : vector<512x2048xi1>, vector<512x2048xf32>
    %argmax3A_52 = tpu.reduce_index %select_n3A_51 {axis = 1 : i32, kind = #tpu.reduction_kind<arg_max>} : vector<512x2048xf32> -> vector<512xi32>
    %broadcast_in_dim3A_53 = vector.shape_cast %argmax3A_52 : vector<512xi32> to vector<512x1xi32>
    %eq3A_54 = vector.broadcast %broadcast_in_dim3A_53 : vector<512x1xi32> to vector<512x2048xi32>
    %eq3A_55 = arith.cmpi eq, %iota3A, %eq3A_54 : vector<512x2048xi32>
    %jit3A_56 = arith.constant 0xFF800000 : f32
    %broadcast_in_dim3A_57 = vector.broadcast %jit3A_56 : f32 to vector<512x2048xf32>
    %select_n3A_58 = arith.select %eq3A_55, %broadcast_in_dim3A_57, %select_n3A_51 : vector<512x2048xi1>, vector<512x2048xf32>
    %argmax3A_59 = tpu.reduce_index %select_n3A_58 {axis = 1 : i32, kind = #tpu.reduction_kind<arg_max>} : vector<512x2048xf32> -> vector<512xi32>
    %broadcast_in_dim3A_60 = vector.shape_cast %argmax3A_59 : vector<512xi32> to vector<512x1xi32>
    %eq3A_61 = vector.broadcast %broadcast_in_dim3A_60 : vector<512x1xi32> to vector<512x2048xi32>
    %eq3A_62 = arith.cmpi eq, %iota3A, %eq3A_61 : vector<512x2048xi32>
    %jit3A_63 = arith.constant 0xFF800000 : f32
    %broadcast_in_dim3A_64 = vector.broadcast %jit3A_63 : f32 to vector<512x2048xf32>
    %select_n3A_65 = arith.select %eq3A_62, %broadcast_in_dim3A_64, %select_n3A_58 : vector<512x2048xi1>, vector<512x2048xf32>
    %argmax3A_66 = tpu.reduce_index %select_n3A_65 {axis = 1 : i32, kind = #tpu.reduction_kind<arg_max>} : vector<512x2048xf32> -> vector<512xi32>
    %broadcast_in_dim3A_67 = vector.shape_cast %argmax3A_66 : vector<512xi32> to vector<512x1xi32>
    %eq3A_68 = vector.broadcast %broadcast_in_dim3A_67 : vector<512x1xi32> to vector<512x2048xi32>
    %eq3A_69 = arith.cmpi eq, %iota3A, %eq3A_68 : vector<512x2048xi32>
    %jit3A_70 = arith.constant 0xFF800000 : f32
    %broadcast_in_dim3A_71 = vector.broadcast %jit3A_70 : f32 to vector<512x2048xf32>
    %select_n3A_72 = arith.select %eq3A_69, %broadcast_in_dim3A_71, %select_n3A_65 : vector<512x2048xi1>, vector<512x2048xf32>
    %argmax3A_73 = tpu.reduce_index %select_n3A_72 {axis = 1 : i32, kind = #tpu.reduction_kind<arg_max>} : vector<512x2048xf32> -> vector<512xi32>
    %broadcast_in_dim3A_74 = vector.shape_cast %argmax3A_73 : vector<512xi32> to vector<512x1xi32>
    %eq3A_75 = vector.broadcast %broadcast_in_dim3A_74 : vector<512x1xi32> to vector<512x2048xi32>
    %eq3A_76 = arith.cmpi eq, %iota3A, %eq3A_75 : vector<512x2048xi32>
    %jit3A_77 = arith.constant 0xFF800000 : f32
    %broadcast_in_dim3A_78 = vector.broadcast %jit3A_77 : f32 to vector<512x2048xf32>
    %select_n3A_79 = arith.select %eq3A_76, %broadcast_in_dim3A_78, %select_n3A_72 : vector<512x2048xi1>, vector<512x2048xf32>
    %argmax3A_80 = tpu.reduce_index %select_n3A_79 {axis = 1 : i32, kind = #tpu.reduction_kind<arg_max>} : vector<512x2048xf32> -> vector<512xi32>
    %broadcast_in_dim3A_81 = vector.shape_cast %argmax3A_80 : vector<512xi32> to vector<512x1xi32>
    %eq3A_82 = vector.broadcast %broadcast_in_dim3A_81 : vector<512x1xi32> to vector<512x2048xi32>
    %eq3A_83 = arith.cmpi eq, %iota3A, %eq3A_82 : vector<512x2048xi32>
    %jit3A_84 = arith.constant 0xFF800000 : f32
    %broadcast_in_dim3A_85 = vector.broadcast %jit3A_84 : f32 to vector<512x2048xf32>
    %select_n3A_86 = arith.select %eq3A_83, %broadcast_in_dim3A_85, %select_n3A_79 : vector<512x2048xi1>, vector<512x2048xf32>
    %argmax3A_87 = tpu.reduce_index %select_n3A_86 {axis = 1 : i32, kind = #tpu.reduction_kind<arg_max>} : vector<512x2048xf32> -> vector<512xi32>
    %broadcast_in_dim3A_88 = vector.shape_cast %argmax3A_87 : vector<512xi32> to vector<512x1xi32>
    %eq3A_89 = vector.broadcast %broadcast_in_dim3A_88 : vector<512x1xi32> to vector<512x2048xi32>
    %eq3A_90 = arith.cmpi eq, %iota3A, %eq3A_89 : vector<512x2048xi32>
    %jit3A_91 = arith.constant 0xFF800000 : f32
    %broadcast_in_dim3A_92 = vector.broadcast %jit3A_91 : f32 to vector<512x2048xf32>
    %select_n3A_93 = arith.select %eq3A_90, %broadcast_in_dim3A_92, %select_n3A_86 : vector<512x2048xi1>, vector<512x2048xf32>
    %argmax3A_94 = tpu.reduce_index %select_n3A_93 {axis = 1 : i32, kind = #tpu.reduction_kind<arg_max>} : vector<512x2048xf32> -> vector<512xi32>
    %broadcast_in_dim3A_95 = vector.shape_cast %argmax3A_94 : vector<512xi32> to vector<512x1xi32>
    %eq3A_96 = vector.broadcast %broadcast_in_dim3A_95 : vector<512x1xi32> to vector<512x2048xi32>
    %eq3A_97 = arith.cmpi eq, %iota3A, %eq3A_96 : vector<512x2048xi32>
    %jit3A_98 = arith.constant 0xFF800000 : f32
    %broadcast_in_dim3A_99 = vector.broadcast %jit3A_98 : f32 to vector<512x2048xf32>
    %select_n3A_100 = arith.select %eq3A_97, %broadcast_in_dim3A_99, %select_n3A_93 : vector<512x2048xi1>, vector<512x2048xf32>
    %argmax3A_101 = tpu.reduce_index %select_n3A_100 {axis = 1 : i32, kind = #tpu.reduction_kind<arg_max>} : vector<512x2048xf32> -> vector<512xi32>
    %broadcast_in_dim3A_102 = vector.shape_cast %argmax3A_101 : vector<512xi32> to vector<512x1xi32>
    %eq3A_103 = vector.broadcast %broadcast_in_dim3A_102 : vector<512x1xi32> to vector<512x2048xi32>
    %eq3A_104 = arith.cmpi eq, %iota3A, %eq3A_103 : vector<512x2048xi32>
    %jit3A_105 = arith.constant 0xFF800000 : f32
    %broadcast_in_dim3A_106 = vector.broadcast %jit3A_105 : f32 to vector<512x2048xf32>
    %select_n3A_107 = arith.select %eq3A_104, %broadcast_in_dim3A_106, %select_n3A_100 : vector<512x2048xi1>, vector<512x2048xf32>
    %argmax3A_108 = tpu.reduce_index %select_n3A_107 {axis = 1 : i32, kind = #tpu.reduction_kind<arg_max>} : vector<512x2048xf32> -> vector<512xi32>
    %broadcast_in_dim3A_109 = vector.shape_cast %argmax3A_108 : vector<512xi32> to vector<512x1xi32>
    %eq3A_110 = vector.broadcast %broadcast_in_dim3A_109 : vector<512x1xi32> to vector<512x2048xi32>
    %eq3A_111 = arith.cmpi eq, %iota3A, %eq3A_110 : vector<512x2048xi32>
    %jit3A_112 = arith.constant 0xFF800000 : f32
    %broadcast_in_dim3A_113 = vector.broadcast %jit3A_112 : f32 to vector<512x2048xf32>
    %select_n3A_114 = arith.select %eq3A_111, %broadcast_in_dim3A_113, %select_n3A_107 : vector<512x2048xi1>, vector<512x2048xf32>
    %argmax3A_115 = tpu.reduce_index %select_n3A_114 {axis = 1 : i32, kind = #tpu.reduction_kind<arg_max>} : vector<512x2048xf32> -> vector<512xi32>
    %broadcast_in_dim3A_116 = vector.shape_cast %argmax3A_115 : vector<512xi32> to vector<512x1xi32>
    %eq3A_117 = vector.broadcast %broadcast_in_dim3A_116 : vector<512x1xi32> to vector<512x2048xi32>
    %eq3A_118 = arith.cmpi eq, %iota3A, %eq3A_117 : vector<512x2048xi32>
    %jit3A_119 = arith.constant 0xFF800000 : f32
    %broadcast_in_dim3A_120 = vector.broadcast %jit3A_119 : f32 to vector<512x2048xf32>
    %select_n3A_121 = arith.select %eq3A_118, %broadcast_in_dim3A_120, %select_n3A_114 : vector<512x2048xi1>, vector<512x2048xf32>
    %argmax3A_122 = tpu.reduce_index %select_n3A_121 {axis = 1 : i32, kind = #tpu.reduction_kind<arg_max>} : vector<512x2048xf32> -> vector<512xi32>
    %broadcast_in_dim3A_123 = vector.shape_cast %argmax3A_122 : vector<512xi32> to vector<512x1xi32>
    %concatenate3A = tpu.concatenate %broadcast_in_dim3A_21, %broadcast_in_dim3A_25, %broadcast_in_dim3A_32, %broadcast_in_dim3A_39, %broadcast_in_dim3A_46, %broadcast_in_dim3A_53, %broadcast_in_dim3A_60, %broadcast_in_dim3A_67, %broadcast_in_dim3A_74, %broadcast_in_dim3A_81, %broadcast_in_dim3A_88, %broadcast_in_dim3A_95, %broadcast_in_dim3A_102, %broadcast_in_dim3A_109, %broadcast_in_dim3A_116, %broadcast_in_dim3A_123 in 1 : vector<512x1xi32>, vector<512x1xi32>, vector<512x1xi32>, vector<512x1xi32>, vector<512x1xi32>, vector<512x1xi32>, vector<512x1xi32>, vector<512x1xi32>, vector<512x1xi32>, vector<512x1xi32>, vector<512x1xi32>, vector<512x1xi32>, vector<512x1xi32>, vector<512x1xi32>, vector<512x1xi32>, vector<512x1xi32> -> vector<512x16xi32>
    %swap3A = arith.constant 0 : index
    %swap3A_124 = arith.constant 0 : index
    %swap3A_125 = arith.constant 0 : index
    %swap3A_126 = vector.load %arg4[%swap3A, %swap3A_124, %swap3A_125] : memref<1x512x16xi32, #tpu.memory_space<vmem>>, vector<1x512x16xi32>
    %swap3A_127 = vector.shape_cast %swap3A_126 : vector<1x512x16xi32> to vector<512x16xi32>
    %swap3A_128 = vector.shape_cast %concatenate3A : vector<512x16xi32> to vector<1x512x16xi32>
    tpu.vector_store %arg4[%swap3A, %swap3A_124, %swap3A_125], %swap3A_128 {strides = array<i32>} : memref<1x512x16xi32, #tpu.memory_space<vmem>>, vector<1x512x16xi32>,
    return
  }
  func.func @transform_0(%arg0: i32, %arg1: i32) -> (i32, i32, i32) {
    %c0_i32 = arith.constant 0 : i32
    %c0_i32_0 = arith.constant 0 : i32
    return %arg0, %arg1, %c0_i32 : i32, i32, i32
  }
  func.func @transform_1(%arg0: i32, %arg1: i32) -> (i32, i32, i32) {
    %c0_i32 = arith.constant 0 : i32
    %c0_i32_0 = arith.constant 0 : i32
    %c0_i32_1 = arith.constant 0 : i32
    return %arg0, %c0_i32, %c0_i32_0 : i32, i32, i32
  }
  func.func @transform_2(%arg0: i32, %arg1: i32) -> (i32, i32, i32) {
    %c0_i32 = arith.constant 0 : i32
    %c0_i32_0 = arith.constant 0 : i32
    return %arg0, %arg1, %c0_i32 : i32, i32, i32
  }
}

module attributes {stable_mosaic.version = 14 : i64} {
  func.func @_tc_edge_body(%arg0: i32, %arg1: i32, %arg2: memref<1x512x32xf32, #tpu.memory_space<vmem>>, %arg3: memref<8192x128xf32, #tpu.memory_space<vmem>>, %arg4: memref<32x32xf32, #tpu.memory_space<vmem>>, %arg5: memref<32x32xf32, #tpu.memory_space<vmem>>, %arg6: memref<512x32xf32, #tpu.memory_space<vmem>>, %arg7: memref<1x32xf32, #tpu.memory_space<vmem>>, %arg8: memref<1x32xf32, #tpu.memory_space<vmem>>) attributes {dimension_semantics = [#tpu.dimension_semantics<arbitrary>, #tpu.dimension_semantics<arbitrary>], iteration_bounds = array<i64: 8, 4>, scalar_prefetch = 0 : i64, scratch_operands = 0 : i64, tpu.core_type = #tpu.core_type<tc>, window_params = [{transform_indices = @transform_0, window_bounds = array<i64: 1, 512, 32>}, {transform_indices = @transform_1, window_bounds = array<i64: 8192, 128>}, {pipeline_mode = #tpu.pipeline_mode<synchronous>, transform_indices = @transform_2, window_bounds = array<i64: 32, 32>}, {pipeline_mode = #tpu.pipeline_mode<synchronous>, transform_indices = @transform_3, window_bounds = array<i64: 32, 32>}, {transform_indices = @transform_4, window_bounds = array<i64: 512, 32>}, {pipeline_mode = #tpu.pipeline_mode<synchronous>, transform_indices = @transform_5, window_bounds = array<i64: 1, 32>}, {pipeline_mode = #tpu.pipeline_mode<synchronous>, transform_indices = @transform_6, window_bounds = array<i64: 1, 32>}]} {
    %eq3A = arith.constant 0 : i32
    %eq3A_0 = arith.cmpi eq, %arg0, %eq3A : i32
    %eq3A_1 = arith.constant 0 : i32
    %eq3A_2 = arith.cmpi eq, %arg1, %eq3A_1 : i32
    %and3A = arith.andi %eq3A_0, %eq3A_2 : i1
    %get3A = arith.constant 0 : index
    %get3A_3 = arith.constant 0 : index
    %get3A_4 = arith.constant 0 : index
    %get3A_5 = vector.load %arg2[%get3A, %get3A_3, %get3A_4] : memref<1x512x32xf32, #tpu.memory_space<vmem>>, vector<1x512x32xf32>
    %get3A_6 = vector.shape_cast %get3A_5 : vector<1x512x32xf32> to vector<512x32xf32>
    %get3A_7 = arith.constant 0 : index
    %get3A_8 = arith.constant 0 : index
    %get3A_9 = vector.load %arg3[%get3A_7, %get3A_8] : memref<8192x128xf32, #tpu.memory_space<vmem>>, vector<8192x128xf32>
    %slice3A = vector.extract_strided_slice %get3A_9 {offsets = [0, 0], sizes = [8192, 32], strides = [1, 1]} : vector<8192x128xf32> to vector<8192x32xf32>
    %reshape3A = vector.shape_cast %slice3A : vector<8192x32xf32> to vector<512x16x32xf32>
    %broadcast_in_dim3A = vector.shape_cast %get3A_6 : vector<512x32xf32> to vector<512x1x32xf32>
    %sub3A = vector.broadcast %broadcast_in_dim3A : vector<512x1x32xf32> to vector<512x16x32xf32>
    %sub3A_10 = arith.subf %reshape3A, %sub3A : vector<512x16x32xf32>
    %reshape3A_11 = vector.shape_cast %sub3A_10 : vector<512x16x32xf32> to vector<8192x32xf32>
    %get3A_12 = arith.constant 0 : index
    %get3A_13 = arith.constant 0 : index
    %get3A_14 = vector.load %arg5[%get3A_12, %get3A_13] : memref<32x32xf32, #tpu.memory_space<vmem>>, vector<32x32xf32>
    %dot_general3A = arith.constant dense<0.000000e+00> : vector<8192x32xf32>
    %dot_general3A_15 = tpu.matmul %reshape3A_11, %get3A_14, %dot_general3A {dimension_numbers = #tpu.dot_dimension_numbers<[1], [0], [0], [1], [0, 0, 1, 1], [], []>, transpose_lhs_hint = false} : vector<8192x32xf32>, vector<32x32xf32>, vector<8192x32xf32> -> vector<8192x32xf32>
    %get3A_16 = arith.constant 0 : index
    %get3A_17 = arith.constant 0 : index
    %get3A_18 = vector.load %arg4[%get3A_16, %get3A_17] : memref<32x32xf32, #tpu.memory_space<vmem>>, vector<32x32xf32>
    %dot_general3A_19 = arith.constant dense<0.000000e+00> : vector<512x32xf32>
    %dot_general3A_20 = tpu.matmul %get3A_6, %get3A_18, %dot_general3A_19 {dimension_numbers = #tpu.dot_dimension_numbers<[1], [0], [0], [1], [0, 0, 1, 1], [], []>, transpose_lhs_hint = false} : vector<512x32xf32>, vector<32x32xf32>, vector<512x32xf32> -> vector<512x32xf32>
    %reshape3A_21 = vector.shape_cast %dot_general3A_15 : vector<8192x32xf32> to vector<512x16x32xf32>
    %broadcast_in_dim3A_22 = vector.shape_cast %dot_general3A_20 : vector<512x32xf32> to vector<512x1x32xf32>
    %add3A = vector.broadcast %broadcast_in_dim3A_22 : vector<512x1x32xf32> to vector<512x16x32xf32>
    %add3A_23 = arith.addf %reshape3A_21, %add3A : vector<512x16x32xf32>
    %reduce_max3A = arith.constant dense<0xFF800000> : vector<512x32xf32>
    %reduce_max3A_24 = vector.multi_reduction <maximumf>, %add3A_23, %reduce_max3A [1] : vector<512x16x32xf32> to vector<512x32xf32>
    %swap3A = arith.constant 0 : index
    %swap3A_25 = arith.constant 0 : index
    %swap3A_26 = vector.load %arg6[%swap3A, %swap3A_25] : memref<512x32xf32, #tpu.memory_space<vmem>>, vector<512x32xf32>
    tpu.vector_store %arg6[%swap3A, %swap3A_25], %reduce_max3A_24 {strides = array<i32>} : memref<512x32xf32, #tpu.memory_space<vmem>>, vector<512x32xf32>,
    %reduce_sum3A = arith.constant dense<0.000000e+00> : vector<512x32xf32>
    %reduce_sum3A_27 = vector.multi_reduction <add>, %add3A_23, %reduce_sum3A [1] : vector<512x16x32xf32> to vector<512x32xf32>
    %reduce_sum3A_28 = arith.constant dense<0.000000e+00> : vector<32xf32>
    %reduce_sum3A_29 = vector.multi_reduction <add>, %reduce_sum3A_27, %reduce_sum3A_28 [0] : vector<512x32xf32> to vector<32xf32>
    %broadcast_in_dim3A_30 = vector.shape_cast %reduce_sum3A_29 : vector<32xf32> to vector<1x32xf32>
    %mul3A = arith.mulf %add3A_23, %add3A_23 : vector<512x16x32xf32>
    %reduce_sum3A_31 = arith.constant dense<0.000000e+00> : vector<512x32xf32>
    %reduce_sum3A_32 = vector.multi_reduction <add>, %mul3A, %reduce_sum3A_31 [1] : vector<512x16x32xf32> to vector<512x32xf32>
    %reduce_sum3A_33 = arith.constant dense<0.000000e+00> : vector<32xf32>
    %reduce_sum3A_34 = vector.multi_reduction <add>, %reduce_sum3A_32, %reduce_sum3A_33 [0] : vector<512x32xf32> to vector<32xf32>
    %broadcast_in_dim3A_35 = vector.shape_cast %reduce_sum3A_34 : vector<32xf32> to vector<1x32xf32>
    %convert_element_type3A = arith.extui %and3A : i1 to i32
    %cond3A = arith.constant 0 : i32
    %cond3A_36 = arith.cmpi ne, %convert_element_type3A, %cond3A : i32
    scf.if %cond3A_36 {
      %broadcast_in_dim3A_51 = arith.constant 0.000000e+00 : f32
      %broadcast_in_dim3A_52 = vector.broadcast %broadcast_in_dim3A_51 : f32 to vector<1x32xf32>
      %swap3A_53 = arith.constant 0 : index
      %swap3A_54 = arith.constant 0 : index
      %swap3A_55 = vector.load %arg7[%swap3A_53, %swap3A_54] : memref<1x32xf32, #tpu.memory_space<vmem>>, vector<1x32xf32>
      tpu.vector_store %arg7[%swap3A_53, %swap3A_54], %broadcast_in_dim3A_52 {strides = array<i32>} : memref<1x32xf32, #tpu.memory_space<vmem>>, vector<1x32xf32>,
      %broadcast_in_dim3A_56 = arith.constant 0.000000e+00 : f32
      %broadcast_in_dim3A_57 = vector.broadcast %broadcast_in_dim3A_56 : f32 to vector<1x32xf32>
      %swap3A_58 = arith.constant 0 : index
      %swap3A_59 = arith.constant 0 : index
      %swap3A_60 = vector.load %arg8[%swap3A_58, %swap3A_59] : memref<1x32xf32, #tpu.memory_space<vmem>>, vector<1x32xf32>
      tpu.vector_store %arg8[%swap3A_58, %swap3A_59], %broadcast_in_dim3A_57 {strides = array<i32>} : memref<1x32xf32, #tpu.memory_space<vmem>>, vector<1x32xf32>,
    } else {
    }
    %get3A_37 = arith.constant 0 : index
    %get3A_38 = arith.constant 0 : index
    %get3A_39 = vector.load %arg7[%get3A_37, %get3A_38] : memref<1x32xf32, #tpu.memory_space<vmem>>, vector<1x32xf32>
    %add3A_40 = arith.addf %get3A_39, %broadcast_in_dim3A_30 : vector<1x32xf32>
    %swap3A_41 = arith.constant 0 : index
    %swap3A_42 = arith.constant 0 : index
    %swap3A_43 = vector.load %arg7[%swap3A_41, %swap3A_42] : memref<1x32xf32, #tpu.memory_space<vmem>>, vector<1x32xf32>
    tpu.vector_store %arg7[%swap3A_41, %swap3A_42], %add3A_40 {strides = array<i32>} : memref<1x32xf32, #tpu.memory_space<vmem>>, vector<1x32xf32>,
    %get3A_44 = arith.constant 0 : index
    %get3A_45 = arith.constant 0 : index
    %get3A_46 = vector.load %arg8[%get3A_44, %get3A_45] : memref<1x32xf32, #tpu.memory_space<vmem>>, vector<1x32xf32>
    %add3A_47 = arith.addf %get3A_46, %broadcast_in_dim3A_35 : vector<1x32xf32>
    %swap3A_48 = arith.constant 0 : index
    %swap3A_49 = arith.constant 0 : index
    %swap3A_50 = vector.load %arg8[%swap3A_48, %swap3A_49] : memref<1x32xf32, #tpu.memory_space<vmem>>, vector<1x32xf32>
    tpu.vector_store %arg8[%swap3A_48, %swap3A_49], %add3A_47 {strides = array<i32>} : memref<1x32xf32, #tpu.memory_space<vmem>>, vector<1x32xf32>,
    return
  }
  func.func @transform_0(%arg0: i32, %arg1: i32) -> (i32, i32, i32) {
    %c0_i32 = arith.constant 0 : i32
    %c0_i32_0 = arith.constant 0 : i32
    return %arg0, %arg1, %c0_i32 : i32, i32, i32
  }
  func.func @transform_1(%arg0: i32, %arg1: i32) -> (i32, i32) {
    %mul3A = arith.constant 4 : i32
    %mul3A_0 = arith.muli %arg0, %mul3A : i32
    %add3A = arith.addi %mul3A_0, %arg1 : i32
    %c0_i32 = arith.constant 0 : i32
    %c0_i32_1 = arith.constant 0 : i32
    return %add3A, %c0_i32 : i32, i32
  }
  func.func @transform_2(%arg0: i32, %arg1: i32) -> (i32, i32) {
    %c0_i32 = arith.constant 0 : i32
    %c0_i32_0 = arith.constant 0 : i32
    %c0_i32_1 = arith.constant 0 : i32
    return %c0_i32, %c0_i32_0 : i32, i32
  }
  func.func @transform_3(%arg0: i32, %arg1: i32) -> (i32, i32) {
    %c0_i32 = arith.constant 0 : i32
    %c0_i32_0 = arith.constant 0 : i32
    %c0_i32_1 = arith.constant 0 : i32
    return %c0_i32, %c0_i32_0 : i32, i32
  }
  func.func @transform_4(%arg0: i32, %arg1: i32) -> (i32, i32) {
    %mul3A = arith.constant 4 : i32
    %mul3A_0 = arith.muli %arg0, %mul3A : i32
    %add3A = arith.addi %mul3A_0, %arg1 : i32
    %c0_i32 = arith.constant 0 : i32
    %c0_i32_1 = arith.constant 0 : i32
    return %add3A, %c0_i32 : i32, i32
  }
  func.func @transform_5(%arg0: i32, %arg1: i32) -> (i32, i32) {
    %c0_i32 = arith.constant 0 : i32
    %c0_i32_0 = arith.constant 0 : i32
    %c0_i32_1 = arith.constant 0 : i32
    return %c0_i32, %c0_i32_0 : i32, i32
  }
  func.func @transform_6(%arg0: i32, %arg1: i32) -> (i32, i32) {
    %c0_i32 = arith.constant 0 : i32
    %c0_i32_0 = arith.constant 0 : i32
    %c0_i32_1 = arith.constant 0 : i32
    return %c0_i32, %c0_i32_0 : i32, i32
  }
}

module attributes {stable_mosaic.version = 14 : i64} {
  func.func @_tc_edge_body(%arg0: i32, %arg1: i32, %arg2: memref<1x512x32xf32, #tpu.memory_space<vmem>>, %arg3: memref<8192x128xf32, #tpu.memory_space<vmem>>, %arg4: memref<32x64xf32, #tpu.memory_space<vmem>>, %arg5: memref<32x64xf32, #tpu.memory_space<vmem>>, %arg6: memref<512x64xf32, #tpu.memory_space<vmem>>, %arg7: memref<1x64xf32, #tpu.memory_space<vmem>>, %arg8: memref<1x64xf32, #tpu.memory_space<vmem>>) attributes {dimension_semantics = [#tpu.dimension_semantics<arbitrary>, #tpu.dimension_semantics<arbitrary>], iteration_bounds = array<i64: 8, 4>, scalar_prefetch = 0 : i64, scratch_operands = 0 : i64, tpu.core_type = #tpu.core_type<tc>, window_params = [{transform_indices = @transform_0, window_bounds = array<i64: 1, 512, 32>}, {transform_indices = @transform_1, window_bounds = array<i64: 8192, 128>}, {pipeline_mode = #tpu.pipeline_mode<synchronous>, transform_indices = @transform_2, window_bounds = array<i64: 32, 64>}, {pipeline_mode = #tpu.pipeline_mode<synchronous>, transform_indices = @transform_3, window_bounds = array<i64: 32, 64>}, {transform_indices = @transform_4, window_bounds = array<i64: 512, 64>}, {pipeline_mode = #tpu.pipeline_mode<synchronous>, transform_indices = @transform_5, window_bounds = array<i64: 1, 64>}, {pipeline_mode = #tpu.pipeline_mode<synchronous>, transform_indices = @transform_6, window_bounds = array<i64: 1, 64>}]} {
    %eq3A = arith.constant 0 : i32
    %eq3A_0 = arith.cmpi eq, %arg0, %eq3A : i32
    %eq3A_1 = arith.constant 0 : i32
    %eq3A_2 = arith.cmpi eq, %arg1, %eq3A_1 : i32
    %and3A = arith.andi %eq3A_0, %eq3A_2 : i1
    %get3A = arith.constant 0 : index
    %get3A_3 = arith.constant 0 : index
    %get3A_4 = arith.constant 0 : index
    %get3A_5 = vector.load %arg2[%get3A, %get3A_3, %get3A_4] : memref<1x512x32xf32, #tpu.memory_space<vmem>>, vector<1x512x32xf32>
    %get3A_6 = vector.shape_cast %get3A_5 : vector<1x512x32xf32> to vector<512x32xf32>
    %get3A_7 = arith.constant 0 : index
    %get3A_8 = arith.constant 0 : index
    %get3A_9 = vector.load %arg3[%get3A_7, %get3A_8] : memref<8192x128xf32, #tpu.memory_space<vmem>>, vector<8192x128xf32>
    %slice3A = vector.extract_strided_slice %get3A_9 {offsets = [0, 0], sizes = [8192, 32], strides = [1, 1]} : vector<8192x128xf32> to vector<8192x32xf32>
    %reshape3A = vector.shape_cast %slice3A : vector<8192x32xf32> to vector<512x16x32xf32>
    %broadcast_in_dim3A = vector.shape_cast %get3A_6 : vector<512x32xf32> to vector<512x1x32xf32>
    %sub3A = vector.broadcast %broadcast_in_dim3A : vector<512x1x32xf32> to vector<512x16x32xf32>
    %sub3A_10 = arith.subf %reshape3A, %sub3A : vector<512x16x32xf32>
    %reshape3A_11 = vector.shape_cast %sub3A_10 : vector<512x16x32xf32> to vector<8192x32xf32>
    %get3A_12 = arith.constant 0 : index
    %get3A_13 = arith.constant 0 : index
    %get3A_14 = vector.load %arg5[%get3A_12, %get3A_13] : memref<32x64xf32, #tpu.memory_space<vmem>>, vector<32x64xf32>
    %dot_general3A = arith.constant dense<0.000000e+00> : vector<8192x64xf32>
    %dot_general3A_15 = tpu.matmul %reshape3A_11, %get3A_14, %dot_general3A {dimension_numbers = #tpu.dot_dimension_numbers<[1], [0], [0], [1], [0, 0, 1, 1], [], []>, transpose_lhs_hint = false} : vector<8192x32xf32>, vector<32x64xf32>, vector<8192x64xf32> -> vector<8192x64xf32>
    %get3A_16 = arith.constant 0 : index
    %get3A_17 = arith.constant 0 : index
    %get3A_18 = vector.load %arg4[%get3A_16, %get3A_17] : memref<32x64xf32, #tpu.memory_space<vmem>>, vector<32x64xf32>
    %dot_general3A_19 = arith.constant dense<0.000000e+00> : vector<512x64xf32>
    %dot_general3A_20 = tpu.matmul %get3A_6, %get3A_18, %dot_general3A_19 {dimension_numbers = #tpu.dot_dimension_numbers<[1], [0], [0], [1], [0, 0, 1, 1], [], []>, transpose_lhs_hint = false} : vector<512x32xf32>, vector<32x64xf32>, vector<512x64xf32> -> vector<512x64xf32>
    %reshape3A_21 = vector.shape_cast %dot_general3A_15 : vector<8192x64xf32> to vector<512x16x64xf32>
    %broadcast_in_dim3A_22 = vector.shape_cast %dot_general3A_20 : vector<512x64xf32> to vector<512x1x64xf32>
    %add3A = vector.broadcast %broadcast_in_dim3A_22 : vector<512x1x64xf32> to vector<512x16x64xf32>
    %add3A_23 = arith.addf %reshape3A_21, %add3A : vector<512x16x64xf32>
    %reduce_max3A = arith.constant dense<0xFF800000> : vector<512x64xf32>
    %reduce_max3A_24 = vector.multi_reduction <maximumf>, %add3A_23, %reduce_max3A [1] : vector<512x16x64xf32> to vector<512x64xf32>
    %swap3A = arith.constant 0 : index
    %swap3A_25 = arith.constant 0 : index
    %swap3A_26 = vector.load %arg6[%swap3A, %swap3A_25] : memref<512x64xf32, #tpu.memory_space<vmem>>, vector<512x64xf32>
    tpu.vector_store %arg6[%swap3A, %swap3A_25], %reduce_max3A_24 {strides = array<i32>} : memref<512x64xf32, #tpu.memory_space<vmem>>, vector<512x64xf32>,
    %reduce_sum3A = arith.constant dense<0.000000e+00> : vector<512x64xf32>
    %reduce_sum3A_27 = vector.multi_reduction <add>, %add3A_23, %reduce_sum3A [1] : vector<512x16x64xf32> to vector<512x64xf32>
    %reduce_sum3A_28 = arith.constant dense<0.000000e+00> : vector<64xf32>
    %reduce_sum3A_29 = vector.multi_reduction <add>, %reduce_sum3A_27, %reduce_sum3A_28 [0] : vector<512x64xf32> to vector<64xf32>
    %broadcast_in_dim3A_30 = vector.shape_cast %reduce_sum3A_29 : vector<64xf32> to vector<1x64xf32>
    %mul3A = arith.mulf %add3A_23, %add3A_23 : vector<512x16x64xf32>
    %reduce_sum3A_31 = arith.constant dense<0.000000e+00> : vector<512x64xf32>
    %reduce_sum3A_32 = vector.multi_reduction <add>, %mul3A, %reduce_sum3A_31 [1] : vector<512x16x64xf32> to vector<512x64xf32>
    %reduce_sum3A_33 = arith.constant dense<0.000000e+00> : vector<64xf32>
    %reduce_sum3A_34 = vector.multi_reduction <add>, %reduce_sum3A_32, %reduce_sum3A_33 [0] : vector<512x64xf32> to vector<64xf32>
    %broadcast_in_dim3A_35 = vector.shape_cast %reduce_sum3A_34 : vector<64xf32> to vector<1x64xf32>
    %convert_element_type3A = arith.extui %and3A : i1 to i32
    %cond3A = arith.constant 0 : i32
    %cond3A_36 = arith.cmpi ne, %convert_element_type3A, %cond3A : i32
    scf.if %cond3A_36 {
      %broadcast_in_dim3A_51 = arith.constant 0.000000e+00 : f32
      %broadcast_in_dim3A_52 = vector.broadcast %broadcast_in_dim3A_51 : f32 to vector<1x64xf32>
      %swap3A_53 = arith.constant 0 : index
      %swap3A_54 = arith.constant 0 : index
      %swap3A_55 = vector.load %arg7[%swap3A_53, %swap3A_54] : memref<1x64xf32, #tpu.memory_space<vmem>>, vector<1x64xf32>
      tpu.vector_store %arg7[%swap3A_53, %swap3A_54], %broadcast_in_dim3A_52 {strides = array<i32>} : memref<1x64xf32, #tpu.memory_space<vmem>>, vector<1x64xf32>,
      %broadcast_in_dim3A_56 = arith.constant 0.000000e+00 : f32
      %broadcast_in_dim3A_57 = vector.broadcast %broadcast_in_dim3A_56 : f32 to vector<1x64xf32>
      %swap3A_58 = arith.constant 0 : index
      %swap3A_59 = arith.constant 0 : index
      %swap3A_60 = vector.load %arg8[%swap3A_58, %swap3A_59] : memref<1x64xf32, #tpu.memory_space<vmem>>, vector<1x64xf32>
      tpu.vector_store %arg8[%swap3A_58, %swap3A_59], %broadcast_in_dim3A_57 {strides = array<i32>} : memref<1x64xf32, #tpu.memory_space<vmem>>, vector<1x64xf32>,
    } else {
    }
    %get3A_37 = arith.constant 0 : index
    %get3A_38 = arith.constant 0 : index
    %get3A_39 = vector.load %arg7[%get3A_37, %get3A_38] : memref<1x64xf32, #tpu.memory_space<vmem>>, vector<1x64xf32>
    %add3A_40 = arith.addf %get3A_39, %broadcast_in_dim3A_30 : vector<1x64xf32>
    %swap3A_41 = arith.constant 0 : index
    %swap3A_42 = arith.constant 0 : index
    %swap3A_43 = vector.load %arg7[%swap3A_41, %swap3A_42] : memref<1x64xf32, #tpu.memory_space<vmem>>, vector<1x64xf32>
    tpu.vector_store %arg7[%swap3A_41, %swap3A_42], %add3A_40 {strides = array<i32>} : memref<1x64xf32, #tpu.memory_space<vmem>>, vector<1x64xf32>,
    %get3A_44 = arith.constant 0 : index
    %get3A_45 = arith.constant 0 : index
    %get3A_46 = vector.load %arg8[%get3A_44, %get3A_45] : memref<1x64xf32, #tpu.memory_space<vmem>>, vector<1x64xf32>
    %add3A_47 = arith.addf %get3A_46, %broadcast_in_dim3A_35 : vector<1x64xf32>
    %swap3A_48 = arith.constant 0 : index
    %swap3A_49 = arith.constant 0 : index
    %swap3A_50 = vector.load %arg8[%swap3A_48, %swap3A_49] : memref<1x64xf32, #tpu.memory_space<vmem>>, vector<1x64xf32>
    tpu.vector_store %arg8[%swap3A_48, %swap3A_49], %add3A_47 {strides = array<i32>} : memref<1x64xf32, #tpu.memory_space<vmem>>, vector<1x64xf32>,
    return
  }
  func.func @transform_0(%arg0: i32, %arg1: i32) -> (i32, i32, i32) {
    %c0_i32 = arith.constant 0 : i32
    %c0_i32_0 = arith.constant 0 : i32
    return %arg0, %arg1, %c0_i32 : i32, i32, i32
  }
  func.func @transform_1(%arg0: i32, %arg1: i32) -> (i32, i32) {
    %mul3A = arith.constant 4 : i32
    %mul3A_0 = arith.muli %arg0, %mul3A : i32
    %add3A = arith.addi %mul3A_0, %arg1 : i32
    %c0_i32 = arith.constant 0 : i32
    %c0_i32_1 = arith.constant 0 : i32
    return %add3A, %c0_i32 : i32, i32
  }
  func.func @transform_2(%arg0: i32, %arg1: i32) -> (i32, i32) {
    %c0_i32 = arith.constant 0 : i32
    %c0_i32_0 = arith.constant 0 : i32
    %c0_i32_1 = arith.constant 0 : i32
    return %c0_i32, %c0_i32_0 : i32, i32
  }
  func.func @transform_3(%arg0: i32, %arg1: i32) -> (i32, i32) {
    %c0_i32 = arith.constant 0 : i32
    %c0_i32_0 = arith.constant 0 : i32
    %c0_i32_1 = arith.constant 0 : i32
    return %c0_i32, %c0_i32_0 : i32, i32
  }
  func.func @transform_4(%arg0: i32, %arg1: i32) -> (i32, i32) {
    %mul3A = arith.constant 4 : i32
    %mul3A_0 = arith.muli %arg0, %mul3A : i32
    %add3A = arith.addi %mul3A_0, %arg1 : i32
    %c0_i32 = arith.constant 0 : i32
    %c0_i32_1 = arith.constant 0 : i32
    return %add3A, %c0_i32 : i32, i32
  }
  func.func @transform_5(%arg0: i32, %arg1: i32) -> (i32, i32) {
    %c0_i32 = arith.constant 0 : i32
    %c0_i32_0 = arith.constant 0 : i32
    %c0_i32_1 = arith.constant 0 : i32
    return %c0_i32, %c0_i32_0 : i32, i32
  }
  func.func @transform_6(%arg0: i32, %arg1: i32) -> (i32, i32) {
    %c0_i32 = arith.constant 0 : i32
    %c0_i32_0 = arith.constant 0 : i32
    %c0_i32_1 = arith.constant 0 : i32
    return %c0_i32, %c0_i32_0 : i32, i32
  }
}

module attributes {stable_mosaic.version = 14 : i64} {
  func.func @_tc_bn_body(%arg0: memref<16384x64xf32, #tpu.memory_space<vmem>>, %arg1: memref<1x64xf32, #tpu.memory_space<vmem>>, %arg2: memref<1x64xf32, #tpu.memory_space<vmem>>, %arg3: memref<1x64xf32, #tpu.memory_space<vmem>>, %arg4: memref<1x64xf32, #tpu.memory_space<vmem>>, %arg5: memref<16384x64xf32, #tpu.memory_space<vmem>>) attributes {dimension_semantics = [], scalar_prefetch = 0 : i64, scratch_operands = 0 : i64, tpu.core_type = #tpu.core_type<tc>} {
    %get3A = arith.constant 0 : index
    %get3A_0 = arith.constant 0 : index
    %get3A_1 = vector.load %arg1[%get3A, %get3A_0] : memref<1x64xf32, #tpu.memory_space<vmem>>, vector<1x64xf32>
    %div3A = arith.constant 2.621440e+05 : f32
    %div3A_2 = vector.broadcast %div3A : f32 to vector<1x64xf32>
    %div3A_3 = arith.divf %get3A_1, %div3A_2 : vector<1x64xf32>
    %get3A_4 = arith.constant 0 : index
    %get3A_5 = arith.constant 0 : index
    %get3A_6 = vector.load %arg2[%get3A_4, %get3A_5] : memref<1x64xf32, #tpu.memory_space<vmem>>, vector<1x64xf32>
    %div3A_7 = arith.constant 2.621440e+05 : f32
    %div3A_8 = vector.broadcast %div3A_7 : f32 to vector<1x64xf32>
    %div3A_9 = arith.divf %get3A_6, %div3A_8 : vector<1x64xf32>
    %mul3A = arith.mulf %div3A_3, %div3A_3 : vector<1x64xf32>
    %sub3A = arith.subf %div3A_9, %mul3A : vector<1x64xf32>
    %get3A_10 = arith.constant 0 : index
    %get3A_11 = arith.constant 0 : index
    %get3A_12 = vector.load %arg3[%get3A_10, %get3A_11] : memref<1x64xf32, #tpu.memory_space<vmem>>, vector<1x64xf32>
    %add3A = arith.constant 9.99999974E-6 : f32
    %add3A_13 = vector.broadcast %add3A : f32 to vector<1x64xf32>
    %add3A_14 = arith.addf %sub3A, %add3A_13 : vector<1x64xf32>
    %rsqrt3A = math.rsqrt %add3A_14 : vector<1x64xf32>
    %mul3A_15 = arith.mulf %get3A_12, %rsqrt3A : vector<1x64xf32>
    %get3A_16 = arith.constant 0 : index
    %get3A_17 = arith.constant 0 : index
    %get3A_18 = vector.load %arg0[%get3A_16, %get3A_17] : memref<16384x64xf32, #tpu.memory_space<vmem>>, vector<16384x64xf32>
    %sub3A_19 = vector.broadcast %div3A_3 : vector<1x64xf32> to vector<16384x64xf32>
    %sub3A_20 = arith.subf %get3A_18, %sub3A_19 : vector<16384x64xf32>
    %mul3A_21 = vector.broadcast %mul3A_15 : vector<1x64xf32> to vector<16384x64xf32>
    %mul3A_22 = arith.mulf %sub3A_20, %mul3A_21 : vector<16384x64xf32>
    %get3A_23 = arith.constant 0 : index
    %get3A_24 = arith.constant 0 : index
    %get3A_25 = vector.load %arg4[%get3A_23, %get3A_24] : memref<1x64xf32, #tpu.memory_space<vmem>>, vector<1x64xf32>
    %add3A_26 = vector.broadcast %get3A_25 : vector<1x64xf32> to vector<16384x64xf32>
    %add3A_27 = arith.addf %mul3A_22, %add3A_26 : vector<16384x64xf32>
    %max3A = arith.constant 0.000000e+00 : f32
    %max3A_28 = vector.broadcast %max3A : f32 to vector<16384x64xf32>
    %max3A_29 = arith.maximumf %add3A_27, %max3A_28 : vector<16384x64xf32>
    %swap3A = arith.constant 0 : index
    %swap3A_30 = arith.constant 0 : index
    %swap3A_31 = vector.load %arg5[%swap3A, %swap3A_30] : memref<16384x64xf32, #tpu.memory_space<vmem>>, vector<16384x64xf32>
    tpu.vector_store %arg5[%swap3A, %swap3A_30], %max3A_29 {strides = array<i32>} : memref<16384x64xf32, #tpu.memory_space<vmem>>, vector<16384x64xf32>,
    return
  }
}

module attributes {stable_mosaic.version = 14 : i64} {
  func.func @_tc_head_body(%arg0: memref<8x2048x32xf32, #tpu.memory_space<vmem>>, %arg1: memref<8x2048x32xf32, #tpu.memory_space<vmem>>, %arg2: memref<8x2048x64xf32, #tpu.memory_space<vmem>>, %arg3: memref<128x64xf32, #tpu.memory_space<vmem>>, %arg4: memref<1x64xf32, #tpu.memory_space<vmem>>, %arg5: memref<8x64xf32, #tpu.memory_space<vmem>>) attributes {dimension_semantics = [], scalar_prefetch = 0 : i64, scratch_operands = 0 : i64, tpu.core_type = #tpu.core_type<tc>} {
    %get3A = arith.constant 0 : index
    %get3A_0 = arith.constant 0 : index
    %get3A_1 = arith.constant 0 : index
    %get3A_2 = vector.load %arg0[%get3A, %get3A_0, %get3A_1] : memref<8x2048x32xf32, #tpu.memory_space<vmem>>, vector<8x2048x32xf32>
    %reduce_max3A = arith.constant dense<0xFF800000> : vector<8x32xf32>
    %reduce_max3A_3 = vector.multi_reduction <maximumf>, %get3A_2, %reduce_max3A [1] : vector<8x2048x32xf32> to vector<8x32xf32>
    %get3A_4 = arith.constant 0 : index
    %get3A_5 = arith.constant 0 : index
    %get3A_6 = arith.constant 0 : index
    %get3A_7 = vector.load %arg1[%get3A_4, %get3A_5, %get3A_6] : memref<8x2048x32xf32, #tpu.memory_space<vmem>>, vector<8x2048x32xf32>
    %reduce_max3A_8 = arith.constant dense<0xFF800000> : vector<8x32xf32>
    %reduce_max3A_9 = vector.multi_reduction <maximumf>, %get3A_7, %reduce_max3A_8 [1] : vector<8x2048x32xf32> to vector<8x32xf32>
    %get3A_10 = arith.constant 0 : index
    %get3A_11 = arith.constant 0 : index
    %get3A_12 = arith.constant 0 : index
    %get3A_13 = vector.load %arg2[%get3A_10, %get3A_11, %get3A_12] : memref<8x2048x64xf32, #tpu.memory_space<vmem>>, vector<8x2048x64xf32>
    %reduce_max3A_14 = arith.constant dense<0xFF800000> : vector<8x64xf32>
    %reduce_max3A_15 = vector.multi_reduction <maximumf>, %get3A_13, %reduce_max3A_14 [1] : vector<8x2048x64xf32> to vector<8x64xf32>
    %concatenate3A = tpu.concatenate %reduce_max3A_3, %reduce_max3A_9, %reduce_max3A_15 in 1 : vector<8x32xf32>, vector<8x32xf32>, vector<8x64xf32> -> vector<8x128xf32>
    %get3A_16 = arith.constant 0 : index
    %get3A_17 = arith.constant 0 : index
    %get3A_18 = vector.load %arg3[%get3A_16, %get3A_17] : memref<128x64xf32, #tpu.memory_space<vmem>>, vector<128x64xf32>
    %dot_general3A = arith.constant dense<0.000000e+00> : vector<8x64xf32>
    %dot_general3A_19 = tpu.matmul %concatenate3A, %get3A_18, %dot_general3A {dimension_numbers = #tpu.dot_dimension_numbers<[1], [0], [0], [1], [0, 0, 1, 1], [], []>, transpose_lhs_hint = false} : vector<8x128xf32>, vector<128x64xf32>, vector<8x64xf32> -> vector<8x64xf32>
    %get3A_20 = arith.constant 0 : index
    %get3A_21 = arith.constant 0 : index
    %get3A_22 = vector.load %arg4[%get3A_20, %get3A_21] : memref<1x64xf32, #tpu.memory_space<vmem>>, vector<1x64xf32>
    %add3A = vector.broadcast %get3A_22 : vector<1x64xf32> to vector<8x64xf32>
    %add3A_23 = arith.addf %dot_general3A_19, %add3A : vector<8x64xf32>
    %swap3A = arith.constant 0 : index
    %swap3A_24 = arith.constant 0 : index
    %swap3A_25 = vector.load %arg5[%swap3A, %swap3A_24] : memref<8x64xf32, #tpu.memory_space<vmem>>, vector<8x64xf32>
    tpu.vector_store %arg5[%swap3A, %swap3A_24], %add3A_23 {strides = array<i32>} : memref<8x64xf32, #tpu.memory_space<vmem>>, vector<8x64xf32>,
    return
  }
}

</mosaic_0001>

<sc_bundles>
// kernel: kernel.15.cloned.1.call-start
scs
__scs_entry_jumppad:
0x0: {  	(pc) =	sbr.rel $0x88, $3  }
0x1: {  	(tag) =	ssettag $0x0;
	lr =	simm.s32 $0x1  }
0x2: {  	[smem:$0x3F95] =	sst lr;
	_ =	strace $0xD0000000  }
0x3: {  	_ = 	snop  }
0x4: {  	_ = 	snop  }
0x5: {  	_ = 	snop  }
0x6: {  	_ = 	snop  }
0x7: {  	_ = 	snop  }
__scs_overlays_trampoline_lowered:
0x8: {  	[smem:$0x3FA4] =	sst s0  }
0x9: {  	[smem:$0x3FA5] =	sst s1  }
0xa: {  	[smem:$0x3FA6] =	sst s2  }
0xb: {  	[smem:$0x3FA7] =	sst s3  }
0xc: {  	[smem:$0x3FA8] =	sst s4  }
0xd: {  	[smem:$0x3FA9] =	sst s5  }
0xe: {  	[smem:$0x3FAA] =	sst s6  }
0xf: {  	[smem:$0x3FAB] =	sst s7  }
0x10: {  	[smem:$0x3FAC] =	sst s8  }
0x11: {  	[smem:$0x3FAD] =	sst s9;
	s0 =	simm.s32 @!p0 $0x0  }
0x12: {  	s1 =	sld [smem:$0x3F93];
	s0 =	simm.s32 @p0 $0x1  }
0x13: {  	[smem:$0x3FAE] =	sst s0;
	s0 =	simm.s32 @!p1 $0x0  }
0x14: {  	s2 =	sld [smem:$0x3F92];
	s0 =	simm.s32 @p1 $0x1  }
0x15: {  	[smem:$0x3FAF] =	sst s0;
	s0 =	simm.s32 @!p2 $0x0  }
0x16: {  	s3 =	sld [smem:$0x3FDB];
	s0 =	simm.s32 @p2 $0x1  }
0x17: {  	s4 =	simm.s32 $0x1BF5;
	[smem:$0x3FB1] =	sst s0  }
0x18: {  	s0 =	sld [smem:$0x3F94];
	_ =	swait.ge [sflag:s4], $0x0  }
0x19: {  	s7 =	sld [smem:$0x3F95]  }
0x1a: {  	s8 =	sadd.s32 $0xFFFFE003, lr  }
0x1b: {  	s9 =	sadd.s32 $0xFFFFFEF7, lr;
	s5 =	simm.s32 $0xFFFFFFFF;
	p2 =	slt.u32 s8, $0xFFFFF086  }
0x1c: {  	p1 =	slt.u32 s9, $0xF7A;
	s5 =	simm.s32 @!p2 $0x0  }
0x1d: {  	s5 =	simm.s32 @p1 $0x1;
	p0 =	seq.s32 s7, s2  }
0x1e: {  	s7 =	smul.u32 @!p0 $0xF7A, s2;
	p2 =	seq.s32 @!p0 s5, $0x0  }
0x1f: {  	s9 =	smul.u32 $0xF7A, s1;
	s8 =	simm.s32 @!p0 $0x1BF5;
	p2 =	por !p2, p0  }
0x20: {  	[sflag:s8] =	ssyncset.s32 @!p0 $0xFFFFF086;
	s6 =	sadd.s32 @!p0 s3, s7;
	s7 =	simm.s32 @!p0 $0x108  }
0x21: {  	s3 =	sadd.s32 s3, s9;
	s6 =	sadd.s32 @!p0 $0x88, s6;
	s7 =	simm.s32 @p2 $0x1082  }
0x22: {  	[simem:s7], [sflag:s8] =	dma.local @!p0 [hbm:s6], $0xF7A  }
0x23: {  	s9 =	sor.u32 $0xD0000000, s2;
	s6 =	simm.s32 $0x108;
	_ =	swait.ge @!p0 [sflag:s8], $0x0  }
0x24: {  	s3 =	sadd.s32 $0x88, s3;
	s6 =	simm.s32 @!p1 $0x1082;
	[sflag:s4] =	ssyncset.s32 $0xFFFFF086  }
0x25: {  	[simem:s6], [sflag:s4] =	dma.local [hbm:s3], $0xF7A  }
0x26: {  	[smem:$0x3F95] =	sst s1;
	(tag) =	ssettag s2;
	_ =	strace s9  }
0x27: {  	s1 =	sld [smem:$0x3FA5]  }
0x28: {  	s2 =	sld [smem:$0x3FA6]  }
0x29: {  	s4 =	sld [smem:$0x3FA8]  }
0x2a: {  	p0 =	seq.s32 s5, $0x0;
	s5 =	sld [smem:$0x3FA9]  }
0x2b: {  	s6 =	sld [smem:$0x3FAA]  }
0x2c: {  	s7 =	sld [smem:$0x3FAB]  }
0x2d: {  	s3 =	simm.s32 $0x108;
	s8 =	sld [smem:$0x3FAC]  }
0x2e: {  	s3 =	simm.s32 @!p0 $0x1082;
	s9 =	sld [smem:$0x3FAD]  }
0x2f: {  	lr =	sadd.s32 s0, s3;
	s0 =	sld [smem:$0x3FA4]  }
0x30: {  	s3 =	sld [smem:$0x3FA7]  }
0x31: {  	[smem:$0x3FB0] =	sst s10  }
0x32: {  	s10 =	sld [smem:$0x3FAE];
	_ =	sdelay $0x3  }
0x33: {  	p0 =	seq.s32 s10, $0x1;
	s10 =	sld [smem:$0x3FB0];
	_ =	sdelay $0x3  }
0x34: {  	[smem:$0x3FB0] =	sst s10  }
0x35: {  	s10 =	sld [smem:$0x3FAF];
	_ =	sdelay $0x3  }
0x36: {  	p1 =	seq.s32 s10, $0x1;
	s10 =	sld [smem:$0x3FB0];
	_ =	sdelay $0x3  }
0x37: {  	[smem:$0x3FB0] =	sst s10  }
0x38: {  	s10 =	sld [smem:$0x3FB1]  }
0x39: {  	_ = 	snop;
	(pc) =	sbr.ind lr, $3  }
0x3a: {  	_ = 	snop  }
0x3b: {  	_ = 	snop  }
0x3c: {  	p2 =	seq.s32 s10, $0x1;
	s10 =	sld [smem:$0x3FB0]  }
0x3d: {  	_ =	shalt  }
0x3e: {  	_ =	shalt  }
0x3f: {  	_ =	shalt  }
0x40: {  	_ =	shalt  }
0x41: {  	_ =	shalt  }
0x42: {  	_ =	shalt  }
0x43: {  	_ =	shalt  }
0x44: {  	_ =	shalt  }
0x45: {  	_ =	shalt  }
0x46: {  	_ =	shalt  }
0x47: {  	_ =	shalt  }
0x48: {  	_ =	shalt  }
0x49: {  	_ =	shalt  }
0x4a: {  	_ =	shalt  }
0x4b: {  	_ =	shalt  }
0x4c: {  	_ =	shalt  }
0x4d: {  	_ =	shalt  }
0x4e: {  	_ =	shalt  }
0x4f: {  	_ =	shalt  }
0x50: {  	_ =	shalt  }
0x51: {  	_ =	shalt  }
0x52: {  	_ =	shalt  }
0x53: {  	_ =	shalt  }
0x54: {  	_ =	shalt  }
0x55: {  	_ =	shalt  }
0x56: {  	_ =	shalt  }
0x57: {  	_ =	shalt  }
0x58: {  	_ =	shalt  }
0x59: {  	_ =	shalt  }
0x5a: {  	_ =	shalt  }
0x5b: {  	_ =	shalt  }
0x5c: {  	_ =	shalt  }
0x5d: {  	_ =	shalt  }
0x5e: {  	_ =	shalt  }
0x5f: {  	_ =	shalt  }
0x60: {  	_ =	shalt  }
0x61: {  	_ =	shalt  }
0x62: {  	_ =	shalt  }
0x63: {  	_ =	shalt  }
0x64: {  	_ =	shalt  }
0x65: {  	_ =	shalt  }
0x66: {  	_ =	shalt  }
0x67: {  	_ =	shalt  }
0x68: {  	_ =	shalt  }
0x69: {  	_ =	shalt  }
0x6a: {  	_ =	shalt  }
0x6b: {  	_ =	shalt  }
0x6c: {  	_ =	shalt  }
0x6d: {  	_ =	shalt  }
0x6e: {  	_ =	shalt  }
0x6f: {  	_ =	shalt  }
0x70: {  	_ =	shalt  }
0x71: {  	_ =	shalt  }
0x72: {  	_ =	shalt  }
0x73: {  	_ =	shalt  }
0x74: {  	_ =	shalt  }
0x75: {  	_ =	shalt  }
0x76: {  	_ =	shalt  }
0x77: {  	_ =	shalt  }
0x78: {  	_ =	shalt  }
0x79: {  	_ =	shalt  }
0x7a: {  	_ =	shalt  }
0x7b: {  	_ =	shalt  }
0x7c: {  	_ =	shalt  }
0x7d: {  	_ =	shalt  }
0x7e: {  	_ =	shalt  }
0x7f: {  	_ =	shalt  }
0x80: {  	_ =	shalt  }
0x81: {  	_ =	shalt  }
0x82: {  	_ =	shalt  }
0x83: {  	_ =	shalt  }
0x84: {  	_ =	shalt  }
0x85: {  	_ =	shalt  }
0x86: {  	_ =	shalt  }
0x87: {  	_ =	shalt  }
.Lfunc_end0:
.L_simem_size_0:
called_computation_lowered:
.L_overlay_start_0:
0x88: {  	s2 =	sld [smem:$0x3FD9]  }
0x89: {  	s3 =	sld [smem:$0x3FFE];
	_ =	sdelay $0x1  }
0x8a: {  	s1 =	srdreg.scid  }
0x8b: {  	s0 =	sand.u32 $0x1, s1  }
0x8c: {  	s16 =	sshll.u32 s0, $0xA;
	s2 =	sadd.s32 s3, s2  }
0x8d: {  	s2 =	sadd.s32 s2, s16  }
0x8e: {  	[smem:$0x3FBC] =	sst s2  }
0x8f: {  	_ = 	snop  }
0x90: {  	(tm) =	ssettm $0x1  }
0x91: {  	s17 =	sld [smem:$0x3FFB];
	_ =	sdelay $0x3  }
0x92: {  	_ =	strace s17  }
0x93: {  	s2 =	sld [smem:$0x3FFC];
	_ =	sdelay $0x3  }
0x94: {  	_ =	strace s2  }
0x95: {  	s2 =	sld [smem:$0x3FFD];
	_ =	sdelay $0x3  }
0x96: {  	_ =	strace s2  }
0x97: {  	_ =	strace $0x8FFFFFFF  }
0x98: {  	s18 =	sld [smem:$0x3FDB];
	_ =	sdelay $0x1  }
0x99: {  	s19 =	simm.s32 $_scs_section_size  }
0x9a: {  	s4 =	simm.s32 $_size__tile_overlayer_lowered;
	s5 =	simm.s32 $_tile_overlayer_lowered  }
0x9b: {  	s22 =	simm.s32 $0x1BFF;
	s21 =	sshll.u32 s5, $0x1;
	s2 =	sadd.s32 s19, s18  }
0x9c: {  	s6 =	simm.s32 $0x0;
	s20 =	sshll.u32 s4, $0x1;
	s4 =	sadd.s32 s21, s2  }
0x9d: {  	[timem:s6], [sflag:s22] =	dma.local [hbm:s4], s20  }
0x9e: {  	_ =	swait.ge [sflag:s22], s20  }
0x9f: {  	s3 =	ssub.s32 $0x0, s20;
	[sflag:s22] =	ssyncset.done $0x0  }
0xa0: {  	[sflag:s22] =	ssyncadd.s32 s3;
	_ =	sdelay $0x1  }
0xa1: {  	s23 =	simm.s32 $0x1B8B  }
0xa2: {  	_ =	swait.ge [sflag:s23], $0x1  }
0xa3: {  	[sflag:s23] =	ssyncset.done $0x0  }
0xa4: {  	s25 =	simm.s32 $0x1B8E;
	s24 =	sld [smem:$0x3FFE];
	[sflag:s23] =	ssyncadd.s32 $0xFFFFFFFF  }
0xa5: {  	s26 =	simm.s32 $execute0_lowered;
	[smem:$0x3FD2] =	sst s25  }
0xa6: {  	s4 =	sshll.u32 s26, $0x1;
	_ =	strace $0x80000046;
	[dreg:$0x1] =	wrdreg $0xFFFFFFFF  }
0xa7: {  	s28 =	simm.s32 $_size_execute0_lowered;
	s2 =	sadd.s32 s2, s4;
	[dreg:$0x0] =	wrdreg $0x0  }
0xa8: {  	s4 =	sshll.u32 s28, $0x1;
	[dreg:$0x2] =	wrdreg s2  }
0xa9: {  	[dreg:$0x3] =	wrdreg s4  }
0xaa: {  	[dreg:$0x4] =	wrdreg $0xC0  }
0xab: {  	_ =	task [dreg:s6], $0x5FFFF  }
0xac: {  	[dreg:$0x1] =	wrdreg $0xFFFFFFFF  }
0xad: {  	[dreg:$0x0] =	wrdreg $0x60  }
0xae: {  	[dreg:$0x2] =	wrdreg s24  }
0xaf: {  	[dreg:$0x3] =	wrdreg $0x9  }
0xb0: {  	_ =	task.clear_ibuf [dreg:s6], $0x4FFFF;
	_ =	strace $0x90000046  }
0xb1: {  	s29 =	simm.s32 $0x9;
	_ =	strace $0x80000048  }
0xb2: {  	_ =	swait.ge [sflag:s29], $0x1  }
0xb3: {  	[sflag:s29] =	ssyncadd.s32 $0xFFFFFFFF  }
0xb4: {  	_ =	strace $0x90000048  }
0xb5: {  	_ =	sfence  }
0xb6: {  	s30 =	sld [smem:$0x0];
	_ =	sdelay $0x2  }
0xb7: {  	s31 =	sshll.u32 s1, $0xD;
	s1 =	sshrl.u32 s1, $0x2  }
0xb8: {  	s3 =	sand.u32 $0x4000, s31;
	s1 =	sadd.s32 s1, s30  }
0xb9: {  	s0 =	sor.u32 s3, s0;
	s1 =	sshll.u32 s1, $0x11  }
0xba: {  	s0 =	sor.u32 s1, s0  }
0xbb: {  	s0 =	sadd.s32 $0x8F2B, s0  }
0xbc: {  	[sflag:s0] =	ssyncadd.remote.s32 $0x1  }
0xbd: {  	_ =	sfence.sel $0xFFFF  }
0xbe: {  	[dreg:$0x0] =	wrdreg $0xFFFFFFFF;
	(pc) =	sbr.abs _section_cstart, $3  }
0xbf: {  	[dreg:$0x1] =	wrdreg $0xFFFFFFFF  }
0xc0: {  	_ =	task.clear_ibuf [dreg:s6], $0x2FFFF;
	_ =	strace $0x9FFFFFFF  }
0xc1: {  	(tm) =	ssettm $0x7FFFFFFF  }
tec
execute0_lowered:
.L_overlay_start_1:
0x0: {  	(tag) =	ssettag $0x1  }
0x1: {  	s4 =	rddreg [dreg:$0x0]  }
0x2: {  	s0 =	rddreg [dreg:$0x1];
	s1 =	simm.s32 $0x0;
	s2 =	srdreg.scid  }
0x3: {  	s10 =	simm.s32 $0x1200;
	s11 =	simm.s32 $0x1080;
	s12 =	simm.s32 $0x5200  }
0x4: {  	s13 =	simm.s32 $0x1100;
	s14 =	simm.s32 $0x9200;
	s15 =	simm.s32 $0x1180  }
0x5: {  	s17 =	simm.s32 $0x1;
	s18 =	simm.s32 $0x0;
	[smem:$0x7FF] =	sst s1  }
0x6: {  	s5 =	sand.u32 $0x1, s2;
	s3 =	sadd.s32 $0x84600, s4;
	s2 =	stileid.u32  }
0x7: {  	_ =	strace $0x80000047;
	s6 =	ssub.s32 $0x2, s5;
	s7 =	sshll.u32 s2, $0xE  }
0x8: {  	s8 =	sshll.u32 s2, $0x12;
	s29 =	sshll.u32 s2, $0xA;
	s30 =	sshll.u32 s5, $0x11  }
0x9: {  	s5 =	sshll.u32 s5, $0xD;
	s9 =	sshrl.u32 s6, $0x1;
	s7 =	sadd.s32 s7, s4  }
0xa: {  	s4 =	sadd.s32 s8, s4;
	s16 =	sand.u32 $0x3800, s29;
	s8 =	simm.s32 $0x80  }
0xb: {  	s6 =	ssub.s32 s6, s9;
	s31 =	sadd.s32 s30, s4;
	s7 =	sadd.s32 s5, s7  }
0xc: {  	s9 =	simm.s32 $0x1000;
	v0 =	vmov s16;
	s16 =	simm.s32 $0xD200;
	s4 =	smax.u32 s6, $0x1  }
0xd: {  	s5 =	sadd.s32 $0xC4600, s31;
	s6 =	sadd.s32 $0x44600, s7;
	s7 =	simm.s32 $0x2  }
.LBB2_1:
0xe: {  	s19 =	sadd.s32 $0x0, s6  }
0xf: {  	[tilespmem:s1], [sflag:$0x2] =	stream.linear.gather [hbm4b:s19+s1], $0x1000, $0x38;
	[tilespmem:$0x11200] =	vst v63  }
0x10: {  	_ =	swait.ge [sflag:s7], $0x1000  }
0x11: {  	[sflag:s7] =	ssyncset.done $0x0  }
0x12: {  	[sflag:s7] =	ssyncadd.s32 $0xFFFFF000  }
0x13: {  	v2 =	vld [tilespmem:$0xF80]  }
0x14: {  	v3 =	vld [tilespmem:$0xD80]  }
0x15: {  	v1 =	vld [tilespmem:$0xD00]  }
0x16: {  	v4 =	vld [tilespmem:$0xC80]  }
0x17: {  	v5 =	vld [tilespmem:$0xC00]  }
0x18: {  	v6 =	vld [tilespmem:$0xA80]  }
0x19: {  	v7 =	vld [tilespmem:$0xA00]  }
0x1a: {  	v10 =	vld [tilespmem:$0x880]  }
0x1b: {  	v9 =	vld [tilespmem:$0x580];
	v2 =	vadd.s32 v0, v2  }
0x1c: {  	v11 =	vld [tilespmem:$0x200];
	v5 =	vadd.s32 v0, v5;
	[tilespmem:$0x11F0] =	vst v2  }
0x1d: {  	v8 =	vld [tilespmem:$0xB00];
	v6 =	vadd.s32 v0, v6;
	[tilespmem:$0x1180] =	vst v5  }
0x1e: {  	v7 =	vadd.s32 v0, v7;
	v2 =	vadd.s32 v0, v4;
	v4 =	vld [tilespmem:$0x900];
	[tilespmem:$0x1150] =	vst v6  }
0x1f: {  	v10 =	vadd.s32 v0, v10;
	v5 =	vld [tilespmem:$0x700];
	[tilespmem:$0x1140] =	vst v7  }
0x20: {  	v6 =	vadd.s32 v0, v9;
	v9 =	vld [tilespmem:$0x680];
	[tilespmem:$0x1110] =	vst v10  }
0x21: {  	v11 =	vadd.s32 v0, v11;
	[tilespmem:$0x1190] =	vst v2;
	v2 =	vld [tilespmem:$0x800]  }
0x22: {  	v7 =	vld [tilespmem:$0x180];
	[tilespmem:$0x1040] =	vst v11  }
0x23: {  	[tilespmem:$0x10B0] =	vst v6;
	v6 =	vld [tilespmem:$0x600];
	v4 =	vadd.s32 v0, v4  }
0x24: {  	v10 =	vld [tilespmem:$0x480];
	v5 =	vadd.s32 v0, v5;
	[tilespmem:$0x1120] =	vst v4  }
0x25: {  	v9 =	vadd.s32 v0, v9;
	v4 =	vld [tilespmem:$0x500];
	[tilespmem:$0x10E0] =	vst v5  }
0x26: {  	v2 =	vadd.s32 v0, v2;
	v5 =	vld [tilespmem:$0x380];
	[tilespmem:$0x10D0] =	vst v9  }
0x27: {  	v7 =	vadd.s32 v0, v7;
	[tilespmem:$0x1100] =	vst v2;
	v2 =	vld [tilespmem:$0x400]  }
0x28: {  	v6 =	vadd.s32 v0, v6;
	v9 =	vld [tilespmem:$0x300];
	[tilespmem:$0x1030] =	vst v7  }
0x29: {  	v7 =	vld [tilespmem:$0x280];
	[tilespmem:$0x10C0] =	vst v6;
	v6 =	vadd.s32 v0, v10  }
0x2a: {  	v10 =	vld [tilespmem:$0xB80];
	[tilespmem:$0x1090] =	vst v6;
	v4 =	vadd.s32 v0, v4  }
0x2b: {  	v6 =	vld [tilespmem:$0x80];
	v5 =	vadd.s32 v0, v5;
	[tilespmem:$0x10A0] =	vst v4  }
0x2c: {  	v2 =	vadd.s32 v0, v2;
	v4 =	vld [tilespmem:$0x100];
	[tilespmem:$0x1070] =	vst v5  }
0x2d: {  	v5 =	vld [tilespmem:$0x0];
	[tilespmem:$0x1080] =	vst v2;
	v2 =	vadd.s32 v0, v9  }
0x2e: {  	v9 =	vadd.s32 v0, v7;
	v7 =	vld [tilespmem:$0x780];
	[tilespmem:$0x1060] =	vst v2  }
0x2f: {  	s20 =	simm.s32 $0x200;
	s21 =	smov.u32 s5;
	s19 =	smov.u32 s5;
	[tilespmem:$0x1050] =	vst v9;
	v2 =	vadd.s32 v0, v3;
	v3 =	vadd.s32 v0, v8;
	v9 =	vadd.s32 v0, v10;
	v8 =	vld [tilespmem:$0xF00]  }
.LBB2_2:
0x30: {  	p0 =	sne.s32 s20, $0x1E00  }
0x31: {  	[tilespmem:$0x1170] =	vst v9;
	v9 =	vld [tilespmem:$0xE80];
	s21 =	sadd.s32 $0x2000, s21;
	s22 =	smov.u32 s20;
	s20 =	sadd.s32 $0x200, s20  }
0x32: {  	[tilespmem:$0x1160] =	vst v3;
	v3 =	vld [tilespmem:$0xE00]  }
0x33: {  	v6 =	vadd.s32 v0, v6;
	v7 =	vadd.s32 v0, v7;
	v10 =	vld [tilespmem:$0x980];
	[tilespmem:$0x11B0] =	vst v2  }
0x34: {  	v1 =	vadd.s32 v0, v1;
	v2 =	vadd.s32 v0, v5;
	[tilespmem:$0x10F0] =	vst v7  }
0x35: {  	v4 =	vadd.s32 v0, v4;
	[tilespmem:$0x1010] =	vst v6;
	v5 =	vadd.s32 v0, v8  }
0x36: {  	v6 =	vadd.s32 v0, v9;
	[tilespmem:$0x11E0] =	vst v5  }
0x37: {  	[tilespmem:$0x11A0] =	vst v1;
	v1 =	vadd.s32 v0, v3  }
0x38: {  	v3 =	vadd.s32 v0, v10;
	[tilespmem:$0x11D0] =	vst v6  }
0x39: {  	[tilespmem:$0x1020] =	vst v4  }
0x3a: {  	[tilespmem:$0x1130] =	vst v3  }
0x3b: {  	[tilespmem:$0x11C0] =	vst v1  }
0x3c: {  	[tilespmem:$0x1000] =	vst v2  }
0x3d: {  	[tilespmem:s10], [sflag:$0x1] =	stream.indirect.gather [hbm4b:s3+s8], $0x80, s9, s8, $0xb8;
	[tilespmem:$0x11200] =	vst v63  }
0x3e: {  	_ = 	snop  }
0x3f: {  	[tilespmem:s12], [sflag:$0x1] =	stream.indirect.gather [hbm4b:s3+s8], $0x80, s11, s8, $0xb8;
	[tilespmem:$0x11200] =	vst v63  }
0x40: {  	_ = 	snop  }
0x41: {  	[tilespmem:s14], [sflag:$0x1] =	stream.indirect.gather [hbm4b:s3+s8], $0x80, s13, s8, $0xb8;
	[tilespmem:$0x11200] =	vst v63  }
0x42: {  	_ = 	snop  }
0x43: {  	[tilespmem:s16], [sflag:$0x1] =	stream.indirect.gather [hbm4b:s3+s8], $0x80, s15, s8, $0xb8;
	[tilespmem:$0x11200] =	vst v63  }
0x44: {  	_ =	swait.ge [sflag:s17], $0x4000  }
0x45: {  	[sflag:s17] =	ssyncset.done $0x0  }
0x46: {  	[sflag:s17] =	ssyncadd.s32 $0xFFFFC000  }
0x47: {  	_ =	swait.ge [sflag:s17], $0x4000  }
0x48: {  	[sflag:s17] =	ssyncset.done $0x0  }
0x49: {  	[sflag:s17] =	ssyncadd.s32 $0xFFFFC000  }
0x4a: {  	_ =	swait.ge [sflag:s17], $0x4000  }
0x4b: {  	[sflag:s17] =	ssyncset.done $0x0  }
0x4c: {  	[sflag:s17] =	ssyncadd.s32 $0xFFFFC000  }
0x4d: {  	_ =	swait.ge [sflag:s17], $0x4000  }
0x4e: {  	[sflag:s17] =	ssyncset.done $0x0  }
0x4f: {  	[sflag:s17] =	ssyncadd.s32 $0xFFFFC000  }
0x50: {  	[hbm4b:s19+s1] =	stream.linear.scatter [tilespmem:s10], [sflag:$0x2], $0x10000, $0x38;
	[tilespmem:$0x11200] =	vst v63  }
0x51: {  	s19 =	smov.u32 s21;
	_ =	swait.ge [sflag:s7], $0x10000  }
0x52: {  	[sflag:s7] =	ssyncset.done $0x0  }
0x53: {  	s22 =	sadd.s32 s22, s6;
	[sflag:s7] =	ssyncadd.s32 $0xFFFF0000  }
0x54: {  	[tilespmem:s1], [sflag:$0x2] =	stream.linear.gather [hbm4b:s22+s1], $0x1000, $0x38;
	[tilespmem:$0x11200] =	vst v63  }
0x55: {  	_ =	swait.ge [sflag:s7], $0x1000  }
0x56: {  	[sflag:s7] =	ssyncset.done $0x0  }
0x57: {  	[sflag:s7] =	ssyncadd.s32 $0xFFFFF000  }
0x58: {  	v2 =	vld [tilespmem:$0xF80]  }
0x59: {  	v3 =	vld [tilespmem:$0xD80]  }
0x5a: {  	v1 =	vld [tilespmem:$0xD00]  }
0x5b: {  	v4 =	vld [tilespmem:$0xC80]  }
0x5c: {  	v5 =	vld [tilespmem:$0xC00]  }
0x5d: {  	v6 =	vld [tilespmem:$0xB00];
	v7 =	vadd.s32 v0, v2  }
0x5e: {  	v8 =	vld [tilespmem:$0xA80];
	v2 =	vadd.s32 v0, v3;
	[tilespmem:$0x11F0] =	vst v7  }
0x5f: {  	v7 =	vld [tilespmem:$0xA00]  }
0x60: {  	v9 =	vld [tilespmem:$0x580];
	v4 =	vadd.s32 v0, v4  }
0x61: {  	v10 =	vld [tilespmem:$0x900];
	v5 =	vadd.s32 v0, v5  }
0x62: {  	v11 =	vld [tilespmem:$0x880];
	v3 =	vadd.s32 v0, v6;
	[tilespmem:$0x1190] =	vst v4  }
0x63: {  	v4 =	vld [tilespmem:$0x800];
	v6 =	vadd.s32 v0, v8;
	[tilespmem:$0x1180] =	vst v5  }
0x64: {  	v5 =	vld [tilespmem:$0x700];
	v7 =	vadd.s32 v0, v7;
	[tilespmem:$0x1150] =	vst v6  }
0x65: {  	v6 =	vadd.s32 v0, v9;
	v8 =	vld [tilespmem:$0x680];
	[tilespmem:$0x1140] =	vst v7  }
0x66: {  	[tilespmem:$0x10B0] =	vst v6;
	v6 =	vld [tilespmem:$0x600];
	v7 =	vadd.s32 v0, v10  }
0x67: {  	v9 =	vld [tilespmem:$0x180];
	v10 =	vadd.s32 v0, v11;
	[tilespmem:$0x1120] =	vst v7  }
0x68: {  	v7 =	vld [tilespmem:$0x500];
	v4 =	vadd.s32 v0, v4;
	[tilespmem:$0x1110] =	vst v10  }
0x69: {  	v10 =	vld [tilespmem:$0x480];
	v5 =	vadd.s32 v0, v5;
	[tilespmem:$0x1100] =	vst v4  }
0x6a: {  	v4 =	vld [tilespmem:$0x400];
	v8 =	vadd.s32 v0, v8;
	[tilespmem:$0x10E0] =	vst v5  }
0x6b: {  	v5 =	vld [tilespmem:$0x380];
	v6 =	vadd.s32 v0, v6;
	[tilespmem:$0x10D0] =	vst v8  }
0x6c: {  	v8 =	vadd.s32 v0, v9;
	v9 =	vld [tilespmem:$0x300];
	[tilespmem:$0x10C0] =	vst v6  }
0x6d: {  	[tilespmem:$0x1030] =	vst v8;
	v8 =	vld [tilespmem:$0x280];
	v6 =	vadd.s32 v0, v7  }
0x6e: {  	v11 =	vld [tilespmem:$0x200];
	v7 =	vadd.s32 v0, v10;
	[tilespmem:$0x10A0] =	vst v6  }
0x6f: {  	v6 =	vadd.s32 v0, v4;
	[tilespmem:$0x1090] =	vst v7;
	v10 =	vld [tilespmem:$0xB80]  }
.Ltmp0:
0x70: {  	v4 =	vld [tilespmem:$0x100];
	v5 =	vadd.s32 v0, v5;
	[tilespmem:$0x1080] =	vst v6;
	(pc) =	sbr.rel @p0 .LBB2_2-.Ltmp0, $4  }
0x71: {  	v6 =	vld [tilespmem:$0x80];
	v7 =	vadd.s32 v0, v9;
	[tilespmem:$0x1070] =	vst v5  }
0x72: {  	v8 =	vadd.s32 v0, v8;
	[tilespmem:$0x1060] =	vst v7;
	v7 =	vld [tilespmem:$0x780]  }
0x73: {  	v5 =	vld [tilespmem:$0x0];
	v9 =	vadd.s32 v0, v11;
	[tilespmem:$0x1050] =	vst v8  }
0x74: {  	[tilespmem:$0x1040] =	vst v9;
	v9 =	vadd.s32 v0, v10;
	v8 =	vld [tilespmem:$0xF00]  }
0x75: {  	[tilespmem:$0x1170] =	vst v9  }
0x76: {  	[tilespmem:$0x1160] =	vst v3  }
0x77: {  	v62 =	vld [tilespmem:$0xE80];
	[tilespmem:$0x11B0] =	vst v2;
	v1 =	vadd.s32 v0, v1  }
0x78: {  	v63 =	vld [tilespmem:$0x980];
	v2 =	vadd.s32 v0, v6;
	[tilespmem:$0x11A0] =	vst v1  }
0x79: {  	v3 =	vadd.s32 v0, v7;
	[tilespmem:$0x1010] =	vst v2  }
0x7a: {  	v1 =	vadd.s32 v0, v4;
	[tilespmem:$0x10F0] =	vst v3;
	v3 =	vld [tilespmem:$0xE00]  }
0x7b: {  	[tilespmem:$0x1020] =	vst v1;
	v2 =	vadd.s32 v0, v8  }
0x7c: {  	[tilespmem:$0x11E0] =	vst v2;
	v2 =	vadd.s32 v0, v62  }
0x7d: {  	[tilespmem:$0x11D0] =	vst v2;
	v2 =	vadd.s32 v0, v63  }
0x7e: {  	[tilespmem:$0x1130] =	vst v2;
	v2 =	vadd.s32 v0, v5  }
0x7f: {  	v1 =	vadd.s32 v0, v3;
	[tilespmem:$0x1000] =	vst v2  }
0x80: {  	[tilespmem:$0x11C0] =	vst v1  }
0x81: {  	[tilespmem:s10], [sflag:$0x1] =	stream.indirect.gather [hbm4b:s3+s8], $0x80, s9, s8, $0xb8;
	[tilespmem:$0x11200] =	vst v63  }
0x82: {  	_ = 	snop  }
0x83: {  	[tilespmem:s12], [sflag:$0x1] =	stream.indirect.gather [hbm4b:s3+s8], $0x80, s11, s8, $0xb8;
	[tilespmem:$0x11200] =	vst v63  }
0x84: {  	_ = 	snop  }
0x85: {  	[tilespmem:s14], [sflag:$0x1] =	stream.indirect.gather [hbm4b:s3+s8], $0x80, s13, s8, $0xb8;
	[tilespmem:$0x11200] =	vst v63  }
0x86: {  	_ = 	snop  }
0x87: {  	[tilespmem:s16], [sflag:$0x1] =	stream.indirect.gather [hbm4b:s3+s8], $0x80, s15, s8, $0xb8;
	[tilespmem:$0x11200] =	vst v63  }
0x88: {  	_ =	swait.ge [sflag:s17], $0x4000  }
0x89: {  	[sflag:s17] =	ssyncset.done $0x0  }
0x8a: {  	[sflag:s17] =	ssyncadd.s32 $0xFFFFC000  }
0x8b: {  	_ =	swait.ge [sflag:s17], $0x4000  }
0x8c: {  	[sflag:s17] =	ssyncset.done $0x0  }
0x8d: {  	[sflag:s17] =	ssyncadd.s32 $0xFFFFC000  }
0x8e: {  	_ =	swait.ge [sflag:s17], $0x4000  }
0x8f: {  	[sflag:s17] =	ssyncset.done $0x0  }
0x90: {  	[sflag:s17] =	ssyncadd.s32 $0xFFFFC000  }
0x91: {  	s18 =	sadd.s32 $0x1, s18;
	_ =	swait.ge [sflag:s17], $0x4000  }
0x92: {  	p0 =	sne.s32 s18, s4;
	[sflag:s17] =	ssyncset.done $0x0  }
.Ltmp1:
0x93: {  	[sflag:s17] =	ssyncadd.s32 $0xFFFFC000;
	(pc) =	sbr.rel @p0 .LBB2_1-.Ltmp1, $4  }
0x94: {  	[hbm4b:s19+s1] =	stream.linear.scatter [tilespmem:s10], [sflag:$0x2], $0x10000, $0x38;
	[tilespmem:$0x11200] =	vst v63  }
0x95: {  	_ =	swait.ge [sflag:s7], $0x10000  }
0x96: {  	[sflag:s7] =	ssyncset.done $0x0  }
0x97: {  	[sflag:s7] =	ssyncadd.s32 $0xFFFF0000  }
0x98: {  	_ =	sfence.sel $0x180000  }
0x99: {  	[bflag:$0x0] =	sbarrier.arrive $0xFFFF  }
0x9a: {  	p0 =	sne.s32 s2, $0x0;
	_ =	strace $0x90000047  }
0x9b: {  	s0 =	sadd.s32 @!p0 $0x100000, s0;
	[bflag:$0x2] =	sbarrier.arrive $0xFFFF  }
0x9c: {  	[sflag:s0] =	ssyncadd.tile.s32 @!p0 $0x1;
	_ =	shalt  }
.Lfunc_end2:
_tile_overlayer_lowered:
.L_overlay_start_2:
0x9d: {  	(tag) =	ssettag $0x2  }
0x9e: {  	s0 =	rddreg [dreg:$0x0];
	s2 =	stileid.u32  }
0x9f: {  	s1 =	rddreg [dreg:$0x1];
	p0 =	sne.s32 s2, $0x0  }
0xa0: {  	s3 =	rddreg [dreg:$0x2];
	[bflag:$0x3] =	sbarrier.arrive $0xFFFF;
	s2 =	simm.s32 @!p0 $0x1C02  }
0xa1: {  	[timem:s3], [sflag:s2] =	dma.local @!p0 [hbm:s0], s1  }
0xa2: {  	s0 =	simm.s32 @!p0 $0x2  }
0xa3: {  	_ =	swait.ge @!p0 [sflag:s0], s1  }
0xa4: {  	s1 =	ssub.s32 @!p0 $0x0, s1;
	[sflag:s0] =	ssyncset.done @!p0 $0x0  }
0xa5: {  	[sflag:s0] =	ssyncadd.s32 @!p0 s1  }
0xa6: {  	[bflag:$0x3] =	sbarrier.arrive $0xFFFF  }
0xa7: {  	_ =	shalt  }

// kernel: kernel.18.cloned.1.call-start
scs
__scs_entry_jumppad:
0x0: {  	(pc) =	sbr.rel $0x88, $3  }
0x1: {  	(tag) =	ssettag $0x0;
	lr =	simm.s32 $0x1  }
0x2: {  	[smem:$0x3F95] =	sst lr;
	_ =	strace $0xD0000000  }
0x3: {  	_ = 	snop  }
0x4: {  	_ = 	snop  }
0x5: {  	_ = 	snop  }
0x6: {  	_ = 	snop  }
0x7: {  	_ = 	snop  }
__scs_overlays_trampoline_lowered:
0x8: {  	[smem:$0x3FA4] =	sst s0  }
0x9: {  	[smem:$0x3FA5] =	sst s1  }
0xa: {  	[smem:$0x3FA6] =	sst s2  }
0xb: {  	[smem:$0x3FA7] =	sst s3  }
0xc: {  	[smem:$0x3FA8] =	sst s4  }
0xd: {  	[smem:$0x3FA9] =	sst s5  }
0xe: {  	[smem:$0x3FAA] =	sst s6  }
0xf: {  	[smem:$0x3FAB] =	sst s7  }
0x10: {  	[smem:$0x3FAC] =	sst s8  }
0x11: {  	[smem:$0x3FAD] =	sst s9;
	s0 =	simm.s32 @!p0 $0x0  }
0x12: {  	s1 =	sld [smem:$0x3F93];
	s0 =	simm.s32 @p0 $0x1  }
0x13: {  	[smem:$0x3FAE] =	sst s0;
	s0 =	simm.s32 @!p1 $0x0  }
0x14: {  	s2 =	sld [smem:$0x3F92];
	s0 =	simm.s32 @p1 $0x1  }
0x15: {  	[smem:$0x3FAF] =	sst s0;
	s0 =	simm.s32 @!p2 $0x0  }
0x16: {  	s3 =	sld [smem:$0x3FDB];
	s0 =	simm.s32 @p2 $0x1  }
0x17: {  	s4 =	simm.s32 $0x1BF5;
	[smem:$0x3FB1] =	sst s0  }
0x18: {  	s0 =	sld [smem:$0x3F94];
	_ =	swait.ge [sflag:s4], $0x0  }
0x19: {  	s7 =	sld [smem:$0x3F95]  }
0x1a: {  	s8 =	sadd.s32 $0xFFFFE003, lr  }
0x1b: {  	s9 =	sadd.s32 $0xFFFFFEF7, lr;
	s5 =	simm.s32 $0xFFFFFFFF;
	p2 =	slt.u32 s8, $0xFFFFF086  }
0x1c: {  	p1 =	slt.u32 s9, $0xF7A;
	s5 =	simm.s32 @!p2 $0x0  }
0x1d: {  	s5 =	simm.s32 @p1 $0x1;
	p0 =	seq.s32 s7, s2  }
0x1e: {  	s7 =	smul.u32 @!p0 $0xF7A, s2;
	p2 =	seq.s32 @!p0 s5, $0x0  }
0x1f: {  	s9 =	smul.u32 $0xF7A, s1;
	s8 =	simm.s32 @!p0 $0x1BF5;
	p2 =	por !p2, p0  }
0x20: {  	[sflag:s8] =	ssyncset.s32 @!p0 $0xFFFFF086;
	s6 =	sadd.s32 @!p0 s3, s7;
	s7 =	simm.s32 @!p0 $0x108  }
0x21: {  	s3 =	sadd.s32 s3, s9;
	s6 =	sadd.s32 @!p0 $0x88, s6;
	s7 =	simm.s32 @p2 $0x1082  }
0x22: {  	[simem:s7], [sflag:s8] =	dma.local @!p0 [hbm:s6], $0xF7A  }
0x23: {  	s9 =	sor.u32 $0xD0000000, s2;
	s6 =	simm.s32 $0x108;
	_ =	swait.ge @!p0 [sflag:s8], $0x0  }
0x24: {  	s3 =	sadd.s32 $0x88, s3;
	s6 =	simm.s32 @!p1 $0x1082;
	[sflag:s4] =	ssyncset.s32 $0xFFFFF086  }
0x25: {  	[simem:s6], [sflag:s4] =	dma.local [hbm:s3], $0xF7A  }
0x26: {  	[smem:$0x3F95] =	sst s1;
	(tag) =	ssettag s2;
	_ =	strace s9  }
0x27: {  	s1 =	sld [smem:$0x3FA5]  }
0x28: {  	s2 =	sld [smem:$0x3FA6]  }
0x29: {  	s4 =	sld [smem:$0x3FA8]  }
0x2a: {  	p0 =	seq.s32 s5, $0x0;
	s5 =	sld [smem:$0x3FA9]  }
0x2b: {  	s6 =	sld [smem:$0x3FAA]  }
0x2c: {  	s7 =	sld [smem:$0x3FAB]  }
0x2d: {  	s3 =	simm.s32 $0x108;
	s8 =	sld [smem:$0x3FAC]  }
0x2e: {  	s3 =	simm.s32 @!p0 $0x1082;
	s9 =	sld [smem:$0x3FAD]  }
0x2f: {  	lr =	sadd.s32 s0, s3;
	s0 =	sld [smem:$0x3FA4]  }
0x30: {  	s3 =	sld [smem:$0x3FA7]  }
0x31: {  	[smem:$0x3FB0] =	sst s10  }
0x32: {  	s10 =	sld [smem:$0x3FAE];
	_ =	sdelay $0x3  }
0x33: {  	p0 =	seq.s32 s10, $0x1;
	s10 =	sld [smem:$0x3FB0];
	_ =	sdelay $0x3  }
0x34: {  	[smem:$0x3FB0] =	sst s10  }
0x35: {  	s10 =	sld [smem:$0x3FAF];
	_ =	sdelay $0x3  }
0x36: {  	p1 =	seq.s32 s10, $0x1;
	s10 =	sld [smem:$0x3FB0];
	_ =	sdelay $0x3  }
0x37: {  	[smem:$0x3FB0] =	sst s10  }
0x38: {  	s10 =	sld [smem:$0x3FB1]  }
0x39: {  	_ = 	snop;
	(pc) =	sbr.ind lr, $3  }
0x3a: {  	_ = 	snop  }
0x3b: {  	_ = 	snop  }
0x3c: {  	p2 =	seq.s32 s10, $0x1;
	s10 =	sld [smem:$0x3FB0]  }
0x3d: {  	_ =	shalt  }
0x3e: {  	_ =	shalt  }
0x3f: {  	_ =	shalt  }
0x40: {  	_ =	shalt  }
0x41: {  	_ =	shalt  }
0x42: {  	_ =	shalt  }
0x43: {  	_ =	shalt  }
0x44: {  	_ =	shalt  }
0x45: {  	_ =	shalt  }
0x46: {  	_ =	shalt  }
0x47: {  	_ =	shalt  }
0x48: {  	_ =	shalt  }
0x49: {  	_ =	shalt  }
0x4a: {  	_ =	shalt  }
0x4b: {  	_ =	shalt  }
0x4c: {  	_ =	shalt  }
0x4d: {  	_ =	shalt  }
0x4e: {  	_ =	shalt  }
0x4f: {  	_ =	shalt  }
0x50: {  	_ =	shalt  }
0x51: {  	_ =	shalt  }
0x52: {  	_ =	shalt  }
0x53: {  	_ =	shalt  }
0x54: {  	_ =	shalt  }
0x55: {  	_ =	shalt  }
0x56: {  	_ =	shalt  }
0x57: {  	_ =	shalt  }
0x58: {  	_ =	shalt  }
0x59: {  	_ =	shalt  }
0x5a: {  	_ =	shalt  }
0x5b: {  	_ =	shalt  }
0x5c: {  	_ =	shalt  }
0x5d: {  	_ =	shalt  }
0x5e: {  	_ =	shalt  }
0x5f: {  	_ =	shalt  }
0x60: {  	_ =	shalt  }
0x61: {  	_ =	shalt  }
0x62: {  	_ =	shalt  }
0x63: {  	_ =	shalt  }
0x64: {  	_ =	shalt  }
0x65: {  	_ =	shalt  }
0x66: {  	_ =	shalt  }
0x67: {  	_ =	shalt  }
0x68: {  	_ =	shalt  }
0x69: {  	_ =	shalt  }
0x6a: {  	_ =	shalt  }
0x6b: {  	_ =	shalt  }
0x6c: {  	_ =	shalt  }
0x6d: {  	_ =	shalt  }
0x6e: {  	_ =	shalt  }
0x6f: {  	_ =	shalt  }
0x70: {  	_ =	shalt  }
0x71: {  	_ =	shalt  }
0x72: {  	_ =	shalt  }
0x73: {  	_ =	shalt  }
0x74: {  	_ =	shalt  }
0x75: {  	_ =	shalt  }
0x76: {  	_ =	shalt  }
0x77: {  	_ =	shalt  }
0x78: {  	_ =	shalt  }
0x79: {  	_ =	shalt  }
0x7a: {  	_ =	shalt  }
0x7b: {  	_ =	shalt  }
0x7c: {  	_ =	shalt  }
0x7d: {  	_ =	shalt  }
0x7e: {  	_ =	shalt  }
0x7f: {  	_ =	shalt  }
0x80: {  	_ =	shalt  }
0x81: {  	_ =	shalt  }
0x82: {  	_ =	shalt  }
0x83: {  	_ =	shalt  }
0x84: {  	_ =	shalt  }
0x85: {  	_ =	shalt  }
0x86: {  	_ =	shalt  }
0x87: {  	_ =	shalt  }
.Lfunc_end0:
.L_simem_size_0:
called_computation.1_lowered:
.L_overlay_start_0:
0x88: {  	s2 =	sld [smem:$0x3FD9]  }
0x89: {  	s3 =	sld [smem:$0x3FFE];
	_ =	sdelay $0x1  }
0x8a: {  	s1 =	srdreg.scid  }
0x8b: {  	s0 =	sand.u32 $0x1, s1  }
0x8c: {  	s16 =	sshll.u32 s0, $0xA;
	s2 =	sadd.s32 s3, s2  }
0x8d: {  	s2 =	sadd.s32 s2, s16  }
0x8e: {  	[smem:$0x3FBC] =	sst s2  }
0x8f: {  	_ = 	snop  }
0x90: {  	(tm) =	ssettm $0x1  }
0x91: {  	s17 =	sld [smem:$0x3FFB];
	_ =	sdelay $0x3  }
0x92: {  	_ =	strace s17  }
0x93: {  	s2 =	sld [smem:$0x3FFC];
	_ =	sdelay $0x3  }
0x94: {  	_ =	strace s2  }
0x95: {  	s2 =	sld [smem:$0x3FFD];
	_ =	sdelay $0x3  }
0x96: {  	_ =	strace s2  }
0x97: {  	_ =	strace $0x8FFFFFFF  }
0x98: {  	s18 =	sld [smem:$0x3FDB];
	_ =	sdelay $0x1  }
0x99: {  	s19 =	simm.s32 $_scs_section_size  }
0x9a: {  	s4 =	simm.s32 $_size__tile_overlayer_lowered;
	s5 =	simm.s32 $_tile_overlayer_lowered  }
0x9b: {  	s22 =	simm.s32 $0x1BFF;
	s21 =	sshll.u32 s5, $0x1;
	s2 =	sadd.s32 s19, s18  }
0x9c: {  	s6 =	simm.s32 $0x0;
	s20 =	sshll.u32 s4, $0x1;
	s4 =	sadd.s32 s21, s2  }
0x9d: {  	[timem:s6], [sflag:s22] =	dma.local [hbm:s4], s20  }
0x9e: {  	_ =	swait.ge [sflag:s22], s20  }
0x9f: {  	s3 =	ssub.s32 $0x0, s20;
	[sflag:s22] =	ssyncset.done $0x0  }
0xa0: {  	[sflag:s22] =	ssyncadd.s32 s3;
	_ =	sdelay $0x1  }
0xa1: {  	s23 =	simm.s32 $0x1B8B  }
0xa2: {  	_ =	swait.ge [sflag:s23], $0x1  }
0xa3: {  	[sflag:s23] =	ssyncset.done $0x0  }
0xa4: {  	s25 =	simm.s32 $0x1B8E;
	s24 =	sld [smem:$0x3FFE];
	[sflag:s23] =	ssyncadd.s32 $0xFFFFFFFF  }
0xa5: {  	s26 =	simm.s32 $execute0_lowered;
	[smem:$0x3FD2] =	sst s25  }
0xa6: {  	s4 =	sshll.u32 s26, $0x1;
	_ =	strace $0x80000049;
	[dreg:$0x1] =	wrdreg $0xFFFFFFFF  }
0xa7: {  	s28 =	simm.s32 $_size_execute0_lowered;
	s2 =	sadd.s32 s2, s4;
	[dreg:$0x0] =	wrdreg $0x0  }
0xa8: {  	s4 =	sshll.u32 s28, $0x1;
	[dreg:$0x2] =	wrdreg s2  }
0xa9: {  	[dreg:$0x3] =	wrdreg s4  }
0xaa: {  	[dreg:$0x4] =	wrdreg $0xC0  }
0xab: {  	_ =	task [dreg:s6], $0x5FFFF  }
0xac: {  	[dreg:$0x1] =	wrdreg $0xFFFFFFFF  }
0xad: {  	[dreg:$0x0] =	wrdreg $0x60  }
0xae: {  	[dreg:$0x2] =	wrdreg s24  }
0xaf: {  	[dreg:$0x3] =	wrdreg $0x9  }
0xb0: {  	_ =	task.clear_ibuf [dreg:s6], $0x4FFFF;
	_ =	strace $0x90000049  }
0xb1: {  	s29 =	simm.s32 $0x9;
	_ =	strace $0x8000004B  }
0xb2: {  	_ =	swait.ge [sflag:s29], $0x1  }
0xb3: {  	[sflag:s29] =	ssyncadd.s32 $0xFFFFFFFF  }
0xb4: {  	_ =	strace $0x9000004B  }
0xb5: {  	_ =	sfence  }
0xb6: {  	s30 =	sld [smem:$0x0];
	_ =	sdelay $0x2  }
0xb7: {  	s31 =	sshll.u32 s1, $0xD;
	s1 =	sshrl.u32 s1, $0x2  }
0xb8: {  	s3 =	sand.u32 $0x4000, s31;
	s1 =	sadd.s32 s1, s30  }
0xb9: {  	s0 =	sor.u32 s3, s0;
	s1 =	sshll.u32 s1, $0x11  }
0xba: {  	s0 =	sor.u32 s1, s0  }
0xbb: {  	s0 =	sadd.s32 $0x8F2B, s0  }
0xbc: {  	[sflag:s0] =	ssyncadd.remote.s32 $0x1  }
0xbd: {  	_ =	sfence.sel $0xFFFF  }
0xbe: {  	[dreg:$0x0] =	wrdreg $0xFFFFFFFF;
	(pc) =	sbr.abs _section_cstart, $3  }
0xbf: {  	[dreg:$0x1] =	wrdreg $0xFFFFFFFF  }
0xc0: {  	_ =	task.clear_ibuf [dreg:s6], $0x2FFFF;
	_ =	strace $0x9FFFFFFF  }
0xc1: {  	(tm) =	ssettm $0x7FFFFFFF  }
tec
execute0_lowered:
.L_overlay_start_1:
0x0: {  	(tag) =	ssettag $0x1  }
0x1: {  	s4 =	rddreg [dreg:$0x0]  }
0x2: {  	s0 =	rddreg [dreg:$0x1];
	s1 =	simm.s32 $0x0;
	s2 =	srdreg.scid  }
0x3: {  	s10 =	simm.s32 $0x1200;
	s11 =	simm.s32 $0x1080;
	s12 =	simm.s32 $0x5200  }
0x4: {  	s13 =	simm.s32 $0x1100;
	s14 =	simm.s32 $0x9200;
	s15 =	simm.s32 $0x1180  }
0x5: {  	s17 =	simm.s32 $0x1;
	s18 =	simm.s32 $0x0;
	[smem:$0x7FF] =	sst s1  }
0x6: {  	s5 =	sand.u32 $0x1, s2;
	s3 =	sadd.s32 $0x44600, s4;
	s2 =	stileid.u32  }
0x7: {  	_ =	strace $0x8000004A;
	s6 =	ssub.s32 $0x2, s5;
	s7 =	sshll.u32 s2, $0xE  }
0x8: {  	s8 =	sshll.u32 s2, $0x12;
	s29 =	sshll.u32 s2, $0xA;
	s30 =	sshll.u32 s5, $0x11  }
0x9: {  	s5 =	sshll.u32 s5, $0xD;
	s9 =	sshrl.u32 s6, $0x1;
	s7 =	sadd.s32 s7, s4  }
0xa: {  	s4 =	sadd.s32 s8, s4;
	s16 =	sand.u32 $0x3800, s29;
	s8 =	simm.s32 $0x80  }
0xb: {  	s6 =	ssub.s32 s6, s9;
	s31 =	sadd.s32 s30, s4;
	s7 =	sadd.s32 s5, s7  }
0xc: {  	s9 =	simm.s32 $0x1000;
	v0 =	vmov s16;
	s16 =	simm.s32 $0xD200;
	s4 =	smax.u32 s6, $0x1  }
0xd: {  	s5 =	sadd.s32 $0xC4600, s31;
	s6 =	sadd.s32 $0x84600, s7;
	s7 =	simm.s32 $0x2  }
.LBB2_1:
0xe: {  	s19 =	sadd.s32 $0x0, s6  }
0xf: {  	[tilespmem:s1], [sflag:$0x2] =	stream.linear.gather [hbm4b:s19+s1], $0x1000, $0x38;
	[tilespmem:$0x11200] =	vst v63  }
0x10: {  	_ =	swait.ge [sflag:s7], $0x1000  }
0x11: {  	[sflag:s7] =	ssyncset.done $0x0  }
0x12: {  	[sflag:s7] =	ssyncadd.s32 $0xFFFFF000  }
0x13: {  	v2 =	vld [tilespmem:$0xF80]  }
0x14: {  	v3 =	vld [tilespmem:$0xD80]  }
0x15: {  	v1 =	vld [tilespmem:$0xD00]  }
0x16: {  	v4 =	vld [tilespmem:$0xC80]  }
0x17: {  	v5 =	vld [tilespmem:$0xC00]  }
0x18: {  	v6 =	vld [tilespmem:$0xA80]  }
0x19: {  	v7 =	vld [tilespmem:$0xA00]  }
0x1a: {  	v10 =	vld [tilespmem:$0x880]  }
0x1b: {  	v9 =	vld [tilespmem:$0x580];
	v2 =	vadd.s32 v0, v2  }
0x1c: {  	v11 =	vld [tilespmem:$0x200];
	v5 =	vadd.s32 v0, v5;
	[tilespmem:$0x11F0] =	vst v2  }
0x1d: {  	v8 =	vld [tilespmem:$0xB00];
	v6 =	vadd.s32 v0, v6;
	[tilespmem:$0x1180] =	vst v5  }
0x1e: {  	v7 =	vadd.s32 v0, v7;
	v2 =	vadd.s32 v0, v4;
	v4 =	vld [tilespmem:$0x900];
	[tilespmem:$0x1150] =	vst v6  }
0x1f: {  	v10 =	vadd.s32 v0, v10;
	v5 =	vld [tilespmem:$0x700];
	[tilespmem:$0x1140] =	vst v7  }
0x20: {  	v6 =	vadd.s32 v0, v9;
	v9 =	vld [tilespmem:$0x680];
	[tilespmem:$0x1110] =	vst v10  }
0x21: {  	v11 =	vadd.s32 v0, v11;
	[tilespmem:$0x1190] =	vst v2;
	v2 =	vld [tilespmem:$0x800]  }
0x22: {  	v7 =	vld [tilespmem:$0x180];
	[tilespmem:$0x1040] =	vst v11  }
0x23: {  	[tilespmem:$0x10B0] =	vst v6;
	v6 =	vld [tilespmem:$0x600];
	v4 =	vadd.s32 v0, v4  }
0x24: {  	v10 =	vld [tilespmem:$0x480];
	v5 =	vadd.s32 v0, v5;
	[tilespmem:$0x1120] =	vst v4  }
0x25: {  	v9 =	vadd.s32 v0, v9;
	v4 =	vld [tilespmem:$0x500];
	[tilespmem:$0x10E0] =	vst v5  }
0x26: {  	v2 =	vadd.s32 v0, v2;
	v5 =	vld [tilespmem:$0x380];
	[tilespmem:$0x10D0] =	vst v9  }
0x27: {  	v7 =	vadd.s32 v0, v7;
	[tilespmem:$0x1100] =	vst v2;
	v2 =	vld [tilespmem:$0x400]  }
0x28: {  	v6 =	vadd.s32 v0, v6;
	v9 =	vld [tilespmem:$0x300];
	[tilespmem:$0x1030] =	vst v7  }
0x29: {  	v7 =	vld [tilespmem:$0x280];
	[tilespmem:$0x10C0] =	vst v6;
	v6 =	vadd.s32 v0, v10  }
0x2a: {  	v10 =	vld [tilespmem:$0xB80];
	[tilespmem:$0x1090] =	vst v6;
	v4 =	vadd.s32 v0, v4  }
0x2b: {  	v6 =	vld [tilespmem:$0x80];
	v5 =	vadd.s32 v0, v5;
	[tilespmem:$0x10A0] =	vst v4  }
0x2c: {  	v2 =	vadd.s32 v0, v2;
	v4 =	vld [tilespmem:$0x100];
	[tilespmem:$0x1070] =	vst v5  }
0x2d: {  	v5 =	vld [tilespmem:$0x0];
	[tilespmem:$0x1080] =	vst v2;
	v2 =	vadd.s32 v0, v9  }
0x2e: {  	v9 =	vadd.s32 v0, v7;
	v7 =	vld [tilespmem:$0x780];
	[tilespmem:$0x1060] =	vst v2  }
0x2f: {  	s20 =	simm.s32 $0x200;
	s21 =	smov.u32 s5;
	s19 =	smov.u32 s5;
	[tilespmem:$0x1050] =	vst v9;
	v2 =	vadd.s32 v0, v3;
	v3 =	vadd.s32 v0, v8;
	v9 =	vadd.s32 v0, v10;
	v8 =	vld [tilespmem:$0xF00]  }
.LBB2_2:
0x30: {  	p0 =	sne.s32 s20, $0x1E00  }
0x31: {  	[tilespmem:$0x1170] =	vst v9;
	v9 =	vld [tilespmem:$0xE80];
	s21 =	sadd.s32 $0x2000, s21;
	s22 =	smov.u32 s20;
	s20 =	sadd.s32 $0x200, s20  }
0x32: {  	[tilespmem:$0x1160] =	vst v3;
	v3 =	vld [tilespmem:$0xE00]  }
0x33: {  	v6 =	vadd.s32 v0, v6;
	v7 =	vadd.s32 v0, v7;
	v10 =	vld [tilespmem:$0x980];
	[tilespmem:$0x11B0] =	vst v2  }
0x34: {  	v1 =	vadd.s32 v0, v1;
	v2 =	vadd.s32 v0, v5;
	[tilespmem:$0x10F0] =	vst v7  }
0x35: {  	v4 =	vadd.s32 v0, v4;
	[tilespmem:$0x1010] =	vst v6;
	v5 =	vadd.s32 v0, v8  }
0x36: {  	v6 =	vadd.s32 v0, v9;
	[tilespmem:$0x11E0] =	vst v5  }
0x37: {  	[tilespmem:$0x11A0] =	vst v1;
	v1 =	vadd.s32 v0, v3  }
0x38: {  	v3 =	vadd.s32 v0, v10;
	[tilespmem:$0x11D0] =	vst v6  }
0x39: {  	[tilespmem:$0x1020] =	vst v4  }
0x3a: {  	[tilespmem:$0x1130] =	vst v3  }
0x3b: {  	[tilespmem:$0x11C0] =	vst v1  }
0x3c: {  	[tilespmem:$0x1000] =	vst v2  }
0x3d: {  	[tilespmem:s10], [sflag:$0x1] =	stream.indirect.gather [hbm4b:s3+s8], $0x80, s9, s8, $0xb8;
	[tilespmem:$0x11200] =	vst v63  }
0x3e: {  	_ = 	snop  }
0x3f: {  	[tilespmem:s12], [sflag:$0x1] =	stream.indirect.gather [hbm4b:s3+s8], $0x80, s11, s8, $0xb8;
	[tilespmem:$0x11200] =	vst v63  }
0x40: {  	_ = 	snop  }
0x41: {  	[tilespmem:s14], [sflag:$0x1] =	stream.indirect.gather [hbm4b:s3+s8], $0x80, s13, s8, $0xb8;
	[tilespmem:$0x11200] =	vst v63  }
0x42: {  	_ = 	snop  }
0x43: {  	[tilespmem:s16], [sflag:$0x1] =	stream.indirect.gather [hbm4b:s3+s8], $0x80, s15, s8, $0xb8;
	[tilespmem:$0x11200] =	vst v63  }
0x44: {  	_ =	swait.ge [sflag:s17], $0x4000  }
0x45: {  	[sflag:s17] =	ssyncset.done $0x0  }
0x46: {  	[sflag:s17] =	ssyncadd.s32 $0xFFFFC000  }
0x47: {  	_ =	swait.ge [sflag:s17], $0x4000  }
0x48: {  	[sflag:s17] =	ssyncset.done $0x0  }
0x49: {  	[sflag:s17] =	ssyncadd.s32 $0xFFFFC000  }
0x4a: {  	_ =	swait.ge [sflag:s17], $0x4000  }
0x4b: {  	[sflag:s17] =	ssyncset.done $0x0  }
0x4c: {  	[sflag:s17] =	ssyncadd.s32 $0xFFFFC000  }
0x4d: {  	_ =	swait.ge [sflag:s17], $0x4000  }
0x4e: {  	[sflag:s17] =	ssyncset.done $0x0  }
0x4f: {  	[sflag:s17] =	ssyncadd.s32 $0xFFFFC000  }
0x50: {  	[hbm4b:s19+s1] =	stream.linear.scatter [tilespmem:s10], [sflag:$0x2], $0x10000, $0x38;
	[tilespmem:$0x11200] =	vst v63  }
0x51: {  	s19 =	smov.u32 s21;
	_ =	swait.ge [sflag:s7], $0x10000  }
0x52: {  	[sflag:s7] =	ssyncset.done $0x0  }
0x53: {  	s22 =	sadd.s32 s22, s6;
	[sflag:s7] =	ssyncadd.s32 $0xFFFF0000  }
0x54: {  	[tilespmem:s1], [sflag:$0x2] =	stream.linear.gather [hbm4b:s22+s1], $0x1000, $0x38;
	[tilespmem:$0x11200] =	vst v63  }
0x55: {  	_ =	swait.ge [sflag:s7], $0x1000  }
0x56: {  	[sflag:s7] =	ssyncset.done $0x0  }
0x57: {  	[sflag:s7] =	ssyncadd.s32 $0xFFFFF000  }
0x58: {  	v2 =	vld [tilespmem:$0xF80]  }
0x59: {  	v3 =	vld [tilespmem:$0xD80]  }
0x5a: {  	v1 =	vld [tilespmem:$0xD00]  }
0x5b: {  	v4 =	vld [tilespmem:$0xC80]  }
0x5c: {  	v5 =	vld [tilespmem:$0xC00]  }
0x5d: {  	v6 =	vld [tilespmem:$0xB00];
	v7 =	vadd.s32 v0, v2  }
0x5e: {  	v8 =	vld [tilespmem:$0xA80];
	v2 =	vadd.s32 v0, v3;
	[tilespmem:$0x11F0] =	vst v7  }
0x5f: {  	v7 =	vld [tilespmem:$0xA00]  }
0x60: {  	v9 =	vld [tilespmem:$0x580];
	v4 =	vadd.s32 v0, v4  }
0x61: {  	v10 =	vld [tilespmem:$0x900];
	v5 =	vadd.s32 v0, v5  }
0x62: {  	v11 =	vld [tilespmem:$0x880];
	v3 =	vadd.s32 v0, v6;
	[tilespmem:$0x1190] =	vst v4  }
0x63: {  	v4 =	vld [tilespmem:$0x800];
	v6 =	vadd.s32 v0, v8;
	[tilespmem:$0x1180] =	vst v5  }
0x64: {  	v5 =	vld [tilespmem:$0x700];
	v7 =	vadd.s32 v0, v7;
	[tilespmem:$0x1150] =	vst v6  }
0x65: {  	v6 =	vadd.s32 v0, v9;
	v8 =	vld [tilespmem:$0x680];
	[tilespmem:$0x1140] =	vst v7  }
0x66: {  	[tilespmem:$0x10B0] =	vst v6;
	v6 =	vld [tilespmem:$0x600];
	v7 =	vadd.s32 v0, v10  }
0x67: {  	v9 =	vld [tilespmem:$0x180];
	v10 =	vadd.s32 v0, v11;
	[tilespmem:$0x1120] =	vst v7  }
0x68: {  	v7 =	vld [tilespmem:$0x500];
	v4 =	vadd.s32 v0, v4;
	[tilespmem:$0x1110] =	vst v10  }
0x69: {  	v10 =	vld [tilespmem:$0x480];
	v5 =	vadd.s32 v0, v5;
	[tilespmem:$0x1100] =	vst v4  }
0x6a: {  	v4 =	vld [tilespmem:$0x400];
	v8 =	vadd.s32 v0, v8;
	[tilespmem:$0x10E0] =	vst v5  }
0x6b: {  	v5 =	vld [tilespmem:$0x380];
	v6 =	vadd.s32 v0, v6;
	[tilespmem:$0x10D0] =	vst v8  }
0x6c: {  	v8 =	vadd.s32 v0, v9;
	v9 =	vld [tilespmem:$0x300];
	[tilespmem:$0x10C0] =	vst v6  }
0x6d: {  	[tilespmem:$0x1030] =	vst v8;
	v8 =	vld [tilespmem:$0x280];
	v6 =	vadd.s32 v0, v7  }
0x6e: {  	v11 =	vld [tilespmem:$0x200];
	v7 =	vadd.s32 v0, v10;
	[tilespmem:$0x10A0] =	vst v6  }
0x6f: {  	v6 =	vadd.s32 v0, v4;
	[tilespmem:$0x1090] =	vst v7;
	v10 =	vld [tilespmem:$0xB80]  }
.Ltmp0:
0x70: {  	v4 =	vld [tilespmem:$0x100];
	v5 =	vadd.s32 v0, v5;
	[tilespmem:$0x1080] =	vst v6;
	(pc) =	sbr.rel @p0 .LBB2_2-.Ltmp0, $4  }
0x71: {  	v6 =	vld [tilespmem:$0x80];
	v7 =	vadd.s32 v0, v9;
	[tilespmem:$0x1070] =	vst v5  }
0x72: {  	v8 =	vadd.s32 v0, v8;
	[tilespmem:$0x1060] =	vst v7;
	v7 =	vld [tilespmem:$0x780]  }
0x73: {  	v5 =	vld [tilespmem:$0x0];
	v9 =	vadd.s32 v0, v11;
	[tilespmem:$0x1050] =	vst v8  }
0x74: {  	[tilespmem:$0x1040] =	vst v9;
	v9 =	vadd.s32 v0, v10;
	v8 =	vld [tilespmem:$0xF00]  }
0x75: {  	[tilespmem:$0x1170] =	vst v9  }
0x76: {  	[tilespmem:$0x1160] =	vst v3  }
0x77: {  	v62 =	vld [tilespmem:$0xE80];
	[tilespmem:$0x11B0] =	vst v2;
	v1 =	vadd.s32 v0, v1  }
0x78: {  	v63 =	vld [tilespmem:$0x980];
	v2 =	vadd.s32 v0, v6;
	[tilespmem:$0x11A0] =	vst v1  }
0x79: {  	v3 =	vadd.s32 v0, v7;
	[tilespmem:$0x1010] =	vst v2  }
0x7a: {  	v1 =	vadd.s32 v0, v4;
	[tilespmem:$0x10F0] =	vst v3;
	v3 =	vld [tilespmem:$0xE00]  }
0x7b: {  	[tilespmem:$0x1020] =	vst v1;
	v2 =	vadd.s32 v0, v8  }
0x7c: {  	[tilespmem:$0x11E0] =	vst v2;
	v2 =	vadd.s32 v0, v62  }
0x7d: {  	[tilespmem:$0x11D0] =	vst v2;
	v2 =	vadd.s32 v0, v63  }
0x7e: {  	[tilespmem:$0x1130] =	vst v2;
	v2 =	vadd.s32 v0, v5  }
0x7f: {  	v1 =	vadd.s32 v0, v3;
	[tilespmem:$0x1000] =	vst v2  }
0x80: {  	[tilespmem:$0x11C0] =	vst v1  }
0x81: {  	[tilespmem:s10], [sflag:$0x1] =	stream.indirect.gather [hbm4b:s3+s8], $0x80, s9, s8, $0xb8;
	[tilespmem:$0x11200] =	vst v63  }
0x82: {  	_ = 	snop  }
0x83: {  	[tilespmem:s12], [sflag:$0x1] =	stream.indirect.gather [hbm4b:s3+s8], $0x80, s11, s8, $0xb8;
	[tilespmem:$0x11200] =	vst v63  }
0x84: {  	_ = 	snop  }
0x85: {  	[tilespmem:s14], [sflag:$0x1] =	stream.indirect.gather [hbm4b:s3+s8], $0x80, s13, s8, $0xb8;
	[tilespmem:$0x11200] =	vst v63  }
0x86: {  	_ = 	snop  }
0x87: {  	[tilespmem:s16], [sflag:$0x1] =	stream.indirect.gather [hbm4b:s3+s8], $0x80, s15, s8, $0xb8;
	[tilespmem:$0x11200] =	vst v63  }
0x88: {  	_ =	swait.ge [sflag:s17], $0x4000  }
0x89: {  	[sflag:s17] =	ssyncset.done $0x0  }
0x8a: {  	[sflag:s17] =	ssyncadd.s32 $0xFFFFC000  }
0x8b: {  	_ =	swait.ge [sflag:s17], $0x4000  }
0x8c: {  	[sflag:s17] =	ssyncset.done $0x0  }
0x8d: {  	[sflag:s17] =	ssyncadd.s32 $0xFFFFC000  }
0x8e: {  	_ =	swait.ge [sflag:s17], $0x4000  }
0x8f: {  	[sflag:s17] =	ssyncset.done $0x0  }
0x90: {  	[sflag:s17] =	ssyncadd.s32 $0xFFFFC000  }
0x91: {  	s18 =	sadd.s32 $0x1, s18;
	_ =	swait.ge [sflag:s17], $0x4000  }
0x92: {  	p0 =	sne.s32 s18, s4;
	[sflag:s17] =	ssyncset.done $0x0  }
.Ltmp1:
0x93: {  	[sflag:s17] =	ssyncadd.s32 $0xFFFFC000;
	(pc) =	sbr.rel @p0 .LBB2_1-.Ltmp1, $4  }
0x94: {  	[hbm4b:s19+s1] =	stream.linear.scatter [tilespmem:s10], [sflag:$0x2], $0x10000, $0x38;
	[tilespmem:$0x11200] =	vst v63  }
0x95: {  	_ =	swait.ge [sflag:s7], $0x10000  }
0x96: {  	[sflag:s7] =	ssyncset.done $0x0  }
0x97: {  	[sflag:s7] =	ssyncadd.s32 $0xFFFF0000  }
0x98: {  	_ =	sfence.sel $0x180000  }
0x99: {  	[bflag:$0x0] =	sbarrier.arrive $0xFFFF  }
0x9a: {  	p0 =	sne.s32 s2, $0x0;
	_ =	strace $0x9000004A  }
0x9b: {  	s0 =	sadd.s32 @!p0 $0x100000, s0;
	[bflag:$0x2] =	sbarrier.arrive $0xFFFF  }
0x9c: {  	[sflag:s0] =	ssyncadd.tile.s32 @!p0 $0x1;
	_ =	shalt  }
.Lfunc_end2:
_tile_overlayer_lowered:
.L_overlay_start_2:
0x9d: {  	(tag) =	ssettag $0x2  }
0x9e: {  	s0 =	rddreg [dreg:$0x0];
	s2 =	stileid.u32  }
0x9f: {  	s1 =	rddreg [dreg:$0x1];
	p0 =	sne.s32 s2, $0x0  }
0xa0: {  	s3 =	rddreg [dreg:$0x2];
	[bflag:$0x3] =	sbarrier.arrive $0xFFFF;
	s2 =	simm.s32 @!p0 $0x1C02  }
0xa1: {  	[timem:s3], [sflag:s2] =	dma.local @!p0 [hbm:s0], s1  }
0xa2: {  	s0 =	simm.s32 @!p0 $0x2  }
0xa3: {  	_ =	swait.ge @!p0 [sflag:s0], s1  }
0xa4: {  	s1 =	ssub.s32 @!p0 $0x0, s1;
	[sflag:s0] =	ssyncset.done @!p0 $0x0  }
0xa5: {  	[sflag:s0] =	ssyncadd.s32 @!p0 s1  }
0xa6: {  	[bflag:$0x3] =	sbarrier.arrive $0xFFFF  }
0xa7: {  	_ =	shalt  }

// kernel: kernel.21.cloned.1.call-start
scs
__scs_entry_jumppad:
0x0: {  	(pc) =	sbr.rel $0x88, $3  }
0x1: {  	(tag) =	ssettag $0x0;
	lr =	simm.s32 $0x1  }
0x2: {  	[smem:$0x3F95] =	sst lr;
	_ =	strace $0xD0000000  }
0x3: {  	_ = 	snop  }
0x4: {  	_ = 	snop  }
0x5: {  	_ = 	snop  }
0x6: {  	_ = 	snop  }
0x7: {  	_ = 	snop  }
__scs_overlays_trampoline_lowered:
0x8: {  	[smem:$0x3FA4] =	sst s0  }
0x9: {  	[smem:$0x3FA5] =	sst s1  }
0xa: {  	[smem:$0x3FA6] =	sst s2  }
0xb: {  	[smem:$0x3FA7] =	sst s3  }
0xc: {  	[smem:$0x3FA8] =	sst s4  }
0xd: {  	[smem:$0x3FA9] =	sst s5  }
0xe: {  	[smem:$0x3FAA] =	sst s6  }
0xf: {  	[smem:$0x3FAB] =	sst s7  }
0x10: {  	[smem:$0x3FAC] =	sst s8  }
0x11: {  	[smem:$0x3FAD] =	sst s9;
	s0 =	simm.s32 @!p0 $0x0  }
0x12: {  	s1 =	sld [smem:$0x3F93];
	s0 =	simm.s32 @p0 $0x1  }
0x13: {  	[smem:$0x3FAE] =	sst s0;
	s0 =	simm.s32 @!p1 $0x0  }
0x14: {  	s2 =	sld [smem:$0x3F92];
	s0 =	simm.s32 @p1 $0x1  }
0x15: {  	[smem:$0x3FAF] =	sst s0;
	s0 =	simm.s32 @!p2 $0x0  }
0x16: {  	s3 =	sld [smem:$0x3FDB];
	s0 =	simm.s32 @p2 $0x1  }
0x17: {  	s4 =	simm.s32 $0x1BF5;
	[smem:$0x3FB1] =	sst s0  }
0x18: {  	s0 =	sld [smem:$0x3F94];
	_ =	swait.ge [sflag:s4], $0x0  }
0x19: {  	s7 =	sld [smem:$0x3F95]  }
0x1a: {  	s8 =	sadd.s32 $0xFFFFE003, lr  }
0x1b: {  	s9 =	sadd.s32 $0xFFFFFEF7, lr;
	s5 =	simm.s32 $0xFFFFFFFF;
	p2 =	slt.u32 s8, $0xFFFFF086  }
0x1c: {  	p1 =	slt.u32 s9, $0xF7A;
	s5 =	simm.s32 @!p2 $0x0  }
0x1d: {  	s5 =	simm.s32 @p1 $0x1;
	p0 =	seq.s32 s7, s2  }
0x1e: {  	s7 =	smul.u32 @!p0 $0xF7A, s2;
	p2 =	seq.s32 @!p0 s5, $0x0  }
0x1f: {  	s9 =	smul.u32 $0xF7A, s1;
	s8 =	simm.s32 @!p0 $0x1BF5;
	p2 =	por !p2, p0  }
0x20: {  	[sflag:s8] =	ssyncset.s32 @!p0 $0xFFFFF086;
	s6 =	sadd.s32 @!p0 s3, s7;
	s7 =	simm.s32 @!p0 $0x108  }
0x21: {  	s3 =	sadd.s32 s3, s9;
	s6 =	sadd.s32 @!p0 $0x88, s6;
	s7 =	simm.s32 @p2 $0x1082  }
0x22: {  	[simem:s7], [sflag:s8] =	dma.local @!p0 [hbm:s6], $0xF7A  }
0x23: {  	s9 =	sor.u32 $0xD0000000, s2;
	s6 =	simm.s32 $0x108;
	_ =	swait.ge @!p0 [sflag:s8], $0x0  }
0x24: {  	s3 =	sadd.s32 $0x88, s3;
	s6 =	simm.s32 @!p1 $0x1082;
	[sflag:s4] =	ssyncset.s32 $0xFFFFF086  }
0x25: {  	[simem:s6], [sflag:s4] =	dma.local [hbm:s3], $0xF7A  }
0x26: {  	[smem:$0x3F95] =	sst s1;
	(tag) =	ssettag s2;
	_ =	strace s9  }
0x27: {  	s1 =	sld [smem:$0x3FA5]  }
0x28: {  	s2 =	sld [smem:$0x3FA6]  }
0x29: {  	s4 =	sld [smem:$0x3FA8]  }
0x2a: {  	p0 =	seq.s32 s5, $0x0;
	s5 =	sld [smem:$0x3FA9]  }
0x2b: {  	s6 =	sld [smem:$0x3FAA]  }
0x2c: {  	s7 =	sld [smem:$0x3FAB]  }
0x2d: {  	s3 =	simm.s32 $0x108;
	s8 =	sld [smem:$0x3FAC]  }
0x2e: {  	s3 =	simm.s32 @!p0 $0x1082;
	s9 =	sld [smem:$0x3FAD]  }
0x2f: {  	lr =	sadd.s32 s0, s3;
	s0 =	sld [smem:$0x3FA4]  }
0x30: {  	s3 =	sld [smem:$0x3FA7]  }
0x31: {  	[smem:$0x3FB0] =	sst s10  }
0x32: {  	s10 =	sld [smem:$0x3FAE];
	_ =	sdelay $0x3  }
0x33: {  	p0 =	seq.s32 s10, $0x1;
	s10 =	sld [smem:$0x3FB0];
	_ =	sdelay $0x3  }
0x34: {  	[smem:$0x3FB0] =	sst s10  }
0x35: {  	s10 =	sld [smem:$0x3FAF];
	_ =	sdelay $0x3  }
0x36: {  	p1 =	seq.s32 s10, $0x1;
	s10 =	sld [smem:$0x3FB0];
	_ =	sdelay $0x3  }
0x37: {  	[smem:$0x3FB0] =	sst s10  }
0x38: {  	s10 =	sld [smem:$0x3FB1]  }
0x39: {  	_ = 	snop;
	(pc) =	sbr.ind lr, $3  }
0x3a: {  	_ = 	snop  }
0x3b: {  	_ = 	snop  }
0x3c: {  	p2 =	seq.s32 s10, $0x1;
	s10 =	sld [smem:$0x3FB0]  }
0x3d: {  	_ =	shalt  }
0x3e: {  	_ =	shalt  }
0x3f: {  	_ =	shalt  }
0x40: {  	_ =	shalt  }
0x41: {  	_ =	shalt  }
0x42: {  	_ =	shalt  }
0x43: {  	_ =	shalt  }
0x44: {  	_ =	shalt  }
0x45: {  	_ =	shalt  }
0x46: {  	_ =	shalt  }
0x47: {  	_ =	shalt  }
0x48: {  	_ =	shalt  }
0x49: {  	_ =	shalt  }
0x4a: {  	_ =	shalt  }
0x4b: {  	_ =	shalt  }
0x4c: {  	_ =	shalt  }
0x4d: {  	_ =	shalt  }
0x4e: {  	_ =	shalt  }
0x4f: {  	_ =	shalt  }
0x50: {  	_ =	shalt  }
0x51: {  	_ =	shalt  }
0x52: {  	_ =	shalt  }
0x53: {  	_ =	shalt  }
0x54: {  	_ =	shalt  }
0x55: {  	_ =	shalt  }
0x56: {  	_ =	shalt  }
0x57: {  	_ =	shalt  }
0x58: {  	_ =	shalt  }
0x59: {  	_ =	shalt  }
0x5a: {  	_ =	shalt  }
0x5b: {  	_ =	shalt  }
0x5c: {  	_ =	shalt  }
0x5d: {  	_ =	shalt  }
0x5e: {  	_ =	shalt  }
0x5f: {  	_ =	shalt  }
0x60: {  	_ =	shalt  }
0x61: {  	_ =	shalt  }
0x62: {  	_ =	shalt  }
0x63: {  	_ =	shalt  }
0x64: {  	_ =	shalt  }
0x65: {  	_ =	shalt  }
0x66: {  	_ =	shalt  }
0x67: {  	_ =	shalt  }
0x68: {  	_ =	shalt  }
0x69: {  	_ =	shalt  }
0x6a: {  	_ =	shalt  }
0x6b: {  	_ =	shalt  }
0x6c: {  	_ =	shalt  }
0x6d: {  	_ =	shalt  }
0x6e: {  	_ =	shalt  }
0x6f: {  	_ =	shalt  }
0x70: {  	_ =	shalt  }
0x71: {  	_ =	shalt  }
0x72: {  	_ =	shalt  }
0x73: {  	_ =	shalt  }
0x74: {  	_ =	shalt  }
0x75: {  	_ =	shalt  }
0x76: {  	_ =	shalt  }
0x77: {  	_ =	shalt  }
0x78: {  	_ =	shalt  }
0x79: {  	_ =	shalt  }
0x7a: {  	_ =	shalt  }
0x7b: {  	_ =	shalt  }
0x7c: {  	_ =	shalt  }
0x7d: {  	_ =	shalt  }
0x7e: {  	_ =	shalt  }
0x7f: {  	_ =	shalt  }
0x80: {  	_ =	shalt  }
0x81: {  	_ =	shalt  }
0x82: {  	_ =	shalt  }
0x83: {  	_ =	shalt  }
0x84: {  	_ =	shalt  }
0x85: {  	_ =	shalt  }
0x86: {  	_ =	shalt  }
0x87: {  	_ =	shalt  }
.Lfunc_end0:
.L_simem_size_0:
called_computation.2_lowered:
.L_overlay_start_0:
0x88: {  	s2 =	sld [smem:$0x3FD9]  }
0x89: {  	s3 =	sld [smem:$0x3FFE];
	_ =	sdelay $0x1  }
0x8a: {  	s1 =	srdreg.scid  }
0x8b: {  	s0 =	sand.u32 $0x1, s1  }
0x8c: {  	s16 =	sshll.u32 s0, $0xA;
	s2 =	sadd.s32 s3, s2  }
0x8d: {  	s2 =	sadd.s32 s2, s16  }
0x8e: {  	[smem:$0x3FBC] =	sst s2  }
0x8f: {  	_ = 	snop  }
0x90: {  	(tm) =	ssettm $0x1  }
0x91: {  	s17 =	sld [smem:$0x3FFB];
	_ =	sdelay $0x3  }
0x92: {  	_ =	strace s17  }
0x93: {  	s2 =	sld [smem:$0x3FFC];
	_ =	sdelay $0x3  }
0x94: {  	_ =	strace s2  }
0x95: {  	s2 =	sld [smem:$0x3FFD];
	_ =	sdelay $0x3  }
0x96: {  	_ =	strace s2  }
0x97: {  	_ =	strace $0x8FFFFFFF  }
0x98: {  	s18 =	sld [smem:$0x3FDB];
	_ =	sdelay $0x1  }
0x99: {  	s19 =	simm.s32 $_scs_section_size  }
0x9a: {  	s4 =	simm.s32 $_size__tile_overlayer_lowered;
	s5 =	simm.s32 $_tile_overlayer_lowered  }
0x9b: {  	s22 =	simm.s32 $0x1BFF;
	s21 =	sshll.u32 s5, $0x1;
	s2 =	sadd.s32 s19, s18  }
0x9c: {  	s6 =	simm.s32 $0x0;
	s20 =	sshll.u32 s4, $0x1;
	s4 =	sadd.s32 s21, s2  }
0x9d: {  	[timem:s6], [sflag:s22] =	dma.local [hbm:s4], s20  }
0x9e: {  	_ =	swait.ge [sflag:s22], s20  }
0x9f: {  	s3 =	ssub.s32 $0x0, s20;
	[sflag:s22] =	ssyncset.done $0x0  }
0xa0: {  	[sflag:s22] =	ssyncadd.s32 s3;
	_ =	sdelay $0x1  }
0xa1: {  	s23 =	simm.s32 $0x1B8B  }
0xa2: {  	_ =	swait.ge [sflag:s23], $0x1  }
0xa3: {  	[sflag:s23] =	ssyncset.done $0x0  }
0xa4: {  	s25 =	simm.s32 $0x1B8E;
	s24 =	sld [smem:$0x3FFE];
	[sflag:s23] =	ssyncadd.s32 $0xFFFFFFFF  }
0xa5: {  	s26 =	simm.s32 $execute0_lowered;
	[smem:$0x3FD2] =	sst s25  }
0xa6: {  	s4 =	sshll.u32 s26, $0x1;
	_ =	strace $0x8000004C;
	[dreg:$0x1] =	wrdreg $0xFFFFFFFF  }
0xa7: {  	s28 =	simm.s32 $_size_execute0_lowered;
	s2 =	sadd.s32 s2, s4;
	[dreg:$0x0] =	wrdreg $0x0  }
0xa8: {  	s4 =	sshll.u32 s28, $0x1;
	[dreg:$0x2] =	wrdreg s2  }
0xa9: {  	[dreg:$0x3] =	wrdreg s4  }
0xaa: {  	[dreg:$0x4] =	wrdreg $0xC0  }
0xab: {  	_ =	task [dreg:s6], $0x5FFFF  }
0xac: {  	[dreg:$0x1] =	wrdreg $0xFFFFFFFF  }
0xad: {  	[dreg:$0x0] =	wrdreg $0x60  }
0xae: {  	[dreg:$0x2] =	wrdreg s24  }
0xaf: {  	[dreg:$0x3] =	wrdreg $0x9  }
0xb0: {  	_ =	task.clear_ibuf [dreg:s6], $0x4FFFF;
	_ =	strace $0x9000004C  }
0xb1: {  	s29 =	simm.s32 $0x9;
	_ =	strace $0x8000004E  }
0xb2: {  	_ =	swait.ge [sflag:s29], $0x1  }
0xb3: {  	[sflag:s29] =	ssyncadd.s32 $0xFFFFFFFF  }
0xb4: {  	_ =	strace $0x9000004E  }
0xb5: {  	_ =	sfence  }
0xb6: {  	s30 =	sld [smem:$0x0];
	_ =	sdelay $0x2  }
0xb7: {  	s31 =	sshll.u32 s1, $0xD;
	s1 =	sshrl.u32 s1, $0x2  }
0xb8: {  	s3 =	sand.u32 $0x4000, s31;
	s1 =	sadd.s32 s1, s30  }
0xb9: {  	s0 =	sor.u32 s3, s0;
	s1 =	sshll.u32 s1, $0x11  }
0xba: {  	s0 =	sor.u32 s1, s0  }
0xbb: {  	s0 =	sadd.s32 $0x8F2B, s0  }
0xbc: {  	[sflag:s0] =	ssyncadd.remote.s32 $0x1  }
0xbd: {  	_ =	sfence.sel $0xFFFF  }
0xbe: {  	[dreg:$0x0] =	wrdreg $0xFFFFFFFF;
	(pc) =	sbr.abs _section_cstart, $3  }
0xbf: {  	[dreg:$0x1] =	wrdreg $0xFFFFFFFF  }
0xc0: {  	_ =	task.clear_ibuf [dreg:s6], $0x2FFFF;
	_ =	strace $0x9FFFFFFF  }
0xc1: {  	(tm) =	ssettm $0x7FFFFFFF  }
tec
execute0_lowered:
.L_overlay_start_1:
0x0: {  	(tag) =	ssettag $0x1  }
0x1: {  	s4 =	rddreg [dreg:$0x0]  }
0x2: {  	s0 =	rddreg [dreg:$0x1];
	s1 =	simm.s32 $0x0;
	s2 =	srdreg.scid  }
0x3: {  	s10 =	simm.s32 $0x1200;
	s11 =	simm.s32 $0x1080;
	s12 =	simm.s32 $0x5200  }
0x4: {  	s13 =	simm.s32 $0x1100;
	s14 =	simm.s32 $0x9200;
	s15 =	simm.s32 $0x1180  }
0x5: {  	s17 =	simm.s32 $0x1;
	s18 =	simm.s32 $0x0;
	[smem:$0x7FF] =	sst s1  }
0x6: {  	s5 =	sand.u32 $0x1, s2;
	s3 =	sadd.s32 $0x84600, s4;
	s2 =	stileid.u32  }
0x7: {  	_ =	strace $0x8000004D;
	s6 =	ssub.s32 $0x2, s5;
	s7 =	sshll.u32 s2, $0xE  }
0x8: {  	s8 =	sshll.u32 s2, $0x12;
	s29 =	sshll.u32 s2, $0xA;
	s30 =	sshll.u32 s5, $0x11  }
0x9: {  	s5 =	sshll.u32 s5, $0xD;
	s9 =	sshrl.u32 s6, $0x1;
	s7 =	sadd.s32 s7, s4  }
0xa: {  	s4 =	sadd.s32 s8, s4;
	s16 =	sand.u32 $0x3800, s29;
	s8 =	simm.s32 $0x80  }
0xb: {  	s6 =	ssub.s32 s6, s9;
	s31 =	sadd.s32 s30, s4;
	s7 =	sadd.s32 s5, s7  }
0xc: {  	s9 =	simm.s32 $0x1000;
	v0 =	vmov s16;
	s16 =	simm.s32 $0xD200;
	s4 =	smax.u32 s6, $0x1  }
0xd: {  	s5 =	sadd.s32 $0x104600, s31;
	s6 =	sadd.s32 $0xC4600, s7;
	s7 =	simm.s32 $0x2  }
.LBB2_1:
0xe: {  	s19 =	sadd.s32 $0x0, s6  }
0xf: {  	[tilespmem:s1], [sflag:$0x2] =	stream.linear.gather [hbm4b:s19+s1], $0x1000, $0x38;
	[tilespmem:$0x11200] =	vst v63  }
0x10: {  	_ =	swait.ge [sflag:s7], $0x1000  }
0x11: {  	[sflag:s7] =	ssyncset.done $0x0  }
0x12: {  	[sflag:s7] =	ssyncadd.s32 $0xFFFFF000  }
0x13: {  	v2 =	vld [tilespmem:$0xF80]  }
0x14: {  	v3 =	vld [tilespmem:$0xD80]  }
0x15: {  	v1 =	vld [tilespmem:$0xD00]  }
0x16: {  	v4 =	vld [tilespmem:$0xC80]  }
0x17: {  	v5 =	vld [tilespmem:$0xC00]  }
0x18: {  	v6 =	vld [tilespmem:$0xA80]  }
0x19: {  	v7 =	vld [tilespmem:$0xA00]  }
0x1a: {  	v10 =	vld [tilespmem:$0x880]  }
0x1b: {  	v9 =	vld [tilespmem:$0x580];
	v2 =	vadd.s32 v0, v2  }
0x1c: {  	v11 =	vld [tilespmem:$0x200];
	v5 =	vadd.s32 v0, v5;
	[tilespmem:$0x11F0] =	vst v2  }
0x1d: {  	v8 =	vld [tilespmem:$0xB00];
	v6 =	vadd.s32 v0, v6;
	[tilespmem:$0x1180] =	vst v5  }
0x1e: {  	v7 =	vadd.s32 v0, v7;
	v2 =	vadd.s32 v0, v4;
	v4 =	vld [tilespmem:$0x900];
	[tilespmem:$0x1150] =	vst v6  }
0x1f: {  	v10 =	vadd.s32 v0, v10;
	v5 =	vld [tilespmem:$0x700];
	[tilespmem:$0x1140] =	vst v7  }
0x20: {  	v6 =	vadd.s32 v0, v9;
	v9 =	vld [tilespmem:$0x680];
	[tilespmem:$0x1110] =	vst v10  }
0x21: {  	v11 =	vadd.s32 v0, v11;
	[tilespmem:$0x1190] =	vst v2;
	v2 =	vld [tilespmem:$0x800]  }
0x22: {  	v7 =	vld [tilespmem:$0x180];
	[tilespmem:$0x1040] =	vst v11  }
0x23: {  	[tilespmem:$0x10B0] =	vst v6;
	v6 =	vld [tilespmem:$0x600];
	v4 =	vadd.s32 v0, v4  }
0x24: {  	v10 =	vld [tilespmem:$0x480];
	v5 =	vadd.s32 v0, v5;
	[tilespmem:$0x1120] =	vst v4  }
0x25: {  	v9 =	vadd.s32 v0, v9;
	v4 =	vld [tilespmem:$0x500];
	[tilespmem:$0x10E0] =	vst v5  }
0x26: {  	v2 =	vadd.s32 v0, v2;
	v5 =	vld [tilespmem:$0x380];
	[tilespmem:$0x10D0] =	vst v9  }
0x27: {  	v7 =	vadd.s32 v0, v7;
	[tilespmem:$0x1100] =	vst v2;
	v2 =	vld [tilespmem:$0x400]  }
0x28: {  	v6 =	vadd.s32 v0, v6;
	v9 =	vld [tilespmem:$0x300];
	[tilespmem:$0x1030] =	vst v7  }
0x29: {  	v7 =	vld [tilespmem:$0x280];
	[tilespmem:$0x10C0] =	vst v6;
	v6 =	vadd.s32 v0, v10  }
0x2a: {  	v10 =	vld [tilespmem:$0xB80];
	[tilespmem:$0x1090] =	vst v6;
	v4 =	vadd.s32 v0, v4  }
0x2b: {  	v6 =	vld [tilespmem:$0x80];
	v5 =	vadd.s32 v0, v5;
	[tilespmem:$0x10A0] =	vst v4  }
0x2c: {  	v2 =	vadd.s32 v0, v2;
	v4 =	vld [tilespmem:$0x100];
	[tilespmem:$0x1070] =	vst v5  }
0x2d: {  	v5 =	vld [tilespmem:$0x0];
	[tilespmem:$0x1080] =	vst v2;
	v2 =	vadd.s32 v0, v9  }
0x2e: {  	v9 =	vadd.s32 v0, v7;
	v7 =	vld [tilespmem:$0x780];
	[tilespmem:$0x1060] =	vst v2  }
0x2f: {  	s20 =	simm.s32 $0x200;
	s21 =	smov.u32 s5;
	s19 =	smov.u32 s5;
	[tilespmem:$0x1050] =	vst v9;
	v2 =	vadd.s32 v0, v3;
	v3 =	vadd.s32 v0, v8;
	v9 =	vadd.s32 v0, v10;
	v8 =	vld [tilespmem:$0xF00]  }
.LBB2_2:
0x30: {  	p0 =	sne.s32 s20, $0x1E00  }
0x31: {  	[tilespmem:$0x1170] =	vst v9;
	v9 =	vld [tilespmem:$0xE80];
	s21 =	sadd.s32 $0x2000, s21;
	s22 =	smov.u32 s20;
	s20 =	sadd.s32 $0x200, s20  }
0x32: {  	[tilespmem:$0x1160] =	vst v3;
	v3 =	vld [tilespmem:$0xE00]  }
0x33: {  	v6 =	vadd.s32 v0, v6;
	v7 =	vadd.s32 v0, v7;
	v10 =	vld [tilespmem:$0x980];
	[tilespmem:$0x11B0] =	vst v2  }
0x34: {  	v1 =	vadd.s32 v0, v1;
	v2 =	vadd.s32 v0, v5;
	[tilespmem:$0x10F0] =	vst v7  }
0x35: {  	v4 =	vadd.s32 v0, v4;
	[tilespmem:$0x1010] =	vst v6;
	v5 =	vadd.s32 v0, v8  }
0x36: {  	v6 =	vadd.s32 v0, v9;
	[tilespmem:$0x11E0] =	vst v5  }
0x37: {  	[tilespmem:$0x11A0] =	vst v1;
	v1 =	vadd.s32 v0, v3  }
0x38: {  	v3 =	vadd.s32 v0, v10;
	[tilespmem:$0x11D0] =	vst v6  }
0x39: {  	[tilespmem:$0x1020] =	vst v4  }
0x3a: {  	[tilespmem:$0x1130] =	vst v3  }
0x3b: {  	[tilespmem:$0x11C0] =	vst v1  }
0x3c: {  	[tilespmem:$0x1000] =	vst v2  }
0x3d: {  	[tilespmem:s10], [sflag:$0x1] =	stream.indirect.gather [hbm4b:s3+s8], $0x80, s9, s8, $0xb8;
	[tilespmem:$0x11200] =	vst v63  }
0x3e: {  	_ = 	snop  }
0x3f: {  	[tilespmem:s12], [sflag:$0x1] =	stream.indirect.gather [hbm4b:s3+s8], $0x80, s11, s8, $0xb8;
	[tilespmem:$0x11200] =	vst v63  }
0x40: {  	_ = 	snop  }
0x41: {  	[tilespmem:s14], [sflag:$0x1] =	stream.indirect.gather [hbm4b:s3+s8], $0x80, s13, s8, $0xb8;
	[tilespmem:$0x11200] =	vst v63  }
0x42: {  	_ = 	snop  }
0x43: {  	[tilespmem:s16], [sflag:$0x1] =	stream.indirect.gather [hbm4b:s3+s8], $0x80, s15, s8, $0xb8;
	[tilespmem:$0x11200] =	vst v63  }
0x44: {  	_ =	swait.ge [sflag:s17], $0x4000  }
0x45: {  	[sflag:s17] =	ssyncset.done $0x0  }
0x46: {  	[sflag:s17] =	ssyncadd.s32 $0xFFFFC000  }
0x47: {  	_ =	swait.ge [sflag:s17], $0x4000  }
0x48: {  	[sflag:s17] =	ssyncset.done $0x0  }
0x49: {  	[sflag:s17] =	ssyncadd.s32 $0xFFFFC000  }
0x4a: {  	_ =	swait.ge [sflag:s17], $0x4000  }
0x4b: {  	[sflag:s17] =	ssyncset.done $0x0  }
0x4c: {  	[sflag:s17] =	ssyncadd.s32 $0xFFFFC000  }
0x4d: {  	_ =	swait.ge [sflag:s17], $0x4000  }
0x4e: {  	[sflag:s17] =	ssyncset.done $0x0  }
0x4f: {  	[sflag:s17] =	ssyncadd.s32 $0xFFFFC000  }
0x50: {  	[hbm4b:s19+s1] =	stream.linear.scatter [tilespmem:s10], [sflag:$0x2], $0x10000, $0x38;
	[tilespmem:$0x11200] =	vst v63  }
0x51: {  	s19 =	smov.u32 s21;
	_ =	swait.ge [sflag:s7], $0x10000  }
0x52: {  	[sflag:s7] =	ssyncset.done $0x0  }
0x53: {  	s22 =	sadd.s32 s22, s6;
	[sflag:s7] =	ssyncadd.s32 $0xFFFF0000  }
0x54: {  	[tilespmem:s1], [sflag:$0x2] =	stream.linear.gather [hbm4b:s22+s1], $0x1000, $0x38;
	[tilespmem:$0x11200] =	vst v63  }
0x55: {  	_ =	swait.ge [sflag:s7], $0x1000  }
0x56: {  	[sflag:s7] =	ssyncset.done $0x0  }
0x57: {  	[sflag:s7] =	ssyncadd.s32 $0xFFFFF000  }
0x58: {  	v2 =	vld [tilespmem:$0xF80]  }
0x59: {  	v3 =	vld [tilespmem:$0xD80]  }
0x5a: {  	v1 =	vld [tilespmem:$0xD00]  }
0x5b: {  	v4 =	vld [tilespmem:$0xC80]  }
0x5c: {  	v5 =	vld [tilespmem:$0xC00]  }
0x5d: {  	v6 =	vld [tilespmem:$0xB00];
	v7 =	vadd.s32 v0, v2  }
0x5e: {  	v8 =	vld [tilespmem:$0xA80];
	v2 =	vadd.s32 v0, v3;
	[tilespmem:$0x11F0] =	vst v7  }
0x5f: {  	v7 =	vld [tilespmem:$0xA00]  }
0x60: {  	v9 =	vld [tilespmem:$0x580];
	v4 =	vadd.s32 v0, v4  }
0x61: {  	v10 =	vld [tilespmem:$0x900];
	v5 =	vadd.s32 v0, v5  }
0x62: {  	v11 =	vld [tilespmem:$0x880];
	v3 =	vadd.s32 v0, v6;
	[tilespmem:$0x1190] =	vst v4  }
0x63: {  	v4 =	vld [tilespmem:$0x800];
	v6 =	vadd.s32 v0, v8;
	[tilespmem:$0x1180] =	vst v5  }
0x64: {  	v5 =	vld [tilespmem:$0x700];
	v7 =	vadd.s32 v0, v7;
	[tilespmem:$0x1150] =	vst v6  }
0x65: {  	v6 =	vadd.s32 v0, v9;
	v8 =	vld [tilespmem:$0x680];
	[tilespmem:$0x1140] =	vst v7  }
0x66: {  	[tilespmem:$0x10B0] =	vst v6;
	v6 =	vld [tilespmem:$0x600];
	v7 =	vadd.s32 v0, v10  }
0x67: {  	v9 =	vld [tilespmem:$0x180];
	v10 =	vadd.s32 v0, v11;
	[tilespmem:$0x1120] =	vst v7  }
0x68: {  	v7 =	vld [tilespmem:$0x500];
	v4 =	vadd.s32 v0, v4;
	[tilespmem:$0x1110] =	vst v10  }
0x69: {  	v10 =	vld [tilespmem:$0x480];
	v5 =	vadd.s32 v0, v5;
	[tilespmem:$0x1100] =	vst v4  }
0x6a: {  	v4 =	vld [tilespmem:$0x400];
	v8 =	vadd.s32 v0, v8;
	[tilespmem:$0x10E0] =	vst v5  }
0x6b: {  	v5 =	vld [tilespmem:$0x380];
	v6 =	vadd.s32 v0, v6;
	[tilespmem:$0x10D0] =	vst v8  }
0x6c: {  	v8 =	vadd.s32 v0, v9;
	v9 =	vld [tilespmem:$0x300];
	[tilespmem:$0x10C0] =	vst v6  }
0x6d: {  	[tilespmem:$0x1030] =	vst v8;
	v8 =	vld [tilespmem:$0x280];
	v6 =	vadd.s32 v0, v7  }
0x6e: {  	v11 =	vld [tilespmem:$0x200];
	v7 =	vadd.s32 v0, v10;
	[tilespmem:$0x10A0] =	vst v6  }
0x6f: {  	v6 =	vadd.s32 v0, v4;
	[tilespmem:$0x1090] =	vst v7;
	v10 =	vld [tilespmem:$0xB80]  }
.Ltmp0:
0x70: {  	v4 =	vld [tilespmem:$0x100];
	v5 =	vadd.s32 v0, v5;
	[tilespmem:$0x1080] =	vst v6;
	(pc) =	sbr.rel @p0 .LBB2_2-.Ltmp0, $4  }
0x71: {  	v6 =	vld [tilespmem:$0x80];
	v7 =	vadd.s32 v0, v9;
	[tilespmem:$0x1070] =	vst v5  }
0x72: {  	v8 =	vadd.s32 v0, v8;
	[tilespmem:$0x1060] =	vst v7;
	v7 =	vld [tilespmem:$0x780]  }
0x73: {  	v5 =	vld [tilespmem:$0x0];
	v9 =	vadd.s32 v0, v11;
	[tilespmem:$0x1050] =	vst v8  }
0x74: {  	[tilespmem:$0x1040] =	vst v9;
	v9 =	vadd.s32 v0, v10;
	v8 =	vld [tilespmem:$0xF00]  }
0x75: {  	[tilespmem:$0x1170] =	vst v9  }
0x76: {  	[tilespmem:$0x1160] =	vst v3  }
0x77: {  	v62 =	vld [tilespmem:$0xE80];
	[tilespmem:$0x11B0] =	vst v2;
	v1 =	vadd.s32 v0, v1  }
0x78: {  	v63 =	vld [tilespmem:$0x980];
	v2 =	vadd.s32 v0, v6;
	[tilespmem:$0x11A0] =	vst v1  }
0x79: {  	v3 =	vadd.s32 v0, v7;
	[tilespmem:$0x1010] =	vst v2  }
0x7a: {  	v1 =	vadd.s32 v0, v4;
	[tilespmem:$0x10F0] =	vst v3;
	v3 =	vld [tilespmem:$0xE00]  }
0x7b: {  	[tilespmem:$0x1020] =	vst v1;
	v2 =	vadd.s32 v0, v8  }
0x7c: {  	[tilespmem:$0x11E0] =	vst v2;
	v2 =	vadd.s32 v0, v62  }
0x7d: {  	[tilespmem:$0x11D0] =	vst v2;
	v2 =	vadd.s32 v0, v63  }
0x7e: {  	[tilespmem:$0x1130] =	vst v2;
	v2 =	vadd.s32 v0, v5  }
0x7f: {  	v1 =	vadd.s32 v0, v3;
	[tilespmem:$0x1000] =	vst v2  }
0x80: {  	[tilespmem:$0x11C0] =	vst v1  }
0x81: {  	[tilespmem:s10], [sflag:$0x1] =	stream.indirect.gather [hbm4b:s3+s8], $0x80, s9, s8, $0xb8;
	[tilespmem:$0x11200] =	vst v63  }
0x82: {  	_ = 	snop  }
0x83: {  	[tilespmem:s12], [sflag:$0x1] =	stream.indirect.gather [hbm4b:s3+s8], $0x80, s11, s8, $0xb8;
	[tilespmem:$0x11200] =	vst v63  }
0x84: {  	_ = 	snop  }
0x85: {  	[tilespmem:s14], [sflag:$0x1] =	stream.indirect.gather [hbm4b:s3+s8], $0x80, s13, s8, $0xb8;
	[tilespmem:$0x11200] =	vst v63  }
0x86: {  	_ = 	snop  }
0x87: {  	[tilespmem:s16], [sflag:$0x1] =	stream.indirect.gather [hbm4b:s3+s8], $0x80, s15, s8, $0xb8;
	[tilespmem:$0x11200] =	vst v63  }
0x88: {  	_ =	swait.ge [sflag:s17], $0x4000  }
0x89: {  	[sflag:s17] =	ssyncset.done $0x0  }
0x8a: {  	[sflag:s17] =	ssyncadd.s32 $0xFFFFC000  }
0x8b: {  	_ =	swait.ge [sflag:s17], $0x4000  }
0x8c: {  	[sflag:s17] =	ssyncset.done $0x0  }
0x8d: {  	[sflag:s17] =	ssyncadd.s32 $0xFFFFC000  }
0x8e: {  	_ =	swait.ge [sflag:s17], $0x4000  }
0x8f: {  	[sflag:s17] =	ssyncset.done $0x0  }
0x90: {  	[sflag:s17] =	ssyncadd.s32 $0xFFFFC000  }
0x91: {  	s18 =	sadd.s32 $0x1, s18;
	_ =	swait.ge [sflag:s17], $0x4000  }
0x92: {  	p0 =	sne.s32 s18, s4;
	[sflag:s17] =	ssyncset.done $0x0  }
.Ltmp1:
0x93: {  	[sflag:s17] =	ssyncadd.s32 $0xFFFFC000;
	(pc) =	sbr.rel @p0 .LBB2_1-.Ltmp1, $4  }
0x94: {  	[hbm4b:s19+s1] =	stream.linear.scatter [tilespmem:s10], [sflag:$0x2], $0x10000, $0x38;
	[tilespmem:$0x11200] =	vst v63  }
0x95: {  	_ =	swait.ge [sflag:s7], $0x10000  }
0x96: {  	[sflag:s7] =	ssyncset.done $0x0  }
0x97: {  	[sflag:s7] =	ssyncadd.s32 $0xFFFF0000  }
0x98: {  	_ =	sfence.sel $0x180000  }
0x99: {  	[bflag:$0x0] =	sbarrier.arrive $0xFFFF  }
0x9a: {  	p0 =	sne.s32 s2, $0x0;
	_ =	strace $0x9000004D  }
0x9b: {  	s0 =	sadd.s32 @!p0 $0x100000, s0;
	[bflag:$0x2] =	sbarrier.arrive $0xFFFF  }
0x9c: {  	[sflag:s0] =	ssyncadd.tile.s32 @!p0 $0x1;
	_ =	shalt  }
.Lfunc_end2:
_tile_overlayer_lowered:
.L_overlay_start_2:
0x9d: {  	(tag) =	ssettag $0x2  }
0x9e: {  	s0 =	rddreg [dreg:$0x0];
	s2 =	stileid.u32  }
0x9f: {  	s1 =	rddreg [dreg:$0x1];
	p0 =	sne.s32 s2, $0x0  }
0xa0: {  	s3 =	rddreg [dreg:$0x2];
	[bflag:$0x3] =	sbarrier.arrive $0xFFFF;
	s2 =	simm.s32 @!p0 $0x1C02  }
0xa1: {  	[timem:s3], [sflag:s2] =	dma.local @!p0 [hbm:s0], s1  }
0xa2: {  	s0 =	simm.s32 @!p0 $0x2  }
0xa3: {  	_ =	swait.ge @!p0 [sflag:s0], s1  }
0xa4: {  	s1 =	ssub.s32 @!p0 $0x0, s1;
	[sflag:s0] =	ssyncset.done @!p0 $0x0  }
0xa5: {  	[sflag:s0] =	ssyncadd.s32 @!p0 s1  }
0xa6: {  	[bflag:$0x3] =	sbarrier.arrive $0xFFFF  }
0xa7: {  	_ =	shalt  }

</sc_bundles>
